<compile_context>
chip_gen: v7x
topology: tpu7x:2x2x1
jax: 0.10.2.dev20260603
libtpu: 0.0.44.dev20260713+nightly
codegen_flags: <defaults>
</compile_context>

<pallas_src>
import functools

import jax
import jax.numpy as jnp
from jax import lax
from jax.experimental import pallas as pl
from jax.experimental.pallas import tpu as pltpu
from jax.experimental.pallas import tpu_sc as plsc

NC, NS, L = 2, 16, 16
NW = NC * NS

V = 50000
F = 100000
P = 4 * 512 * 512

V_PAD = 50176
F_PAD = 100352
CF = F_PAD // NS
CB = F_PAD // NW
NVT = V_PAD // NW
ZC = V_PAD // NS
CF2 = CF // 2
CP = 4096
NCH = P // (NW * CP)


def _vn_body(vx, vy, vz, f0, f1, f2, vnx, vny, vnz,
             nxs, nys, nzs,
             f0v, f1v, f2v,
             x0v, y0v, z0v, x1v, y1v, z1v, x2v, y2v, z2v,
             fxv, fyv, fzv,
             nvx, nvy, nvz,
             zb, sem):
    cid = lax.axis_index("c")
    sid = lax.axis_index("s")
    wid = sid * NC + cid

    zeros16 = jnp.zeros((L,), jnp.float32)

    def zero_body(i, c):
        zb[pl.ds(i * L, L)] = zeros16
        return c

    lax.fori_loop(0, ZC // L, zero_body, 0)
    pltpu.sync_copy(zb, nxs.at[pl.ds(sid * ZC, ZC)])
    pltpu.sync_copy(zb, nys.at[pl.ds(sid * ZC, ZC)])
    pltpu.sync_copy(zb, nzs.at[pl.ds(sid * ZC, ZC)])
    plsc.subcore_barrier()

    fb = sid * CF
    pltpu.sync_copy(f0.at[pl.ds(fb, CF)], f0v)
    pltpu.sync_copy(f1.at[pl.ds(fb, CF)], f1v)
    pltpu.sync_copy(f2.at[pl.ds(fb, CF)], f2v)

    copies = [
        pltpu.async_copy(vx.at[f0v], x0v, sem),
        pltpu.async_copy(vy.at[f0v], y0v, sem),
        pltpu.async_copy(vz.at[f0v], z0v, sem),
        pltpu.async_copy(vx.at[f1v], x1v, sem),
        pltpu.async_copy(vy.at[f1v], y1v, sem),
        pltpu.async_copy(vz.at[f1v], z1v, sem),
        pltpu.async_copy(vx.at[f2v], x2v, sem),
        pltpu.async_copy(vy.at[f2v], y2v, sem),
        pltpu.async_copy(vz.at[f2v], z2v, sem),
    ]
    for c in copies:
        c.wait()

    def cross_body(i, c):
        s = pl.ds(i * L, L)
        ax = x1v[s] - x0v[s]
        ay = y1v[s] - y0v[s]
        az = z1v[s] - z0v[s]
        bx = x2v[s] - x0v[s]
        by = y2v[s] - y0v[s]
        bz = z2v[s] - z0v[s]
        fxv[s] = ay * bz - az * by
        fyv[s] = az * bx - ax * bz
        fzv[s] = ax * by - ay * bx
        return c

    lax.fori_loop(0, CF // L, cross_body, 0)

    for fv in (f0v, f1v, f2v):
        pltpu.sync_copy(fxv, nxs.at[fv], add=True)
        pltpu.sync_copy(fyv, nys.at[fv], add=True)
        pltpu.sync_copy(fzv, nzs.at[fv], add=True)
    plsc.subcore_barrier()

    vb = wid * NVT
    pltpu.sync_copy(nxs.at[pl.ds(vb, NVT)], nvx)
    pltpu.sync_copy(nys.at[pl.ds(vb, NVT)], nvy)
    pltpu.sync_copy(nzs.at[pl.ds(vb, NVT)], nvz)
    pltpu.sync_copy(nvx, vnx.at[pl.ds(vb, NVT)])
    pltpu.sync_copy(nvy, vny.at[pl.ds(vb, NVT)])
    pltpu.sync_copy(nvz, vnz.at[pl.ds(vb, NVT)])


def _bc_body(vnx, vny, vnz, f0, f1, f2, pix, outf,
             f0v, f1v, f2v,
             x0v, y0v, z0v, x1v, y1v, z1v, x2v, y2v, z2v,
             sxv, syv, szv,
             snxs, snys, snzs, stg,
             pixv, gxv, gyv, gzv, ox0v, ox1v, ox2v, rowsv, sem):
    cid = lax.axis_index("c")
    sid = lax.axis_index("s")
    wid = sid * NC + cid

    for h in range(2):
        fb = sid * CF + h * CF2
        pltpu.sync_copy(f0.at[pl.ds(fb, CF2)], f0v)
        pltpu.sync_copy(f1.at[pl.ds(fb, CF2)], f1v)
        pltpu.sync_copy(f2.at[pl.ds(fb, CF2)], f2v)

        copies = [
            pltpu.async_copy(vnx.at[f0v], x0v, sem),
            pltpu.async_copy(vny.at[f0v], y0v, sem),
            pltpu.async_copy(vnz.at[f0v], z0v, sem),
            pltpu.async_copy(vnx.at[f1v], x1v, sem),
            pltpu.async_copy(vny.at[f1v], y1v, sem),
            pltpu.async_copy(vnz.at[f1v], z1v, sem),
            pltpu.async_copy(vnx.at[f2v], x2v, sem),
            pltpu.async_copy(vny.at[f2v], y2v, sem),
            pltpu.async_copy(vnz.at[f2v], z2v, sem),
        ]
        for c in copies:
            c.wait()

        def body(i, c):
            s = pl.ds(i * L, L)
            sxv[s] = x0v[s] + x1v[s] + x2v[s]
            syv[s] = y0v[s] + y1v[s] + y2v[s]
            szv[s] = z0v[s] + z1v[s] + z2v[s]
            return c

        lax.fori_loop(0, CF2 // L, body, 0)
        pltpu.sync_copy(sxv, snxs.at[pl.ds(fb, CF2)])
        pltpu.sync_copy(syv, snys.at[pl.ds(fb, CF2)])
        pltpu.sync_copy(szv, snzs.at[pl.ds(fb, CF2)])
    plsc.subcore_barrier()

    sb = sid * (CP * 3)
    iota3 = lax.iota(jnp.int32, L) * 3

    def ox_body(i, c):
        s = pl.ds(i * L, L)
        b = sb + i * (L * 3) + iota3
        ox0v[s] = b
        ox1v[s] = b + 1
        ox2v[s] = b + 2
        return c

    lax.fori_loop(0, CP // L, ox_body, 0)

    for k in range(NCH):
        g = wid * NCH + k
        pltpu.sync_copy(pix.at[pl.ds(g * CP, CP)], pixv)
        copies = [
            pltpu.async_copy(snxs.at[pixv], gxv, sem),
            pltpu.async_copy(snys.at[pixv], gyv, sem),
            pltpu.async_copy(snzs.at[pixv], gzv, sem),
        ]
        for c in copies:
            c.wait()
        scats = [
            pltpu.async_copy(gxv, stg.at[ox0v], sem),
            pltpu.async_copy(gyv, stg.at[ox1v], sem),
            pltpu.async_copy(gzv, stg.at[ox2v], sem),
        ]
        for c in scats:
            c.wait()
        pltpu.sync_copy(stg.at[pl.ds(sb, CP * 3)], rowsv)
        pltpu.sync_copy(rowsv, outf.at[pl.ds(g * CP * 3, CP * 3)])


def _norm_tc_body(nx, ny, nz, ox, oy, oz):
    x = nx[...]
    y = ny[...]
    z = nz[...]
    d = jnp.maximum(jnp.sqrt(x * x + y * y + z * z), 1e-6)
    ox[...] = x / d
    oy[...] = y / d
    oz[...] = z / d


def _build_calls():
    mesh = plsc.VectorSubcoreMesh(core_axis_name="c", subcore_axis_name="s",
                                  num_cores=NC, num_subcores=NS)
    f32, i32 = jnp.float32, jnp.int32
    vn_call = pl.kernel(
        _vn_body, mesh=mesh,
        out_type=[jax.ShapeDtypeStruct((V_PAD,), f32)] * 3,
        scratch_types=(
            [pltpu.VMEM_SHARED((V_PAD,), f32)] * 3
            + [pltpu.VMEM((CF,), i32)] * 3
            + [pltpu.VMEM((CF,), f32)] * 12
            + [pltpu.VMEM((NVT,), f32)] * 3
            + [pltpu.VMEM((ZC,), f32), pltpu.SemaphoreType.DMA]
        ),
    )
    norm_call = pl.pallas_call(
        _norm_tc_body,
        out_shape=[jax.ShapeDtypeStruct((V_PAD // 128, 128), f32)] * 3,
    )
    bc_call = pl.kernel(
        _bc_body, mesh=mesh,
        out_type=[jax.ShapeDtypeStruct((P * 3,), f32)],
        scratch_types=(
            [pltpu.VMEM((CF2,), i32)] * 3
            + [pltpu.VMEM((CF2,), f32)] * 12
            + [pltpu.VMEM_SHARED((F_PAD,), f32)] * 3
            + [pltpu.VMEM_SHARED((NS * CP * 3,), f32)]
            + [pltpu.VMEM((CP,), i32)]
            + [pltpu.VMEM((CP,), f32)] * 3
            + [pltpu.VMEM((CP,), i32)] * 3
            + [pltpu.VMEM((CP * 3,), f32)]
            + [pltpu.SemaphoreType.DMA]
        ),
    )
    return vn_call, norm_call, bc_call


def kernel(verts, faces, pix_to_face, bary_coords):
    del bary_coords
    n, h, w, k = pix_to_face.shape
    assert verts.shape == (V, 3) and faces.shape == (F, 3)
    assert n * h * w * k == P
    i32 = jnp.int32

    vx = verts[:, 0]
    vy = verts[:, 1]
    vz = verts[:, 2]
    fc = faces.astype(i32)
    zpad = jnp.zeros((F_PAD - F,), i32)
    f0 = jnp.concatenate([fc[:, 0], zpad])
    f1 = jnp.concatenate([fc[:, 1], zpad])
    f2 = jnp.concatenate([fc[:, 2], zpad])
    pix = pix_to_face.reshape(-1).astype(i32)

    vn_call, norm_call, bc_call = _build_calls()
    snx, sny, snz = vn_call(vx, vy, vz, f0, f1, f2)
    r2 = (V_PAD // 128, 128)
    vnx, vny, vnz = norm_call(snx.reshape(r2), sny.reshape(r2),
                              snz.reshape(r2))
    vnx = vnx.reshape(V_PAD)
    vny = vny.reshape(V_PAD)
    vnz = vnz.reshape(V_PAD)
    (outf,) = bc_call(vnx, vny, vnz, f0, f1, f2, pix)
    return outf.reshape(n, h, w, k, 3)

# --- scband reference (transcript-rebuilt; emitter-appended) ---
"""Pipeline reference for scband-normal-shader-16724602651320 (READ-ONLY COPY).

The authoritative reference and input builder live on the scoring server;
editing this copy changes nothing except your own understanding.
"""

import jax, jax.numpy as jnp
import numpy as np


def setup_inputs(seed: int = 0) -> dict:
    key = jax.random.key(seed)
    k1, k2, k3, k4 = jax.random.split(key, 4)
    V, F = 50000, 100000
    verts = jax.random.normal(k1, (V, 3), dtype=jnp.float32)
    faces = jax.random.randint(k2, (F, 3), 0, V, dtype=jnp.int64)
    pix_to_face = jax.random.randint(k3, (4, 512, 512, 1), 0, F, dtype=jnp.int64)
    bary_coords = jax.random.uniform(k4, (4, 512, 512, 1, 3), dtype=jnp.float32)
    return {"verts": verts, "faces": faces, "pix_to_face": pix_to_face, "bary_coords": bary_coords}


def _verts_normals_packed(verts, faces):
    # pytorch3d _compute_vertex_normals: area-weighted face normals scatter-added to vertices
    vf = verts[faces]  # (F, 3, 3) gather
    v0, v1, v2 = vf[:, 0], vf[:, 1], vf[:, 2]
    n = jnp.zeros_like(verts)
    n = n.at[faces[:, 1]].add(jnp.cross(v2 - v1, v0 - v1))
    n = n.at[faces[:, 2]].add(jnp.cross(v0 - v2, v1 - v2))
    n = n.at[faces[:, 0]].add(jnp.cross(v1 - v0, v2 - v0))
    norm = jnp.linalg.norm(n, axis=1, keepdims=True)
    return n / jnp.maximum(norm, 1e-6)


def _interpolate_face_attributes(pix_to_face, barycentric_coords, face_attributes):
    # pix_to_face: (N,H,W,K); bary: (N,H,W,K,3); face_attributes: (F,3,D)
    mask = pix_to_face < 0
    pix = jnp.where(mask, 0, pix_to_face)
    attrs = face_attributes[pix]                 # (N,H,W,K,3,D) gather
    w = jnp.where(mask[..., None], 0.0, barycentric_coords)
    return jnp.sum(w[..., None] * attrs, axis=-2)  # (N,H,W,K,D)


def reference(verts, faces, pix_to_face, bary_coords):
    vertex_normals = _verts_normals_packed(verts, faces)
    faces_normals = vertex_normals[faces]        # (F, 3, 3)
    ones = jnp.ones_like(bary_coords)
    pixel_normals = _interpolate_face_attributes(pix_to_face, ones, faces_normals)
    return pixel_normals

if __name__ == "__main__":
    import jax
    _d = setup_inputs()
    print(jax.jit(kernel)(*tuple(_d.values())))

</pallas_src>

<mosaic_0001>
#map = affine_map<(d0, d1) -> (0)>
module attributes {stable_mosaic.version = 14 : i64} {
  func.func @_bc_body(%arg0: i32, %arg1: i32, %arg2: memref<50176xf32, #tpu.memory_space<hbm>>, %arg3: memref<50176xf32, #tpu.memory_space<hbm>>, %arg4: memref<50176xf32, #tpu.memory_space<hbm>>, %arg5: memref<100352xi32, #tpu.memory_space<hbm>>, %arg6: memref<100352xi32, #tpu.memory_space<hbm>>, %arg7: memref<100352xi32, #tpu.memory_space<hbm>>, %arg8: memref<1048576xi32, #tpu.memory_space<hbm>>, %arg9: memref<3145728xf32, #tpu.memory_space<hbm>>, %arg10: memref<3136xi32, #tpu.memory_space<vmem>>, %arg11: memref<3136xi32, #tpu.memory_space<vmem>>, %arg12: memref<3136xi32, #tpu.memory_space<vmem>>, %arg13: memref<3136xf32, #tpu.memory_space<vmem>>, %arg14: memref<3136xf32, #tpu.memory_space<vmem>>, %arg15: memref<3136xf32, #tpu.memory_space<vmem>>, %arg16: memref<3136xf32, #tpu.memory_space<vmem>>, %arg17: memref<3136xf32, #tpu.memory_space<vmem>>, %arg18: memref<3136xf32, #tpu.memory_space<vmem>>, %arg19: memref<3136xf32, #tpu.memory_space<vmem>>, %arg20: memref<3136xf32, #tpu.memory_space<vmem>>, %arg21: memref<3136xf32, #tpu.memory_space<vmem>>, %arg22: memref<3136xf32, #tpu.memory_space<vmem>>, %arg23: memref<3136xf32, #tpu.memory_space<vmem>>, %arg24: memref<3136xf32, #tpu.memory_space<vmem>>, %arg25: memref<100352xf32, #tpu.memory_space<vmem_shared>>, %arg26: memref<100352xf32, #tpu.memory_space<vmem_shared>>, %arg27: memref<100352xf32, #tpu.memory_space<vmem_shared>>, %arg28: memref<196608xf32, #tpu.memory_space<vmem_shared>>, %arg29: memref<4096xi32, #tpu.memory_space<vmem>>, %arg30: memref<4096xf32, #tpu.memory_space<vmem>>, %arg31: memref<4096xf32, #tpu.memory_space<vmem>>, %arg32: memref<4096xf32, #tpu.memory_space<vmem>>, %arg33: memref<4096xi32, #tpu.memory_space<vmem>>, %arg34: memref<4096xi32, #tpu.memory_space<vmem>>, %arg35: memref<4096xi32, #tpu.memory_space<vmem>>, %arg36: memref<12288xf32, #tpu.memory_space<vmem>>, %arg37: memref<!tpu.dma_semaphore, #tpu.memory_space<semaphore_mem>>) attributes {dimension_semantics = [#tpu.dimension_semantics<core_parallel>, #tpu.dimension_semantics<subcore_parallel>], iteration_bounds = array<i64: 2, 16>, scalar_prefetch = 0 : i64, scratch_operands = 28 : i64, tpu.core_type = #tpu.core_type<sc_vector_subcore>, window_params = [{transform_indices = #map}, {transform_indices = #map}, {transform_indices = #map}, {transform_indices = #map}, {transform_indices = #map}, {transform_indices = #map}, {transform_indices = #map}, {transform_indices = #map}]} {
    %mul3A = arith.constant 2 : i32
    %mul3A_0 = arith.muli %arg1, %mul3A : i32
    %add3A = arith.addi %mul3A_0, %arg0 : i32
    %mul3A_1 = arith.constant 6272 : i32
    %mul3A_2 = arith.muli %arg1, %mul3A_1 : i32
    %add3A_3 = arith.constant 0 : i32
    %add3A_4 = arith.addi %mul3A_2, %add3A_3 : i32
    "tpu.region"() ({
      %run_scoped3A = tpu.sem_alloc : memref<!tpu.dma_semaphore, #tpu.memory_space<semaphore_mem>>
      %dma_start3A_373 = tpu.memref_slice %arg5[%add3A_4] : memref<100352xi32, #tpu.memory_space<hbm>> -> memref<3136xi32, #tpu.memory_space<hbm>>
      %dma_start3A_374 = tpu.memref_slice %arg5[%add3A_4] : memref<100352xi32, #tpu.memory_space<hbm>> -> memref<3136xi32, #tpu.memory_space<hbm>>
      tpu.enqueue_dma source(%dma_start3A_374 : memref<3136xi32, #tpu.memory_space<hbm>>) target(%arg10 : memref<3136xi32, #tpu.memory_space<vmem>>) target_semaphore(%run_scoped3A : memref<!tpu.dma_semaphore, #tpu.memory_space<semaphore_mem>>)
      %dma_wait3A_375 = tpu.memref_slice %arg5[%add3A_4] : memref<100352xi32, #tpu.memory_space<hbm>> -> memref<3136xi32, #tpu.memory_space<hbm>>
      %dma_wait3A_376 = tpu.memref_slice %arg5[%add3A_4] : memref<100352xi32, #tpu.memory_space<hbm>> -> memref<3136xi32, #tpu.memory_space<hbm>>
      tpu.wait_dma2 semaphore(%run_scoped3A : memref<!tpu.dma_semaphore, #tpu.memory_space<semaphore_mem>>) src(%dma_wait3A_376 : memref<3136xi32, #tpu.memory_space<hbm>>) dst(%arg10 : memref<3136xi32, #tpu.memory_space<vmem>>)
      tpu.yield
    }) : () -> ()
    "tpu.region"() ({
      %run_scoped3A = tpu.sem_alloc : memref<!tpu.dma_semaphore, #tpu.memory_space<semaphore_mem>>
      %dma_start3A_373 = tpu.memref_slice %arg6[%add3A_4] : memref<100352xi32, #tpu.memory_space<hbm>> -> memref<3136xi32, #tpu.memory_space<hbm>>
      %dma_start3A_374 = tpu.memref_slice %arg6[%add3A_4] : memref<100352xi32, #tpu.memory_space<hbm>> -> memref<3136xi32, #tpu.memory_space<hbm>>
      tpu.enqueue_dma source(%dma_start3A_374 : memref<3136xi32, #tpu.memory_space<hbm>>) target(%arg11 : memref<3136xi32, #tpu.memory_space<vmem>>) target_semaphore(%run_scoped3A : memref<!tpu.dma_semaphore, #tpu.memory_space<semaphore_mem>>)
      %dma_wait3A_375 = tpu.memref_slice %arg6[%add3A_4] : memref<100352xi32, #tpu.memory_space<hbm>> -> memref<3136xi32, #tpu.memory_space<hbm>>
      %dma_wait3A_376 = tpu.memref_slice %arg6[%add3A_4] : memref<100352xi32, #tpu.memory_space<hbm>> -> memref<3136xi32, #tpu.memory_space<hbm>>
      tpu.wait_dma2 semaphore(%run_scoped3A : memref<!tpu.dma_semaphore, #tpu.memory_space<semaphore_mem>>) src(%dma_wait3A_376 : memref<3136xi32, #tpu.memory_space<hbm>>) dst(%arg11 : memref<3136xi32, #tpu.memory_space<vmem>>)
      tpu.yield
    }) : () -> ()
    "tpu.region"() ({
      %run_scoped3A = tpu.sem_alloc : memref<!tpu.dma_semaphore, #tpu.memory_space<semaphore_mem>>
      %dma_start3A_373 = tpu.memref_slice %arg7[%add3A_4] : memref<100352xi32, #tpu.memory_space<hbm>> -> memref<3136xi32, #tpu.memory_space<hbm>>
      %dma_start3A_374 = tpu.memref_slice %arg7[%add3A_4] : memref<100352xi32, #tpu.memory_space<hbm>> -> memref<3136xi32, #tpu.memory_space<hbm>>
      tpu.enqueue_dma source(%dma_start3A_374 : memref<3136xi32, #tpu.memory_space<hbm>>) target(%arg12 : memref<3136xi32, #tpu.memory_space<vmem>>) target_semaphore(%run_scoped3A : memref<!tpu.dma_semaphore, #tpu.memory_space<semaphore_mem>>)
      %dma_wait3A_375 = tpu.memref_slice %arg7[%add3A_4] : memref<100352xi32, #tpu.memory_space<hbm>> -> memref<3136xi32, #tpu.memory_space<hbm>>
      %dma_wait3A_376 = tpu.memref_slice %arg7[%add3A_4] : memref<100352xi32, #tpu.memory_space<hbm>> -> memref<3136xi32, #tpu.memory_space<hbm>>
      tpu.wait_dma2 semaphore(%run_scoped3A : memref<!tpu.dma_semaphore, #tpu.memory_space<semaphore_mem>>) src(%dma_wait3A_376 : memref<3136xi32, #tpu.memory_space<hbm>>) dst(%arg12 : memref<3136xi32, #tpu.memory_space<vmem>>)
      tpu.yield
    }) : () -> ()
    %dma_start3A = arith.constant 0 : i32
    %dma_start3A_5 = tpu.memref_slice %arg2[%dma_start3A] : memref<50176xf32, #tpu.memory_space<hbm>> -> memref<50176xf32, #tpu.memory_space<hbm>>
    tpu.enqueue_indirect_dma source(%dma_start3A_5 : memref<50176xf32, #tpu.memory_space<hbm>>) target(%arg13 : memref<3136xf32, #tpu.memory_space<vmem>>) offsets(%arg10 : memref<3136xi32, #tpu.memory_space<vmem>>) semaphore(%arg37 : memref<!tpu.dma_semaphore, #tpu.memory_space<semaphore_mem>>)
    %dma_start3A_6 = arith.constant 0 : i32
    %dma_start3A_7 = tpu.memref_slice %arg3[%dma_start3A_6] : memref<50176xf32, #tpu.memory_space<hbm>> -> memref<50176xf32, #tpu.memory_space<hbm>>
    tpu.enqueue_indirect_dma source(%dma_start3A_7 : memref<50176xf32, #tpu.memory_space<hbm>>) target(%arg14 : memref<3136xf32, #tpu.memory_space<vmem>>) offsets(%arg10 : memref<3136xi32, #tpu.memory_space<vmem>>) semaphore(%arg37 : memref<!tpu.dma_semaphore, #tpu.memory_space<semaphore_mem>>)
    %dma_start3A_8 = arith.constant 0 : i32
    %dma_start3A_9 = tpu.memref_slice %arg4[%dma_start3A_8] : memref<50176xf32, #tpu.memory_space<hbm>> -> memref<50176xf32, #tpu.memory_space<hbm>>
    tpu.enqueue_indirect_dma source(%dma_start3A_9 : memref<50176xf32, #tpu.memory_space<hbm>>) target(%arg15 : memref<3136xf32, #tpu.memory_space<vmem>>) offsets(%arg10 : memref<3136xi32, #tpu.memory_space<vmem>>) semaphore(%arg37 : memref<!tpu.dma_semaphore, #tpu.memory_space<semaphore_mem>>)
    %dma_start3A_10 = arith.constant 0 : i32
    %dma_start3A_11 = tpu.memref_slice %arg2[%dma_start3A_10] : memref<50176xf32, #tpu.memory_space<hbm>> -> memref<50176xf32, #tpu.memory_space<hbm>>
    tpu.enqueue_indirect_dma source(%dma_start3A_11 : memref<50176xf32, #tpu.memory_space<hbm>>) target(%arg16 : memref<3136xf32, #tpu.memory_space<vmem>>) offsets(%arg11 : memref<3136xi32, #tpu.memory_space<vmem>>) semaphore(%arg37 : memref<!tpu.dma_semaphore, #tpu.memory_space<semaphore_mem>>)
    %dma_start3A_12 = arith.constant 0 : i32
    %dma_start3A_13 = tpu.memref_slice %arg3[%dma_start3A_12] : memref<50176xf32, #tpu.memory_space<hbm>> -> memref<50176xf32, #tpu.memory_space<hbm>>
    tpu.enqueue_indirect_dma source(%dma_start3A_13 : memref<50176xf32, #tpu.memory_space<hbm>>) target(%arg17 : memref<3136xf32, #tpu.memory_space<vmem>>) offsets(%arg11 : memref<3136xi32, #tpu.memory_space<vmem>>) semaphore(%arg37 : memref<!tpu.dma_semaphore, #tpu.memory_space<semaphore_mem>>)
    %dma_start3A_14 = arith.constant 0 : i32
    %dma_start3A_15 = tpu.memref_slice %arg4[%dma_start3A_14] : memref<50176xf32, #tpu.memory_space<hbm>> -> memref<50176xf32, #tpu.memory_space<hbm>>
    tpu.enqueue_indirect_dma source(%dma_start3A_15 : memref<50176xf32, #tpu.memory_space<hbm>>) target(%arg18 : memref<3136xf32, #tpu.memory_space<vmem>>) offsets(%arg11 : memref<3136xi32, #tpu.memory_space<vmem>>) semaphore(%arg37 : memref<!tpu.dma_semaphore, #tpu.memory_space<semaphore_mem>>)
    %dma_start3A_16 = arith.constant 0 : i32
    %dma_start3A_17 = tpu.memref_slice %arg2[%dma_start3A_16] : memref<50176xf32, #tpu.memory_space<hbm>> -> memref<50176xf32, #tpu.memory_space<hbm>>
    tpu.enqueue_indirect_dma source(%dma_start3A_17 : memref<50176xf32, #tpu.memory_space<hbm>>) target(%arg19 : memref<3136xf32, #tpu.memory_space<vmem>>) offsets(%arg12 : memref<3136xi32, #tpu.memory_space<vmem>>) semaphore(%arg37 : memref<!tpu.dma_semaphore, #tpu.memory_space<semaphore_mem>>)
    %dma_start3A_18 = arith.constant 0 : i32
    %dma_start3A_19 = tpu.memref_slice %arg3[%dma_start3A_18] : memref<50176xf32, #tpu.memory_space<hbm>> -> memref<50176xf32, #tpu.memory_space<hbm>>
    tpu.enqueue_indirect_dma source(%dma_start3A_19 : memref<50176xf32, #tpu.memory_space<hbm>>) target(%arg20 : memref<3136xf32, #tpu.memory_space<vmem>>) offsets(%arg12 : memref<3136xi32, #tpu.memory_space<vmem>>) semaphore(%arg37 : memref<!tpu.dma_semaphore, #tpu.memory_space<semaphore_mem>>)
    %dma_start3A_20 = arith.constant 0 : i32
    %dma_start3A_21 = tpu.memref_slice %arg4[%dma_start3A_20] : memref<50176xf32, #tpu.memory_space<hbm>> -> memref<50176xf32, #tpu.memory_space<hbm>>
    tpu.enqueue_indirect_dma source(%dma_start3A_21 : memref<50176xf32, #tpu.memory_space<hbm>>) target(%arg21 : memref<3136xf32, #tpu.memory_space<vmem>>) offsets(%arg12 : memref<3136xi32, #tpu.memory_space<vmem>>) semaphore(%arg37 : memref<!tpu.dma_semaphore, #tpu.memory_space<semaphore_mem>>)
    %dma_wait3A = arith.constant 0 : i32
    %dma_wait3A_22 = tpu.memref_slice %arg2[%dma_wait3A] : memref<50176xf32, #tpu.memory_space<hbm>> -> memref<50176xf32, #tpu.memory_space<hbm>>
    tpu.wait_indirect_dma semaphore(%arg37 : memref<!tpu.dma_semaphore, #tpu.memory_space<semaphore_mem>>) src(%dma_wait3A_22 : memref<50176xf32, #tpu.memory_space<hbm>>) dst(%arg13 : memref<3136xf32, #tpu.memory_space<vmem>>)
    %dma_wait3A_23 = arith.constant 0 : i32
    %dma_wait3A_24 = tpu.memref_slice %arg3[%dma_wait3A_23] : memref<50176xf32, #tpu.memory_space<hbm>> -> memref<50176xf32, #tpu.memory_space<hbm>>
    tpu.wait_indirect_dma semaphore(%arg37 : memref<!tpu.dma_semaphore, #tpu.memory_space<semaphore_mem>>) src(%dma_wait3A_24 : memref<50176xf32, #tpu.memory_space<hbm>>) dst(%arg14 : memref<3136xf32, #tpu.memory_space<vmem>>)
    %dma_wait3A_25 = arith.constant 0 : i32
    %dma_wait3A_26 = tpu.memref_slice %arg4[%dma_wait3A_25] : memref<50176xf32, #tpu.memory_space<hbm>> -> memref<50176xf32, #tpu.memory_space<hbm>>
    tpu.wait_indirect_dma semaphore(%arg37 : memref<!tpu.dma_semaphore, #tpu.memory_space<semaphore_mem>>) src(%dma_wait3A_26 : memref<50176xf32, #tpu.memory_space<hbm>>) dst(%arg15 : memref<3136xf32, #tpu.memory_space<vmem>>)
    %dma_wait3A_27 = arith.constant 0 : i32
    %dma_wait3A_28 = tpu.memref_slice %arg2[%dma_wait3A_27] : memref<50176xf32, #tpu.memory_space<hbm>> -> memref<50176xf32, #tpu.memory_space<hbm>>
    tpu.wait_indirect_dma semaphore(%arg37 : memref<!tpu.dma_semaphore, #tpu.memory_space<semaphore_mem>>) src(%dma_wait3A_28 : memref<50176xf32, #tpu.memory_space<hbm>>) dst(%arg16 : memref<3136xf32, #tpu.memory_space<vmem>>)
    %dma_wait3A_29 = arith.constant 0 : i32
    %dma_wait3A_30 = tpu.memref_slice %arg3[%dma_wait3A_29] : memref<50176xf32, #tpu.memory_space<hbm>> -> memref<50176xf32, #tpu.memory_space<hbm>>
    tpu.wait_indirect_dma semaphore(%arg37 : memref<!tpu.dma_semaphore, #tpu.memory_space<semaphore_mem>>) src(%dma_wait3A_30 : memref<50176xf32, #tpu.memory_space<hbm>>) dst(%arg17 : memref<3136xf32, #tpu.memory_space<vmem>>)
    %dma_wait3A_31 = arith.constant 0 : i32
    %dma_wait3A_32 = tpu.memref_slice %arg4[%dma_wait3A_31] : memref<50176xf32, #tpu.memory_space<hbm>> -> memref<50176xf32, #tpu.memory_space<hbm>>
    tpu.wait_indirect_dma semaphore(%arg37 : memref<!tpu.dma_semaphore, #tpu.memory_space<semaphore_mem>>) src(%dma_wait3A_32 : memref<50176xf32, #tpu.memory_space<hbm>>) dst(%arg18 : memref<3136xf32, #tpu.memory_space<vmem>>)
    %dma_wait3A_33 = arith.constant 0 : i32
    %dma_wait3A_34 = tpu.memref_slice %arg2[%dma_wait3A_33] : memref<50176xf32, #tpu.memory_space<hbm>> -> memref<50176xf32, #tpu.memory_space<hbm>>
    tpu.wait_indirect_dma semaphore(%arg37 : memref<!tpu.dma_semaphore, #tpu.memory_space<semaphore_mem>>) src(%dma_wait3A_34 : memref<50176xf32, #tpu.memory_space<hbm>>) dst(%arg19 : memref<3136xf32, #tpu.memory_space<vmem>>)
    %dma_wait3A_35 = arith.constant 0 : i32
    %dma_wait3A_36 = tpu.memref_slice %arg3[%dma_wait3A_35] : memref<50176xf32, #tpu.memory_space<hbm>> -> memref<50176xf32, #tpu.memory_space<hbm>>
    tpu.wait_indirect_dma semaphore(%arg37 : memref<!tpu.dma_semaphore, #tpu.memory_space<semaphore_mem>>) src(%dma_wait3A_36 : memref<50176xf32, #tpu.memory_space<hbm>>) dst(%arg20 : memref<3136xf32, #tpu.memory_space<vmem>>)
    %dma_wait3A_37 = arith.constant 0 : i32
    %dma_wait3A_38 = tpu.memref_slice %arg4[%dma_wait3A_37] : memref<50176xf32, #tpu.memory_space<hbm>> -> memref<50176xf32, #tpu.memory_space<hbm>>
    tpu.wait_indirect_dma semaphore(%arg37 : memref<!tpu.dma_semaphore, #tpu.memory_space<semaphore_mem>>) src(%dma_wait3A_38 : memref<50176xf32, #tpu.memory_space<hbm>>) dst(%arg21 : memref<3136xf32, #tpu.memory_space<vmem>>)
    %scan3A = arith.constant 0 : i32
    %scan3A_39 = arith.constant 0 : i32
    %scan3A_40 = arith.constant 196 : i32
    %scan3A_41 = arith.addi %scan3A_39, %scan3A_40 : i32
    %scan3A_42 = arith.constant 1 : i32
    scf.for %scan3A_373 = %scan3A_39 to %scan3A_41 step %scan3A_42  : i32 {
      %mul3A_374 = arith.constant 16 : i32
      %mul3A_375 = arith.muli %scan3A_373, %mul3A_374 : i32
      %get3A = arith.index_cast %mul3A_375 : i32 to index
      %get3A_376 = tpu.vector_load %arg13[%get3A] {strides = array<i32>} : memref<3136xf32, #tpu.memory_space<vmem>>, vector<16xf32>,
      %get3A_377 = vector.shape_cast %get3A_376 : vector<16xf32> to vector<16xf32>
      %get3A_378 = arith.index_cast %mul3A_375 : i32 to index
      %get3A_379 = tpu.vector_load %arg16[%get3A_378] {strides = array<i32>} : memref<3136xf32, #tpu.memory_space<vmem>>, vector<16xf32>,
      %get3A_380 = vector.shape_cast %get3A_379 : vector<16xf32> to vector<16xf32>
      %add3A_381 = arith.addf %get3A_377, %get3A_380 : vector<16xf32>
      %get3A_382 = arith.index_cast %mul3A_375 : i32 to index
      %get3A_383 = tpu.vector_load %arg19[%get3A_382] {strides = array<i32>} : memref<3136xf32, #tpu.memory_space<vmem>>, vector<16xf32>,
      %get3A_384 = vector.shape_cast %get3A_383 : vector<16xf32> to vector<16xf32>
      %add3A_385 = arith.addf %add3A_381, %get3A_384 : vector<16xf32>
      %swap3A = arith.index_cast %mul3A_375 : i32 to index
      %swap3A_386 = tpu.vector_load %arg22[%swap3A] {strides = array<i32>} : memref<3136xf32, #tpu.memory_space<vmem>>, vector<16xf32>,
      %swap3A_387 = vector.shape_cast %swap3A_386 : vector<16xf32> to vector<16xf32>
      %swap3A_388 = vector.shape_cast %add3A_385 : vector<16xf32> to vector<16xf32>
      tpu.vector_store %arg22[%swap3A], %swap3A_388 {strides = array<i32>} : memref<3136xf32, #tpu.memory_space<vmem>>, vector<16xf32>,
      %get3A_389 = arith.index_cast %mul3A_375 : i32 to index
      %get3A_390 = tpu.vector_load %arg14[%get3A_389] {strides = array<i32>} : memref<3136xf32, #tpu.memory_space<vmem>>, vector<16xf32>,
      %get3A_391 = vector.shape_cast %get3A_390 : vector<16xf32> to vector<16xf32>
      %get3A_392 = arith.index_cast %mul3A_375 : i32 to index
      %get3A_393 = tpu.vector_load %arg17[%get3A_392] {strides = array<i32>} : memref<3136xf32, #tpu.memory_space<vmem>>, vector<16xf32>,
      %get3A_394 = vector.shape_cast %get3A_393 : vector<16xf32> to vector<16xf32>
      %add3A_395 = arith.addf %get3A_391, %get3A_394 : vector<16xf32>
      %get3A_396 = arith.index_cast %mul3A_375 : i32 to index
      %get3A_397 = tpu.vector_load %arg20[%get3A_396] {strides = array<i32>} : memref<3136xf32, #tpu.memory_space<vmem>>, vector<16xf32>,
      %get3A_398 = vector.shape_cast %get3A_397 : vector<16xf32> to vector<16xf32>
      %add3A_399 = arith.addf %add3A_395, %get3A_398 : vector<16xf32>
      %swap3A_400 = arith.index_cast %mul3A_375 : i32 to index
      %swap3A_401 = tpu.vector_load %arg23[%swap3A_400] {strides = array<i32>} : memref<3136xf32, #tpu.memory_space<vmem>>, vector<16xf32>,
      %swap3A_402 = vector.shape_cast %swap3A_401 : vector<16xf32> to vector<16xf32>
      %swap3A_403 = vector.shape_cast %add3A_399 : vector<16xf32> to vector<16xf32>
      tpu.vector_store %arg23[%swap3A_400], %swap3A_403 {strides = array<i32>} : memref<3136xf32, #tpu.memory_space<vmem>>, vector<16xf32>,
      %get3A_404 = arith.index_cast %mul3A_375 : i32 to index
      %get3A_405 = tpu.vector_load %arg15[%get3A_404] {strides = array<i32>} : memref<3136xf32, #tpu.memory_space<vmem>>, vector<16xf32>,
      %get3A_406 = vector.shape_cast %get3A_405 : vector<16xf32> to vector<16xf32>
      %get3A_407 = arith.index_cast %mul3A_375 : i32 to index
      %get3A_408 = tpu.vector_load %arg18[%get3A_407] {strides = array<i32>} : memref<3136xf32, #tpu.memory_space<vmem>>, vector<16xf32>,
      %get3A_409 = vector.shape_cast %get3A_408 : vector<16xf32> to vector<16xf32>
      %add3A_410 = arith.addf %get3A_406, %get3A_409 : vector<16xf32>
      %get3A_411 = arith.index_cast %mul3A_375 : i32 to index
      %get3A_412 = tpu.vector_load %arg21[%get3A_411] {strides = array<i32>} : memref<3136xf32, #tpu.memory_space<vmem>>, vector<16xf32>,
      %get3A_413 = vector.shape_cast %get3A_412 : vector<16xf32> to vector<16xf32>
      %add3A_414 = arith.addf %add3A_410, %get3A_413 : vector<16xf32>
      %swap3A_415 = arith.index_cast %mul3A_375 : i32 to index
      %swap3A_416 = tpu.vector_load %arg24[%swap3A_415] {strides = array<i32>} : memref<3136xf32, #tpu.memory_space<vmem>>, vector<16xf32>,
      %swap3A_417 = vector.shape_cast %swap3A_416 : vector<16xf32> to vector<16xf32>
      %swap3A_418 = vector.shape_cast %add3A_414 : vector<16xf32> to vector<16xf32>
      tpu.vector_store %arg24[%swap3A_415], %swap3A_418 {strides = array<i32>} : memref<3136xf32, #tpu.memory_space<vmem>>, vector<16xf32>,
    }
    %scan3A_43 = arith.constant 196 : i32
    "tpu.region"() ({
      %run_scoped3A = tpu.sem_alloc : memref<!tpu.dma_semaphore, #tpu.memory_space<semaphore_mem>>
      %dma_start3A_373 = tpu.memref_slice %arg25[%add3A_4] : memref<100352xf32, #tpu.memory_space<vmem_shared>> -> memref<3136xf32, #tpu.memory_space<vmem_shared>>
      %dma_start3A_374 = tpu.memref_slice %arg25[%add3A_4] : memref<100352xf32, #tpu.memory_space<vmem_shared>> -> memref<3136xf32, #tpu.memory_space<vmem_shared>>
      tpu.enqueue_dma source(%arg22 : memref<3136xf32, #tpu.memory_space<vmem>>) target(%dma_start3A_374 : memref<3136xf32, #tpu.memory_space<vmem_shared>>) target_semaphore(%run_scoped3A : memref<!tpu.dma_semaphore, #tpu.memory_space<semaphore_mem>>)
      %dma_wait3A_375 = tpu.memref_slice %arg25[%add3A_4] : memref<100352xf32, #tpu.memory_space<vmem_shared>> -> memref<3136xf32, #tpu.memory_space<vmem_shared>>
      %dma_wait3A_376 = tpu.memref_slice %arg25[%add3A_4] : memref<100352xf32, #tpu.memory_space<vmem_shared>> -> memref<3136xf32, #tpu.memory_space<vmem_shared>>
      tpu.wait_dma2 semaphore(%run_scoped3A : memref<!tpu.dma_semaphore, #tpu.memory_space<semaphore_mem>>) src(%arg22 : memref<3136xf32, #tpu.memory_space<vmem>>) dst(%dma_wait3A_376 : memref<3136xf32, #tpu.memory_space<vmem_shared>>)
      tpu.yield
    }) : () -> ()
    "tpu.region"() ({
      %run_scoped3A = tpu.sem_alloc : memref<!tpu.dma_semaphore, #tpu.memory_space<semaphore_mem>>
      %dma_start3A_373 = tpu.memref_slice %arg26[%add3A_4] : memref<100352xf32, #tpu.memory_space<vmem_shared>> -> memref<3136xf32, #tpu.memory_space<vmem_shared>>
      %dma_start3A_374 = tpu.memref_slice %arg26[%add3A_4] : memref<100352xf32, #tpu.memory_space<vmem_shared>> -> memref<3136xf32, #tpu.memory_space<vmem_shared>>
      tpu.enqueue_dma source(%arg23 : memref<3136xf32, #tpu.memory_space<vmem>>) target(%dma_start3A_374 : memref<3136xf32, #tpu.memory_space<vmem_shared>>) target_semaphore(%run_scoped3A : memref<!tpu.dma_semaphore, #tpu.memory_space<semaphore_mem>>)
      %dma_wait3A_375 = tpu.memref_slice %arg26[%add3A_4] : memref<100352xf32, #tpu.memory_space<vmem_shared>> -> memref<3136xf32, #tpu.memory_space<vmem_shared>>
      %dma_wait3A_376 = tpu.memref_slice %arg26[%add3A_4] : memref<100352xf32, #tpu.memory_space<vmem_shared>> -> memref<3136xf32, #tpu.memory_space<vmem_shared>>
      tpu.wait_dma2 semaphore(%run_scoped3A : memref<!tpu.dma_semaphore, #tpu.memory_space<semaphore_mem>>) src(%arg23 : memref<3136xf32, #tpu.memory_space<vmem>>) dst(%dma_wait3A_376 : memref<3136xf32, #tpu.memory_space<vmem_shared>>)
      tpu.yield
    }) : () -> ()
    "tpu.region"() ({
      %run_scoped3A = tpu.sem_alloc : memref<!tpu.dma_semaphore, #tpu.memory_space<semaphore_mem>>
      %dma_start3A_373 = tpu.memref_slice %arg27[%add3A_4] : memref<100352xf32, #tpu.memory_space<vmem_shared>> -> memref<3136xf32, #tpu.memory_space<vmem_shared>>
      %dma_start3A_374 = tpu.memref_slice %arg27[%add3A_4] : memref<100352xf32, #tpu.memory_space<vmem_shared>> -> memref<3136xf32, #tpu.memory_space<vmem_shared>>
      tpu.enqueue_dma source(%arg24 : memref<3136xf32, #tpu.memory_space<vmem>>) target(%dma_start3A_374 : memref<3136xf32, #tpu.memory_space<vmem_shared>>) target_semaphore(%run_scoped3A : memref<!tpu.dma_semaphore, #tpu.memory_space<semaphore_mem>>)
      %dma_wait3A_375 = tpu.memref_slice %arg27[%add3A_4] : memref<100352xf32, #tpu.memory_space<vmem_shared>> -> memref<3136xf32, #tpu.memory_space<vmem_shared>>
      %dma_wait3A_376 = tpu.memref_slice %arg27[%add3A_4] : memref<100352xf32, #tpu.memory_space<vmem_shared>> -> memref<3136xf32, #tpu.memory_space<vmem_shared>>
      tpu.wait_dma2 semaphore(%run_scoped3A : memref<!tpu.dma_semaphore, #tpu.memory_space<semaphore_mem>>) src(%arg24 : memref<3136xf32, #tpu.memory_space<vmem>>) dst(%dma_wait3A_376 : memref<3136xf32, #tpu.memory_space<vmem_shared>>)
      tpu.yield
    }) : () -> ()
    %mul3A_44 = arith.constant 6272 : i32
    %mul3A_45 = arith.muli %arg1, %mul3A_44 : i32
    %add3A_46 = arith.constant 3136 : i32
    %add3A_47 = arith.addi %mul3A_45, %add3A_46 : i32
    "tpu.region"() ({
      %run_scoped3A = tpu.sem_alloc : memref<!tpu.dma_semaphore, #tpu.memory_space<semaphore_mem>>
      %dma_start3A_373 = tpu.memref_slice %arg5[%add3A_47] : memref<100352xi32, #tpu.memory_space<hbm>> -> memref<3136xi32, #tpu.memory_space<hbm>>
      %dma_start3A_374 = tpu.memref_slice %arg5[%add3A_47] : memref<100352xi32, #tpu.memory_space<hbm>> -> memref<3136xi32, #tpu.memory_space<hbm>>
      tpu.enqueue_dma source(%dma_start3A_374 : memref<3136xi32, #tpu.memory_space<hbm>>) target(%arg10 : memref<3136xi32, #tpu.memory_space<vmem>>) target_semaphore(%run_scoped3A : memref<!tpu.dma_semaphore, #tpu.memory_space<semaphore_mem>>)
      %dma_wait3A_375 = tpu.memref_slice %arg5[%add3A_47] : memref<100352xi32, #tpu.memory_space<hbm>> -> memref<3136xi32, #tpu.memory_space<hbm>>
      %dma_wait3A_376 = tpu.memref_slice %arg5[%add3A_47] : memref<100352xi32, #tpu.memory_space<hbm>> -> memref<3136xi32, #tpu.memory_space<hbm>>
      tpu.wait_dma2 semaphore(%run_scoped3A : memref<!tpu.dma_semaphore, #tpu.memory_space<semaphore_mem>>) src(%dma_wait3A_376 : memref<3136xi32, #tpu.memory_space<hbm>>) dst(%arg10 : memref<3136xi32, #tpu.memory_space<vmem>>)
      tpu.yield
    }) : () -> ()
    "tpu.region"() ({
      %run_scoped3A = tpu.sem_alloc : memref<!tpu.dma_semaphore, #tpu.memory_space<semaphore_mem>>
      %dma_start3A_373 = tpu.memref_slice %arg6[%add3A_47] : memref<100352xi32, #tpu.memory_space<hbm>> -> memref<3136xi32, #tpu.memory_space<hbm>>
      %dma_start3A_374 = tpu.memref_slice %arg6[%add3A_47] : memref<100352xi32, #tpu.memory_space<hbm>> -> memref<3136xi32, #tpu.memory_space<hbm>>
      tpu.enqueue_dma source(%dma_start3A_374 : memref<3136xi32, #tpu.memory_space<hbm>>) target(%arg11 : memref<3136xi32, #tpu.memory_space<vmem>>) target_semaphore(%run_scoped3A : memref<!tpu.dma_semaphore, #tpu.memory_space<semaphore_mem>>)
      %dma_wait3A_375 = tpu.memref_slice %arg6[%add3A_47] : memref<100352xi32, #tpu.memory_space<hbm>> -> memref<3136xi32, #tpu.memory_space<hbm>>
      %dma_wait3A_376 = tpu.memref_slice %arg6[%add3A_47] : memref<100352xi32, #tpu.memory_space<hbm>> -> memref<3136xi32, #tpu.memory_space<hbm>>
      tpu.wait_dma2 semaphore(%run_scoped3A : memref<!tpu.dma_semaphore, #tpu.memory_space<semaphore_mem>>) src(%dma_wait3A_376 : memref<3136xi32, #tpu.memory_space<hbm>>) dst(%arg11 : memref<3136xi32, #tpu.memory_space<vmem>>)
      tpu.yield
    }) : () -> ()
    "tpu.region"() ({
      %run_scoped3A = tpu.sem_alloc : memref<!tpu.dma_semaphore, #tpu.memory_space<semaphore_mem>>
      %dma_start3A_373 = tpu.memref_slice %arg7[%add3A_47] : memref<100352xi32, #tpu.memory_space<hbm>> -> memref<3136xi32, #tpu.memory_space<hbm>>
      %dma_start3A_374 = tpu.memref_slice %arg7[%add3A_47] : memref<100352xi32, #tpu.memory_space<hbm>> -> memref<3136xi32, #tpu.memory_space<hbm>>
      tpu.enqueue_dma source(%dma_start3A_374 : memref<3136xi32, #tpu.memory_space<hbm>>) target(%arg12 : memref<3136xi32, #tpu.memory_space<vmem>>) target_semaphore(%run_scoped3A : memref<!tpu.dma_semaphore, #tpu.memory_space<semaphore_mem>>)
      %dma_wait3A_375 = tpu.memref_slice %arg7[%add3A_47] : memref<100352xi32, #tpu.memory_space<hbm>> -> memref<3136xi32, #tpu.memory_space<hbm>>
      %dma_wait3A_376 = tpu.memref_slice %arg7[%add3A_47] : memref<100352xi32, #tpu.memory_space<hbm>> -> memref<3136xi32, #tpu.memory_space<hbm>>
      tpu.wait_dma2 semaphore(%run_scoped3A : memref<!tpu.dma_semaphore, #tpu.memory_space<semaphore_mem>>) src(%dma_wait3A_376 : memref<3136xi32, #tpu.memory_space<hbm>>) dst(%arg12 : memref<3136xi32, #tpu.memory_space<vmem>>)
      tpu.yield
    }) : () -> ()
    %dma_start3A_48 = arith.constant 0 : i32
    %dma_start3A_49 = tpu.memref_slice %arg2[%dma_start3A_48] : memref<50176xf32, #tpu.memory_space<hbm>> -> memref<50176xf32, #tpu.memory_space<hbm>>
    tpu.enqueue_indirect_dma source(%dma_start3A_49 : memref<50176xf32, #tpu.memory_space<hbm>>) target(%arg13 : memref<3136xf32, #tpu.memory_space<vmem>>) offsets(%arg10 : memref<3136xi32, #tpu.memory_space<vmem>>) semaphore(%arg37 : memref<!tpu.dma_semaphore, #tpu.memory_space<semaphore_mem>>)
    %dma_start3A_50 = arith.constant 0 : i32
    %dma_start3A_51 = tpu.memref_slice %arg3[%dma_start3A_50] : memref<50176xf32, #tpu.memory_space<hbm>> -> memref<50176xf32, #tpu.memory_space<hbm>>
    tpu.enqueue_indirect_dma source(%dma_start3A_51 : memref<50176xf32, #tpu.memory_space<hbm>>) target(%arg14 : memref<3136xf32, #tpu.memory_space<vmem>>) offsets(%arg10 : memref<3136xi32, #tpu.memory_space<vmem>>) semaphore(%arg37 : memref<!tpu.dma_semaphore, #tpu.memory_space<semaphore_mem>>)
    %dma_start3A_52 = arith.constant 0 : i32
    %dma_start3A_53 = tpu.memref_slice %arg4[%dma_start3A_52] : memref<50176xf32, #tpu.memory_space<hbm>> -> memref<50176xf32, #tpu.memory_space<hbm>>
    tpu.enqueue_indirect_dma source(%dma_start3A_53 : memref<50176xf32, #tpu.memory_space<hbm>>) target(%arg15 : memref<3136xf32, #tpu.memory_space<vmem>>) offsets(%arg10 : memref<3136xi32, #tpu.memory_space<vmem>>) semaphore(%arg37 : memref<!tpu.dma_semaphore, #tpu.memory_space<semaphore_mem>>)
    %dma_start3A_54 = arith.constant 0 : i32
    %dma_start3A_55 = tpu.memref_slice %arg2[%dma_start3A_54] : memref<50176xf32, #tpu.memory_space<hbm>> -> memref<50176xf32, #tpu.memory_space<hbm>>
    tpu.enqueue_indirect_dma source(%dma_start3A_55 : memref<50176xf32, #tpu.memory_space<hbm>>) target(%arg16 : memref<3136xf32, #tpu.memory_space<vmem>>) offsets(%arg11 : memref<3136xi32, #tpu.memory_space<vmem>>) semaphore(%arg37 : memref<!tpu.dma_semaphore, #tpu.memory_space<semaphore_mem>>)
    %dma_start3A_56 = arith.constant 0 : i32
    %dma_start3A_57 = tpu.memref_slice %arg3[%dma_start3A_56] : memref<50176xf32, #tpu.memory_space<hbm>> -> memref<50176xf32, #tpu.memory_space<hbm>>
    tpu.enqueue_indirect_dma source(%dma_start3A_57 : memref<50176xf32, #tpu.memory_space<hbm>>) target(%arg17 : memref<3136xf32, #tpu.memory_space<vmem>>) offsets(%arg11 : memref<3136xi32, #tpu.memory_space<vmem>>) semaphore(%arg37 : memref<!tpu.dma_semaphore, #tpu.memory_space<semaphore_mem>>)
    %dma_start3A_58 = arith.constant 0 : i32
    %dma_start3A_59 = tpu.memref_slice %arg4[%dma_start3A_58] : memref<50176xf32, #tpu.memory_space<hbm>> -> memref<50176xf32, #tpu.memory_space<hbm>>
    tpu.enqueue_indirect_dma source(%dma_start3A_59 : memref<50176xf32, #tpu.memory_space<hbm>>) target(%arg18 : memref<3136xf32, #tpu.memory_space<vmem>>) offsets(%arg11 : memref<3136xi32, #tpu.memory_space<vmem>>) semaphore(%arg37 : memref<!tpu.dma_semaphore, #tpu.memory_space<semaphore_mem>>)
    %dma_start3A_60 = arith.constant 0 : i32
    %dma_start3A_61 = tpu.memref_slice %arg2[%dma_start3A_60] : memref<50176xf32, #tpu.memory_space<hbm>> -> memref<50176xf32, #tpu.memory_space<hbm>>
    tpu.enqueue_indirect_dma source(%dma_start3A_61 : memref<50176xf32, #tpu.memory_space<hbm>>) target(%arg19 : memref<3136xf32, #tpu.memory_space<vmem>>) offsets(%arg12 : memref<3136xi32, #tpu.memory_space<vmem>>) semaphore(%arg37 : memref<!tpu.dma_semaphore, #tpu.memory_space<semaphore_mem>>)
    %dma_start3A_62 = arith.constant 0 : i32
    %dma_start3A_63 = tpu.memref_slice %arg3[%dma_start3A_62] : memref<50176xf32, #tpu.memory_space<hbm>> -> memref<50176xf32, #tpu.memory_space<hbm>>
    tpu.enqueue_indirect_dma source(%dma_start3A_63 : memref<50176xf32, #tpu.memory_space<hbm>>) target(%arg20 : memref<3136xf32, #tpu.memory_space<vmem>>) offsets(%arg12 : memref<3136xi32, #tpu.memory_space<vmem>>) semaphore(%arg37 : memref<!tpu.dma_semaphore, #tpu.memory_space<semaphore_mem>>)
    %dma_start3A_64 = arith.constant 0 : i32
    %dma_start3A_65 = tpu.memref_slice %arg4[%dma_start3A_64] : memref<50176xf32, #tpu.memory_space<hbm>> -> memref<50176xf32, #tpu.memory_space<hbm>>
    tpu.enqueue_indirect_dma source(%dma_start3A_65 : memref<50176xf32, #tpu.memory_space<hbm>>) target(%arg21 : memref<3136xf32, #tpu.memory_space<vmem>>) offsets(%arg12 : memref<3136xi32, #tpu.memory_space<vmem>>) semaphore(%arg37 : memref<!tpu.dma_semaphore, #tpu.memory_space<semaphore_mem>>)
    %dma_wait3A_66 = arith.constant 0 : i32
    %dma_wait3A_67 = tpu.memref_slice %arg2[%dma_wait3A_66] : memref<50176xf32, #tpu.memory_space<hbm>> -> memref<50176xf32, #tpu.memory_space<hbm>>
    tpu.wait_indirect_dma semaphore(%arg37 : memref<!tpu.dma_semaphore, #tpu.memory_space<semaphore_mem>>) src(%dma_wait3A_67 : memref<50176xf32, #tpu.memory_space<hbm>>) dst(%arg13 : memref<3136xf32, #tpu.memory_space<vmem>>)
    %dma_wait3A_68 = arith.constant 0 : i32
    %dma_wait3A_69 = tpu.memref_slice %arg3[%dma_wait3A_68] : memref<50176xf32, #tpu.memory_space<hbm>> -> memref<50176xf32, #tpu.memory_space<hbm>>
    tpu.wait_indirect_dma semaphore(%arg37 : memref<!tpu.dma_semaphore, #tpu.memory_space<semaphore_mem>>) src(%dma_wait3A_69 : memref<50176xf32, #tpu.memory_space<hbm>>) dst(%arg14 : memref<3136xf32, #tpu.memory_space<vmem>>)
    %dma_wait3A_70 = arith.constant 0 : i32
    %dma_wait3A_71 = tpu.memref_slice %arg4[%dma_wait3A_70] : memref<50176xf32, #tpu.memory_space<hbm>> -> memref<50176xf32, #tpu.memory_space<hbm>>
    tpu.wait_indirect_dma semaphore(%arg37 : memref<!tpu.dma_semaphore, #tpu.memory_space<semaphore_mem>>) src(%dma_wait3A_71 : memref<50176xf32, #tpu.memory_space<hbm>>) dst(%arg15 : memref<3136xf32, #tpu.memory_space<vmem>>)
    %dma_wait3A_72 = arith.constant 0 : i32
    %dma_wait3A_73 = tpu.memref_slice %arg2[%dma_wait3A_72] : memref<50176xf32, #tpu.memory_space<hbm>> -> memref<50176xf32, #tpu.memory_space<hbm>>
    tpu.wait_indirect_dma semaphore(%arg37 : memref<!tpu.dma_semaphore, #tpu.memory_space<semaphore_mem>>) src(%dma_wait3A_73 : memref<50176xf32, #tpu.memory_space<hbm>>) dst(%arg16 : memref<3136xf32, #tpu.memory_space<vmem>>)
    %dma_wait3A_74 = arith.constant 0 : i32
    %dma_wait3A_75 = tpu.memref_slice %arg3[%dma_wait3A_74] : memref<50176xf32, #tpu.memory_space<hbm>> -> memref<50176xf32, #tpu.memory_space<hbm>>
    tpu.wait_indirect_dma semaphore(%arg37 : memref<!tpu.dma_semaphore, #tpu.memory_space<semaphore_mem>>) src(%dma_wait3A_75 : memref<50176xf32, #tpu.memory_space<hbm>>) dst(%arg17 : memref<3136xf32, #tpu.memory_space<vmem>>)
    %dma_wait3A_76 = arith.constant 0 : i32
    %dma_wait3A_77 = tpu.memref_slice %arg4[%dma_wait3A_76] : memref<50176xf32, #tpu.memory_space<hbm>> -> memref<50176xf32, #tpu.memory_space<hbm>>
    tpu.wait_indirect_dma semaphore(%arg37 : memref<!tpu.dma_semaphore, #tpu.memory_space<semaphore_mem>>) src(%dma_wait3A_77 : memref<50176xf32, #tpu.memory_space<hbm>>) dst(%arg18 : memref<3136xf32, #tpu.memory_space<vmem>>)
    %dma_wait3A_78 = arith.constant 0 : i32
    %dma_wait3A_79 = tpu.memref_slice %arg2[%dma_wait3A_78] : memref<50176xf32, #tpu.memory_space<hbm>> -> memref<50176xf32, #tpu.memory_space<hbm>>
    tpu.wait_indirect_dma semaphore(%arg37 : memref<!tpu.dma_semaphore, #tpu.memory_space<semaphore_mem>>) src(%dma_wait3A_79 : memref<50176xf32, #tpu.memory_space<hbm>>) dst(%arg19 : memref<3136xf32, #tpu.memory_space<vmem>>)
    %dma_wait3A_80 = arith.constant 0 : i32
    %dma_wait3A_81 = tpu.memref_slice %arg3[%dma_wait3A_80] : memref<50176xf32, #tpu.memory_space<hbm>> -> memref<50176xf32, #tpu.memory_space<hbm>>
    tpu.wait_indirect_dma semaphore(%arg37 : memref<!tpu.dma_semaphore, #tpu.memory_space<semaphore_mem>>) src(%dma_wait3A_81 : memref<50176xf32, #tpu.memory_space<hbm>>) dst(%arg20 : memref<3136xf32, #tpu.memory_space<vmem>>)
    %dma_wait3A_82 = arith.constant 0 : i32
    %dma_wait3A_83 = tpu.memref_slice %arg4[%dma_wait3A_82] : memref<50176xf32, #tpu.memory_space<hbm>> -> memref<50176xf32, #tpu.memory_space<hbm>>
    tpu.wait_indirect_dma semaphore(%arg37 : memref<!tpu.dma_semaphore, #tpu.memory_space<semaphore_mem>>) src(%dma_wait3A_83 : memref<50176xf32, #tpu.memory_space<hbm>>) dst(%arg21 : memref<3136xf32, #tpu.memory_space<vmem>>)
    %scan3A_84 = arith.constant 0 : i32
    %scan3A_85 = arith.constant 0 : i32
    %scan3A_86 = arith.constant 196 : i32
    %scan3A_87 = arith.addi %scan3A_85, %scan3A_86 : i32
    %scan3A_88 = arith.constant 1 : i32
    scf.for %scan3A_373 = %scan3A_85 to %scan3A_87 step %scan3A_88  : i32 {
      %mul3A_374 = arith.constant 16 : i32
      %mul3A_375 = arith.muli %scan3A_373, %mul3A_374 : i32
      %get3A = arith.index_cast %mul3A_375 : i32 to index
      %get3A_376 = tpu.vector_load %arg13[%get3A] {strides = array<i32>} : memref<3136xf32, #tpu.memory_space<vmem>>, vector<16xf32>,
      %get3A_377 = vector.shape_cast %get3A_376 : vector<16xf32> to vector<16xf32>
      %get3A_378 = arith.index_cast %mul3A_375 : i32 to index
      %get3A_379 = tpu.vector_load %arg16[%get3A_378] {strides = array<i32>} : memref<3136xf32, #tpu.memory_space<vmem>>, vector<16xf32>,
      %get3A_380 = vector.shape_cast %get3A_379 : vector<16xf32> to vector<16xf32>
      %add3A_381 = arith.addf %get3A_377, %get3A_380 : vector<16xf32>
      %get3A_382 = arith.index_cast %mul3A_375 : i32 to index
      %get3A_383 = tpu.vector_load %arg19[%get3A_382] {strides = array<i32>} : memref<3136xf32, #tpu.memory_space<vmem>>, vector<16xf32>,
      %get3A_384 = vector.shape_cast %get3A_383 : vector<16xf32> to vector<16xf32>
      %add3A_385 = arith.addf %add3A_381, %get3A_384 : vector<16xf32>
      %swap3A = arith.index_cast %mul3A_375 : i32 to index
      %swap3A_386 = tpu.vector_load %arg22[%swap3A] {strides = array<i32>} : memref<3136xf32, #tpu.memory_space<vmem>>, vector<16xf32>,
      %swap3A_387 = vector.shape_cast %swap3A_386 : vector<16xf32> to vector<16xf32>
      %swap3A_388 = vector.shape_cast %add3A_385 : vector<16xf32> to vector<16xf32>
      tpu.vector_store %arg22[%swap3A], %swap3A_388 {strides = array<i32>} : memref<3136xf32, #tpu.memory_space<vmem>>, vector<16xf32>,
      %get3A_389 = arith.index_cast %mul3A_375 : i32 to index
      %get3A_390 = tpu.vector_load %arg14[%get3A_389] {strides = array<i32>} : memref<3136xf32, #tpu.memory_space<vmem>>, vector<16xf32>,
      %get3A_391 = vector.shape_cast %get3A_390 : vector<16xf32> to vector<16xf32>
      %get3A_392 = arith.index_cast %mul3A_375 : i32 to index
      %get3A_393 = tpu.vector_load %arg17[%get3A_392] {strides = array<i32>} : memref<3136xf32, #tpu.memory_space<vmem>>, vector<16xf32>,
      %get3A_394 = vector.shape_cast %get3A_393 : vector<16xf32> to vector<16xf32>
      %add3A_395 = arith.addf %get3A_391, %get3A_394 : vector<16xf32>
      %get3A_396 = arith.index_cast %mul3A_375 : i32 to index
      %get3A_397 = tpu.vector_load %arg20[%get3A_396] {strides = array<i32>} : memref<3136xf32, #tpu.memory_space<vmem>>, vector<16xf32>,
      %get3A_398 = vector.shape_cast %get3A_397 : vector<16xf32> to vector<16xf32>
      %add3A_399 = arith.addf %add3A_395, %get3A_398 : vector<16xf32>
      %swap3A_400 = arith.index_cast %mul3A_375 : i32 to index
      %swap3A_401 = tpu.vector_load %arg23[%swap3A_400] {strides = array<i32>} : memref<3136xf32, #tpu.memory_space<vmem>>, vector<16xf32>,
      %swap3A_402 = vector.shape_cast %swap3A_401 : vector<16xf32> to vector<16xf32>
      %swap3A_403 = vector.shape_cast %add3A_399 : vector<16xf32> to vector<16xf32>
      tpu.vector_store %arg23[%swap3A_400], %swap3A_403 {strides = array<i32>} : memref<3136xf32, #tpu.memory_space<vmem>>, vector<16xf32>,
      %get3A_404 = arith.index_cast %mul3A_375 : i32 to index
      %get3A_405 = tpu.vector_load %arg15[%get3A_404] {strides = array<i32>} : memref<3136xf32, #tpu.memory_space<vmem>>, vector<16xf32>,
      %get3A_406 = vector.shape_cast %get3A_405 : vector<16xf32> to vector<16xf32>
      %get3A_407 = arith.index_cast %mul3A_375 : i32 to index
      %get3A_408 = tpu.vector_load %arg18[%get3A_407] {strides = array<i32>} : memref<3136xf32, #tpu.memory_space<vmem>>, vector<16xf32>,
      %get3A_409 = vector.shape_cast %get3A_408 : vector<16xf32> to vector<16xf32>
      %add3A_410 = arith.addf %get3A_406, %get3A_409 : vector<16xf32>
      %get3A_411 = arith.index_cast %mul3A_375 : i32 to index
      %get3A_412 = tpu.vector_load %arg21[%get3A_411] {strides = array<i32>} : memref<3136xf32, #tpu.memory_space<vmem>>, vector<16xf32>,
      %get3A_413 = vector.shape_cast %get3A_412 : vector<16xf32> to vector<16xf32>
      %add3A_414 = arith.addf %add3A_410, %get3A_413 : vector<16xf32>
      %swap3A_415 = arith.index_cast %mul3A_375 : i32 to index
      %swap3A_416 = tpu.vector_load %arg24[%swap3A_415] {strides = array<i32>} : memref<3136xf32, #tpu.memory_space<vmem>>, vector<16xf32>,
      %swap3A_417 = vector.shape_cast %swap3A_416 : vector<16xf32> to vector<16xf32>
      %swap3A_418 = vector.shape_cast %add3A_414 : vector<16xf32> to vector<16xf32>
      tpu.vector_store %arg24[%swap3A_415], %swap3A_418 {strides = array<i32>} : memref<3136xf32, #tpu.memory_space<vmem>>, vector<16xf32>,
    }
    %scan3A_89 = arith.constant 196 : i32
    "tpu.region"() ({
      %run_scoped3A = tpu.sem_alloc : memref<!tpu.dma_semaphore, #tpu.memory_space<semaphore_mem>>
      %dma_start3A_373 = tpu.memref_slice %arg25[%add3A_47] : memref<100352xf32, #tpu.memory_space<vmem_shared>> -> memref<3136xf32, #tpu.memory_space<vmem_shared>>
      %dma_start3A_374 = tpu.memref_slice %arg25[%add3A_47] : memref<100352xf32, #tpu.memory_space<vmem_shared>> -> memref<3136xf32, #tpu.memory_space<vmem_shared>>
      tpu.enqueue_dma source(%arg22 : memref<3136xf32, #tpu.memory_space<vmem>>) target(%dma_start3A_374 : memref<3136xf32, #tpu.memory_space<vmem_shared>>) target_semaphore(%run_scoped3A : memref<!tpu.dma_semaphore, #tpu.memory_space<semaphore_mem>>)
      %dma_wait3A_375 = tpu.memref_slice %arg25[%add3A_47] : memref<100352xf32, #tpu.memory_space<vmem_shared>> -> memref<3136xf32, #tpu.memory_space<vmem_shared>>
      %dma_wait3A_376 = tpu.memref_slice %arg25[%add3A_47] : memref<100352xf32, #tpu.memory_space<vmem_shared>> -> memref<3136xf32, #tpu.memory_space<vmem_shared>>
      tpu.wait_dma2 semaphore(%run_scoped3A : memref<!tpu.dma_semaphore, #tpu.memory_space<semaphore_mem>>) src(%arg22 : memref<3136xf32, #tpu.memory_space<vmem>>) dst(%dma_wait3A_376 : memref<3136xf32, #tpu.memory_space<vmem_shared>>)
      tpu.yield
    }) : () -> ()
    "tpu.region"() ({
      %run_scoped3A = tpu.sem_alloc : memref<!tpu.dma_semaphore, #tpu.memory_space<semaphore_mem>>
      %dma_start3A_373 = tpu.memref_slice %arg26[%add3A_47] : memref<100352xf32, #tpu.memory_space<vmem_shared>> -> memref<3136xf32, #tpu.memory_space<vmem_shared>>
      %dma_start3A_374 = tpu.memref_slice %arg26[%add3A_47] : memref<100352xf32, #tpu.memory_space<vmem_shared>> -> memref<3136xf32, #tpu.memory_space<vmem_shared>>
      tpu.enqueue_dma source(%arg23 : memref<3136xf32, #tpu.memory_space<vmem>>) target(%dma_start3A_374 : memref<3136xf32, #tpu.memory_space<vmem_shared>>) target_semaphore(%run_scoped3A : memref<!tpu.dma_semaphore, #tpu.memory_space<semaphore_mem>>)
      %dma_wait3A_375 = tpu.memref_slice %arg26[%add3A_47] : memref<100352xf32, #tpu.memory_space<vmem_shared>> -> memref<3136xf32, #tpu.memory_space<vmem_shared>>
      %dma_wait3A_376 = tpu.memref_slice %arg26[%add3A_47] : memref<100352xf32, #tpu.memory_space<vmem_shared>> -> memref<3136xf32, #tpu.memory_space<vmem_shared>>
      tpu.wait_dma2 semaphore(%run_scoped3A : memref<!tpu.dma_semaphore, #tpu.memory_space<semaphore_mem>>) src(%arg23 : memref<3136xf32, #tpu.memory_space<vmem>>) dst(%dma_wait3A_376 : memref<3136xf32, #tpu.memory_space<vmem_shared>>)
      tpu.yield
    }) : () -> ()
    "tpu.region"() ({
      %run_scoped3A = tpu.sem_alloc : memref<!tpu.dma_semaphore, #tpu.memory_space<semaphore_mem>>
      %dma_start3A_373 = tpu.memref_slice %arg27[%add3A_47] : memref<100352xf32, #tpu.memory_space<vmem_shared>> -> memref<3136xf32, #tpu.memory_space<vmem_shared>>
      %dma_start3A_374 = tpu.memref_slice %arg27[%add3A_47] : memref<100352xf32, #tpu.memory_space<vmem_shared>> -> memref<3136xf32, #tpu.memory_space<vmem_shared>>
      tpu.enqueue_dma source(%arg24 : memref<3136xf32, #tpu.memory_space<vmem>>) target(%dma_start3A_374 : memref<3136xf32, #tpu.memory_space<vmem_shared>>) target_semaphore(%run_scoped3A : memref<!tpu.dma_semaphore, #tpu.memory_space<semaphore_mem>>)
      %dma_wait3A_375 = tpu.memref_slice %arg27[%add3A_47] : memref<100352xf32, #tpu.memory_space<vmem_shared>> -> memref<3136xf32, #tpu.memory_space<vmem_shared>>
      %dma_wait3A_376 = tpu.memref_slice %arg27[%add3A_47] : memref<100352xf32, #tpu.memory_space<vmem_shared>> -> memref<3136xf32, #tpu.memory_space<vmem_shared>>
      tpu.wait_dma2 semaphore(%run_scoped3A : memref<!tpu.dma_semaphore, #tpu.memory_space<semaphore_mem>>) src(%arg24 : memref<3136xf32, #tpu.memory_space<vmem>>) dst(%dma_wait3A_376 : memref<3136xf32, #tpu.memory_space<vmem_shared>>)
      tpu.yield
    }) : () -> ()
    %barrier3A = arith.constant 0 : index
    tpu.barrier barrier_id(%barrier3A)
    %mul3A_90 = arith.constant 12288 : i32
    %mul3A_91 = arith.muli %arg1, %mul3A_90 : i32
    %iota3A = tpu.iota {dimensions = array<i32: 0>} : vector<16xi32>
    %mul3A_92 = arith.constant 3 : i32
    %mul3A_93 = vector.broadcast %mul3A_92 : i32 to vector<16xi32>
    %mul3A_94 = arith.muli %iota3A, %mul3A_93 : vector<16xi32>
    %scan3A_95 = arith.constant 0 : i32
    %scan3A_96 = arith.constant 0 : i32
    %scan3A_97 = arith.constant 256 : i32
    %scan3A_98 = arith.addi %scan3A_96, %scan3A_97 : i32
    %scan3A_99 = arith.constant 1 : i32
    scf.for %scan3A_373 = %scan3A_96 to %scan3A_98 step %scan3A_99  : i32 {
      %mul3A_374 = arith.constant 16 : i32
      %mul3A_375 = arith.muli %scan3A_373, %mul3A_374 : i32
      %mul3A_376 = arith.constant 48 : i32
      %mul3A_377 = arith.muli %scan3A_373, %mul3A_376 : i32
      %add3A_378 = arith.addi %mul3A_91, %mul3A_377 : i32
      %add3A_379 = vector.broadcast %add3A_378 : i32 to vector<16xi32>
      %add3A_380 = arith.addi %add3A_379, %mul3A_94 : vector<16xi32>
      %swap3A = arith.index_cast %mul3A_375 : i32 to index
      %swap3A_381 = tpu.vector_load %arg33[%swap3A] {strides = array<i32>} : memref<4096xi32, #tpu.memory_space<vmem>>, vector<16xi32>,
      %swap3A_382 = vector.shape_cast %swap3A_381 : vector<16xi32> to vector<16xi32>
      %swap3A_383 = vector.shape_cast %add3A_380 : vector<16xi32> to vector<16xi32>
      tpu.vector_store %arg33[%swap3A], %swap3A_383 {strides = array<i32>} : memref<4096xi32, #tpu.memory_space<vmem>>, vector<16xi32>,
      %add3A_384 = arith.constant 1 : i32
      %add3A_385 = vector.broadcast %add3A_384 : i32 to vector<16xi32>
      %add3A_386 = arith.addi %add3A_380, %add3A_385 : vector<16xi32>
      %swap3A_387 = arith.index_cast %mul3A_375 : i32 to index
      %swap3A_388 = tpu.vector_load %arg34[%swap3A_387] {strides = array<i32>} : memref<4096xi32, #tpu.memory_space<vmem>>, vector<16xi32>,
      %swap3A_389 = vector.shape_cast %swap3A_388 : vector<16xi32> to vector<16xi32>
      %swap3A_390 = vector.shape_cast %add3A_386 : vector<16xi32> to vector<16xi32>
      tpu.vector_store %arg34[%swap3A_387], %swap3A_390 {strides = array<i32>} : memref<4096xi32, #tpu.memory_space<vmem>>, vector<16xi32>,
      %add3A_391 = arith.constant 2 : i32
      %add3A_392 = vector.broadcast %add3A_391 : i32 to vector<16xi32>
      %add3A_393 = arith.addi %add3A_380, %add3A_392 : vector<16xi32>
      %swap3A_394 = arith.index_cast %mul3A_375 : i32 to index
      %swap3A_395 = tpu.vector_load %arg35[%swap3A_394] {strides = array<i32>} : memref<4096xi32, #tpu.memory_space<vmem>>, vector<16xi32>,
      %swap3A_396 = vector.shape_cast %swap3A_395 : vector<16xi32> to vector<16xi32>
      %swap3A_397 = vector.shape_cast %add3A_393 : vector<16xi32> to vector<16xi32>
      tpu.vector_store %arg35[%swap3A_394], %swap3A_397 {strides = array<i32>} : memref<4096xi32, #tpu.memory_space<vmem>>, vector<16xi32>,
    }
    %scan3A_100 = arith.constant 256 : i32
    %mul3A_101 = arith.constant 8 : i32
    %mul3A_102 = arith.muli %add3A, %mul3A_101 : i32
    %add3A_103 = arith.constant 0 : i32
    %add3A_104 = arith.addi %mul3A_102, %add3A_103 : i32
    %mul3A_105 = arith.constant 4096 : i32
    %mul3A_106 = arith.muli %add3A_104, %mul3A_105 : i32
    "tpu.region"() ({
      %run_scoped3A = tpu.sem_alloc : memref<!tpu.dma_semaphore, #tpu.memory_space<semaphore_mem>>
      %dma_start3A_373 = tpu.memref_slice %arg8[%mul3A_106] : memref<1048576xi32, #tpu.memory_space<hbm>> -> memref<4096xi32, #tpu.memory_space<hbm>>
      %dma_start3A_374 = tpu.memref_slice %arg8[%mul3A_106] : memref<1048576xi32, #tpu.memory_space<hbm>> -> memref<4096xi32, #tpu.memory_space<hbm>>
      tpu.enqueue_dma source(%dma_start3A_374 : memref<4096xi32, #tpu.memory_space<hbm>>) target(%arg29 : memref<4096xi32, #tpu.memory_space<vmem>>) target_semaphore(%run_scoped3A : memref<!tpu.dma_semaphore, #tpu.memory_space<semaphore_mem>>)
      %dma_wait3A_375 = tpu.memref_slice %arg8[%mul3A_106] : memref<1048576xi32, #tpu.memory_space<hbm>> -> memref<4096xi32, #tpu.memory_space<hbm>>
      %dma_wait3A_376 = tpu.memref_slice %arg8[%mul3A_106] : memref<1048576xi32, #tpu.memory_space<hbm>> -> memref<4096xi32, #tpu.memory_space<hbm>>
      tpu.wait_dma2 semaphore(%run_scoped3A : memref<!tpu.dma_semaphore, #tpu.memory_space<semaphore_mem>>) src(%dma_wait3A_376 : memref<4096xi32, #tpu.memory_space<hbm>>) dst(%arg29 : memref<4096xi32, #tpu.memory_space<vmem>>)
      tpu.yield
    }) : () -> ()
    %dma_start3A_107 = arith.constant 0 : i32
    %dma_start3A_108 = tpu.memref_slice %arg25[%dma_start3A_107] : memref<100352xf32, #tpu.memory_space<vmem_shared>> -> memref<100352xf32, #tpu.memory_space<vmem_shared>>
    tpu.enqueue_indirect_dma source(%dma_start3A_108 : memref<100352xf32, #tpu.memory_space<vmem_shared>>) target(%arg30 : memref<4096xf32, #tpu.memory_space<vmem>>) offsets(%arg29 : memref<4096xi32, #tpu.memory_space<vmem>>) semaphore(%arg37 : memref<!tpu.dma_semaphore, #tpu.memory_space<semaphore_mem>>)
    %dma_start3A_109 = arith.constant 0 : i32
    %dma_start3A_110 = tpu.memref_slice %arg26[%dma_start3A_109] : memref<100352xf32, #tpu.memory_space<vmem_shared>> -> memref<100352xf32, #tpu.memory_space<vmem_shared>>
    tpu.enqueue_indirect_dma source(%dma_start3A_110 : memref<100352xf32, #tpu.memory_space<vmem_shared>>) target(%arg31 : memref<4096xf32, #tpu.memory_space<vmem>>) offsets(%arg29 : memref<4096xi32, #tpu.memory_space<vmem>>) semaphore(%arg37 : memref<!tpu.dma_semaphore, #tpu.memory_space<semaphore_mem>>)
    %dma_start3A_111 = arith.constant 0 : i32
    %dma_start3A_112 = tpu.memref_slice %arg27[%dma_start3A_111] : memref<100352xf32, #tpu.memory_space<vmem_shared>> -> memref<100352xf32, #tpu.memory_space<vmem_shared>>
    tpu.enqueue_indirect_dma source(%dma_start3A_112 : memref<100352xf32, #tpu.memory_space<vmem_shared>>) target(%arg32 : memref<4096xf32, #tpu.memory_space<vmem>>) offsets(%arg29 : memref<4096xi32, #tpu.memory_space<vmem>>) semaphore(%arg37 : memref<!tpu.dma_semaphore, #tpu.memory_space<semaphore_mem>>)
    %dma_wait3A_113 = arith.constant 0 : i32
    %dma_wait3A_114 = tpu.memref_slice %arg25[%dma_wait3A_113] : memref<100352xf32, #tpu.memory_space<vmem_shared>> -> memref<100352xf32, #tpu.memory_space<vmem_shared>>
    tpu.wait_indirect_dma semaphore(%arg37 : memref<!tpu.dma_semaphore, #tpu.memory_space<semaphore_mem>>) src(%dma_wait3A_114 : memref<100352xf32, #tpu.memory_space<vmem_shared>>) dst(%arg30 : memref<4096xf32, #tpu.memory_space<vmem>>)
    %dma_wait3A_115 = arith.constant 0 : i32
    %dma_wait3A_116 = tpu.memref_slice %arg26[%dma_wait3A_115] : memref<100352xf32, #tpu.memory_space<vmem_shared>> -> memref<100352xf32, #tpu.memory_space<vmem_shared>>
    tpu.wait_indirect_dma semaphore(%arg37 : memref<!tpu.dma_semaphore, #tpu.memory_space<semaphore_mem>>) src(%dma_wait3A_116 : memref<100352xf32, #tpu.memory_space<vmem_shared>>) dst(%arg31 : memref<4096xf32, #tpu.memory_space<vmem>>)
    %dma_wait3A_117 = arith.constant 0 : i32
    %dma_wait3A_118 = tpu.memref_slice %arg27[%dma_wait3A_117] : memref<100352xf32, #tpu.memory_space<vmem_shared>> -> memref<100352xf32, #tpu.memory_space<vmem_shared>>
    tpu.wait_indirect_dma semaphore(%arg37 : memref<!tpu.dma_semaphore, #tpu.memory_space<semaphore_mem>>) src(%dma_wait3A_118 : memref<100352xf32, #tpu.memory_space<vmem_shared>>) dst(%arg32 : memref<4096xf32, #tpu.memory_space<vmem>>)
    %dma_start3A_119 = arith.constant 0 : i32
    %dma_start3A_120 = tpu.memref_slice %arg28[%dma_start3A_119] : memref<196608xf32, #tpu.memory_space<vmem_shared>> -> memref<196608xf32, #tpu.memory_space<vmem_shared>>
    tpu.enqueue_indirect_dma source(%arg30 : memref<4096xf32, #tpu.memory_space<vmem>>) target(%dma_start3A_120 : memref<196608xf32, #tpu.memory_space<vmem_shared>>) offsets(%arg33 : memref<4096xi32, #tpu.memory_space<vmem>>) semaphore(%arg37 : memref<!tpu.dma_semaphore, #tpu.memory_space<semaphore_mem>>)
    %dma_start3A_121 = arith.constant 0 : i32
    %dma_start3A_122 = tpu.memref_slice %arg28[%dma_start3A_121] : memref<196608xf32, #tpu.memory_space<vmem_shared>> -> memref<196608xf32, #tpu.memory_space<vmem_shared>>
    tpu.enqueue_indirect_dma source(%arg31 : memref<4096xf32, #tpu.memory_space<vmem>>) target(%dma_start3A_122 : memref<196608xf32, #tpu.memory_space<vmem_shared>>) offsets(%arg34 : memref<4096xi32, #tpu.memory_space<vmem>>) semaphore(%arg37 : memref<!tpu.dma_semaphore, #tpu.memory_space<semaphore_mem>>)
    %dma_start3A_123 = arith.constant 0 : i32
    %dma_start3A_124 = tpu.memref_slice %arg28[%dma_start3A_123] : memref<196608xf32, #tpu.memory_space<vmem_shared>> -> memref<196608xf32, #tpu.memory_space<vmem_shared>>
    tpu.enqueue_indirect_dma source(%arg32 : memref<4096xf32, #tpu.memory_space<vmem>>) target(%dma_start3A_124 : memref<196608xf32, #tpu.memory_space<vmem_shared>>) offsets(%arg35 : memref<4096xi32, #tpu.memory_space<vmem>>) semaphore(%arg37 : memref<!tpu.dma_semaphore, #tpu.memory_space<semaphore_mem>>)
    %dma_wait3A_125 = arith.constant 0 : i32
    %dma_wait3A_126 = tpu.memref_slice %arg28[%dma_wait3A_125] : memref<196608xf32, #tpu.memory_space<vmem_shared>> -> memref<196608xf32, #tpu.memory_space<vmem_shared>>
    tpu.wait_indirect_dma semaphore(%arg37 : memref<!tpu.dma_semaphore, #tpu.memory_space<semaphore_mem>>) src(%arg30 : memref<4096xf32, #tpu.memory_space<vmem>>) dst(%dma_wait3A_126 : memref<196608xf32, #tpu.memory_space<vmem_shared>>)
    %dma_wait3A_127 = arith.constant 0 : i32
    %dma_wait3A_128 = tpu.memref_slice %arg28[%dma_wait3A_127] : memref<196608xf32, #tpu.memory_space<vmem_shared>> -> memref<196608xf32, #tpu.memory_space<vmem_shared>>
    tpu.wait_indirect_dma semaphore(%arg37 : memref<!tpu.dma_semaphore, #tpu.memory_space<semaphore_mem>>) src(%arg31 : memref<4096xf32, #tpu.memory_space<vmem>>) dst(%dma_wait3A_128 : memref<196608xf32, #tpu.memory_space<vmem_shared>>)
    %dma_wait3A_129 = arith.constant 0 : i32
    %dma_wait3A_130 = tpu.memref_slice %arg28[%dma_wait3A_129] : memref<196608xf32, #tpu.memory_space<vmem_shared>> -> memref<196608xf32, #tpu.memory_space<vmem_shared>>
    tpu.wait_indirect_dma semaphore(%arg37 : memref<!tpu.dma_semaphore, #tpu.memory_space<semaphore_mem>>) src(%arg32 : memref<4096xf32, #tpu.memory_space<vmem>>) dst(%dma_wait3A_130 : memref<196608xf32, #tpu.memory_space<vmem_shared>>)
    "tpu.region"() ({
      %run_scoped3A = tpu.sem_alloc : memref<!tpu.dma_semaphore, #tpu.memory_space<semaphore_mem>>
      %dma_start3A_373 = tpu.memref_slice %arg28[%mul3A_91] : memref<196608xf32, #tpu.memory_space<vmem_shared>> -> memref<12288xf32, #tpu.memory_space<vmem_shared>>
      %dma_start3A_374 = tpu.memref_slice %arg28[%mul3A_91] : memref<196608xf32, #tpu.memory_space<vmem_shared>> -> memref<12288xf32, #tpu.memory_space<vmem_shared>>
      tpu.enqueue_dma source(%dma_start3A_374 : memref<12288xf32, #tpu.memory_space<vmem_shared>>) target(%arg36 : memref<12288xf32, #tpu.memory_space<vmem>>) target_semaphore(%run_scoped3A : memref<!tpu.dma_semaphore, #tpu.memory_space<semaphore_mem>>)
      %dma_wait3A_375 = tpu.memref_slice %arg28[%mul3A_91] : memref<196608xf32, #tpu.memory_space<vmem_shared>> -> memref<12288xf32, #tpu.memory_space<vmem_shared>>
      %dma_wait3A_376 = tpu.memref_slice %arg28[%mul3A_91] : memref<196608xf32, #tpu.memory_space<vmem_shared>> -> memref<12288xf32, #tpu.memory_space<vmem_shared>>
      tpu.wait_dma2 semaphore(%run_scoped3A : memref<!tpu.dma_semaphore, #tpu.memory_space<semaphore_mem>>) src(%dma_wait3A_376 : memref<12288xf32, #tpu.memory_space<vmem_shared>>) dst(%arg36 : memref<12288xf32, #tpu.memory_space<vmem>>)
      tpu.yield
    }) : () -> ()
    %mul3A_131 = arith.constant 4096 : i32
    %mul3A_132 = arith.muli %add3A_104, %mul3A_131 : i32
    %mul3A_133 = arith.constant 3 : i32
    %mul3A_134 = arith.muli %mul3A_132, %mul3A_133 : i32
    "tpu.region"() ({
      %run_scoped3A = tpu.sem_alloc : memref<!tpu.dma_semaphore, #tpu.memory_space<semaphore_mem>>
      %dma_start3A_373 = tpu.memref_slice %arg9[%mul3A_134] : memref<3145728xf32, #tpu.memory_space<hbm>> -> memref<12288xf32, #tpu.memory_space<hbm>>
      %dma_start3A_374 = tpu.memref_slice %arg9[%mul3A_134] : memref<3145728xf32, #tpu.memory_space<hbm>> -> memref<12288xf32, #tpu.memory_space<hbm>>
      tpu.enqueue_dma source(%arg36 : memref<12288xf32, #tpu.memory_space<vmem>>) target(%dma_start3A_374 : memref<12288xf32, #tpu.memory_space<hbm>>) target_semaphore(%run_scoped3A : memref<!tpu.dma_semaphore, #tpu.memory_space<semaphore_mem>>)
      %dma_wait3A_375 = tpu.memref_slice %arg9[%mul3A_134] : memref<3145728xf32, #tpu.memory_space<hbm>> -> memref<12288xf32, #tpu.memory_space<hbm>>
      %dma_wait3A_376 = tpu.memref_slice %arg9[%mul3A_134] : memref<3145728xf32, #tpu.memory_space<hbm>> -> memref<12288xf32, #tpu.memory_space<hbm>>
      tpu.wait_dma2 semaphore(%run_scoped3A : memref<!tpu.dma_semaphore, #tpu.memory_space<semaphore_mem>>) src(%arg36 : memref<12288xf32, #tpu.memory_space<vmem>>) dst(%dma_wait3A_376 : memref<12288xf32, #tpu.memory_space<hbm>>)
      tpu.yield
    }) : () -> ()
    %mul3A_135 = arith.constant 8 : i32
    %mul3A_136 = arith.muli %add3A, %mul3A_135 : i32
    %add3A_137 = arith.constant 1 : i32
    %add3A_138 = arith.addi %mul3A_136, %add3A_137 : i32
    %mul3A_139 = arith.constant 4096 : i32
    %mul3A_140 = arith.muli %add3A_138, %mul3A_139 : i32
    "tpu.region"() ({
      %run_scoped3A = tpu.sem_alloc : memref<!tpu.dma_semaphore, #tpu.memory_space<semaphore_mem>>
      %dma_start3A_373 = tpu.memref_slice %arg8[%mul3A_140] : memref<1048576xi32, #tpu.memory_space<hbm>> -> memref<4096xi32, #tpu.memory_space<hbm>>
      %dma_start3A_374 = tpu.memref_slice %arg8[%mul3A_140] : memref<1048576xi32, #tpu.memory_space<hbm>> -> memref<4096xi32, #tpu.memory_space<hbm>>
      tpu.enqueue_dma source(%dma_start3A_374 : memref<4096xi32, #tpu.memory_space<hbm>>) target(%arg29 : memref<4096xi32, #tpu.memory_space<vmem>>) target_semaphore(%run_scoped3A : memref<!tpu.dma_semaphore, #tpu.memory_space<semaphore_mem>>)
      %dma_wait3A_375 = tpu.memref_slice %arg8[%mul3A_140] : memref<1048576xi32, #tpu.memory_space<hbm>> -> memref<4096xi32, #tpu.memory_space<hbm>>
      %dma_wait3A_376 = tpu.memref_slice %arg8[%mul3A_140] : memref<1048576xi32, #tpu.memory_space<hbm>> -> memref<4096xi32, #tpu.memory_space<hbm>>
      tpu.wait_dma2 semaphore(%run_scoped3A : memref<!tpu.dma_semaphore, #tpu.memory_space<semaphore_mem>>) src(%dma_wait3A_376 : memref<4096xi32, #tpu.memory_space<hbm>>) dst(%arg29 : memref<4096xi32, #tpu.memory_space<vmem>>)
      tpu.yield
    }) : () -> ()
    %dma_start3A_141 = arith.constant 0 : i32
    %dma_start3A_142 = tpu.memref_slice %arg25[%dma_start3A_141] : memref<100352xf32, #tpu.memory_space<vmem_shared>> -> memref<100352xf32, #tpu.memory_space<vmem_shared>>
    tpu.enqueue_indirect_dma source(%dma_start3A_142 : memref<100352xf32, #tpu.memory_space<vmem_shared>>) target(%arg30 : memref<4096xf32, #tpu.memory_space<vmem>>) offsets(%arg29 : memref<4096xi32, #tpu.memory_space<vmem>>) semaphore(%arg37 : memref<!tpu.dma_semaphore, #tpu.memory_space<semaphore_mem>>)
    %dma_start3A_143 = arith.constant 0 : i32
    %dma_start3A_144 = tpu.memref_slice %arg26[%dma_start3A_143] : memref<100352xf32, #tpu.memory_space<vmem_shared>> -> memref<100352xf32, #tpu.memory_space<vmem_shared>>
    tpu.enqueue_indirect_dma source(%dma_start3A_144 : memref<100352xf32, #tpu.memory_space<vmem_shared>>) target(%arg31 : memref<4096xf32, #tpu.memory_space<vmem>>) offsets(%arg29 : memref<4096xi32, #tpu.memory_space<vmem>>) semaphore(%arg37 : memref<!tpu.dma_semaphore, #tpu.memory_space<semaphore_mem>>)
    %dma_start3A_145 = arith.constant 0 : i32
    %dma_start3A_146 = tpu.memref_slice %arg27[%dma_start3A_145] : memref<100352xf32, #tpu.memory_space<vmem_shared>> -> memref<100352xf32, #tpu.memory_space<vmem_shared>>
    tpu.enqueue_indirect_dma source(%dma_start3A_146 : memref<100352xf32, #tpu.memory_space<vmem_shared>>) target(%arg32 : memref<4096xf32, #tpu.memory_space<vmem>>) offsets(%arg29 : memref<4096xi32, #tpu.memory_space<vmem>>) semaphore(%arg37 : memref<!tpu.dma_semaphore, #tpu.memory_space<semaphore_mem>>)
    %dma_wait3A_147 = arith.constant 0 : i32
    %dma_wait3A_148 = tpu.memref_slice %arg25[%dma_wait3A_147] : memref<100352xf32, #tpu.memory_space<vmem_shared>> -> memref<100352xf32, #tpu.memory_space<vmem_shared>>
    tpu.wait_indirect_dma semaphore(%arg37 : memref<!tpu.dma_semaphore, #tpu.memory_space<semaphore_mem>>) src(%dma_wait3A_148 : memref<100352xf32, #tpu.memory_space<vmem_shared>>) dst(%arg30 : memref<4096xf32, #tpu.memory_space<vmem>>)
    %dma_wait3A_149 = arith.constant 0 : i32
    %dma_wait3A_150 = tpu.memref_slice %arg26[%dma_wait3A_149] : memref<100352xf32, #tpu.memory_space<vmem_shared>> -> memref<100352xf32, #tpu.memory_space<vmem_shared>>
    tpu.wait_indirect_dma semaphore(%arg37 : memref<!tpu.dma_semaphore, #tpu.memory_space<semaphore_mem>>) src(%dma_wait3A_150 : memref<100352xf32, #tpu.memory_space<vmem_shared>>) dst(%arg31 : memref<4096xf32, #tpu.memory_space<vmem>>)
    %dma_wait3A_151 = arith.constant 0 : i32
    %dma_wait3A_152 = tpu.memref_slice %arg27[%dma_wait3A_151] : memref<100352xf32, #tpu.memory_space<vmem_shared>> -> memref<100352xf32, #tpu.memory_space<vmem_shared>>
    tpu.wait_indirect_dma semaphore(%arg37 : memref<!tpu.dma_semaphore, #tpu.memory_space<semaphore_mem>>) src(%dma_wait3A_152 : memref<100352xf32, #tpu.memory_space<vmem_shared>>) dst(%arg32 : memref<4096xf32, #tpu.memory_space<vmem>>)
    %dma_start3A_153 = arith.constant 0 : i32
    %dma_start3A_154 = tpu.memref_slice %arg28[%dma_start3A_153] : memref<196608xf32, #tpu.memory_space<vmem_shared>> -> memref<196608xf32, #tpu.memory_space<vmem_shared>>
    tpu.enqueue_indirect_dma source(%arg30 : memref<4096xf32, #tpu.memory_space<vmem>>) target(%dma_start3A_154 : memref<196608xf32, #tpu.memory_space<vmem_shared>>) offsets(%arg33 : memref<4096xi32, #tpu.memory_space<vmem>>) semaphore(%arg37 : memref<!tpu.dma_semaphore, #tpu.memory_space<semaphore_mem>>)
    %dma_start3A_155 = arith.constant 0 : i32
    %dma_start3A_156 = tpu.memref_slice %arg28[%dma_start3A_155] : memref<196608xf32, #tpu.memory_space<vmem_shared>> -> memref<196608xf32, #tpu.memory_space<vmem_shared>>
    tpu.enqueue_indirect_dma source(%arg31 : memref<4096xf32, #tpu.memory_space<vmem>>) target(%dma_start3A_156 : memref<196608xf32, #tpu.memory_space<vmem_shared>>) offsets(%arg34 : memref<4096xi32, #tpu.memory_space<vmem>>) semaphore(%arg37 : memref<!tpu.dma_semaphore, #tpu.memory_space<semaphore_mem>>)
    %dma_start3A_157 = arith.constant 0 : i32
    %dma_start3A_158 = tpu.memref_slice %arg28[%dma_start3A_157] : memref<196608xf32, #tpu.memory_space<vmem_shared>> -> memref<196608xf32, #tpu.memory_space<vmem_shared>>
    tpu.enqueue_indirect_dma source(%arg32 : memref<4096xf32, #tpu.memory_space<vmem>>) target(%dma_start3A_158 : memref<196608xf32, #tpu.memory_space<vmem_shared>>) offsets(%arg35 : memref<4096xi32, #tpu.memory_space<vmem>>) semaphore(%arg37 : memref<!tpu.dma_semaphore, #tpu.memory_space<semaphore_mem>>)
    %dma_wait3A_159 = arith.constant 0 : i32
    %dma_wait3A_160 = tpu.memref_slice %arg28[%dma_wait3A_159] : memref<196608xf32, #tpu.memory_space<vmem_shared>> -> memref<196608xf32, #tpu.memory_space<vmem_shared>>
    tpu.wait_indirect_dma semaphore(%arg37 : memref<!tpu.dma_semaphore, #tpu.memory_space<semaphore_mem>>) src(%arg30 : memref<4096xf32, #tpu.memory_space<vmem>>) dst(%dma_wait3A_160 : memref<196608xf32, #tpu.memory_space<vmem_shared>>)
    %dma_wait3A_161 = arith.constant 0 : i32
    %dma_wait3A_162 = tpu.memref_slice %arg28[%dma_wait3A_161] : memref<196608xf32, #tpu.memory_space<vmem_shared>> -> memref<196608xf32, #tpu.memory_space<vmem_shared>>
    tpu.wait_indirect_dma semaphore(%arg37 : memref<!tpu.dma_semaphore, #tpu.memory_space<semaphore_mem>>) src(%arg31 : memref<4096xf32, #tpu.memory_space<vmem>>) dst(%dma_wait3A_162 : memref<196608xf32, #tpu.memory_space<vmem_shared>>)
    %dma_wait3A_163 = arith.constant 0 : i32
    %dma_wait3A_164 = tpu.memref_slice %arg28[%dma_wait3A_163] : memref<196608xf32, #tpu.memory_space<vmem_shared>> -> memref<196608xf32, #tpu.memory_space<vmem_shared>>
    tpu.wait_indirect_dma semaphore(%arg37 : memref<!tpu.dma_semaphore, #tpu.memory_space<semaphore_mem>>) src(%arg32 : memref<4096xf32, #tpu.memory_space<vmem>>) dst(%dma_wait3A_164 : memref<196608xf32, #tpu.memory_space<vmem_shared>>)
    "tpu.region"() ({
      %run_scoped3A = tpu.sem_alloc : memref<!tpu.dma_semaphore, #tpu.memory_space<semaphore_mem>>
      %dma_start3A_373 = tpu.memref_slice %arg28[%mul3A_91] : memref<196608xf32, #tpu.memory_space<vmem_shared>> -> memref<12288xf32, #tpu.memory_space<vmem_shared>>
      %dma_start3A_374 = tpu.memref_slice %arg28[%mul3A_91] : memref<196608xf32, #tpu.memory_space<vmem_shared>> -> memref<12288xf32, #tpu.memory_space<vmem_shared>>
      tpu.enqueue_dma source(%dma_start3A_374 : memref<12288xf32, #tpu.memory_space<vmem_shared>>) target(%arg36 : memref<12288xf32, #tpu.memory_space<vmem>>) target_semaphore(%run_scoped3A : memref<!tpu.dma_semaphore, #tpu.memory_space<semaphore_mem>>)
      %dma_wait3A_375 = tpu.memref_slice %arg28[%mul3A_91] : memref<196608xf32, #tpu.memory_space<vmem_shared>> -> memref<12288xf32, #tpu.memory_space<vmem_shared>>
      %dma_wait3A_376 = tpu.memref_slice %arg28[%mul3A_91] : memref<196608xf32, #tpu.memory_space<vmem_shared>> -> memref<12288xf32, #tpu.memory_space<vmem_shared>>
      tpu.wait_dma2 semaphore(%run_scoped3A : memref<!tpu.dma_semaphore, #tpu.memory_space<semaphore_mem>>) src(%dma_wait3A_376 : memref<12288xf32, #tpu.memory_space<vmem_shared>>) dst(%arg36 : memref<12288xf32, #tpu.memory_space<vmem>>)
      tpu.yield
    }) : () -> ()
    %mul3A_165 = arith.constant 4096 : i32
    %mul3A_166 = arith.muli %add3A_138, %mul3A_165 : i32
    %mul3A_167 = arith.constant 3 : i32
    %mul3A_168 = arith.muli %mul3A_166, %mul3A_167 : i32
    "tpu.region"() ({
      %run_scoped3A = tpu.sem_alloc : memref<!tpu.dma_semaphore, #tpu.memory_space<semaphore_mem>>
      %dma_start3A_373 = tpu.memref_slice %arg9[%mul3A_168] : memref<3145728xf32, #tpu.memory_space<hbm>> -> memref<12288xf32, #tpu.memory_space<hbm>>
      %dma_start3A_374 = tpu.memref_slice %arg9[%mul3A_168] : memref<3145728xf32, #tpu.memory_space<hbm>> -> memref<12288xf32, #tpu.memory_space<hbm>>
      tpu.enqueue_dma source(%arg36 : memref<12288xf32, #tpu.memory_space<vmem>>) target(%dma_start3A_374 : memref<12288xf32, #tpu.memory_space<hbm>>) target_semaphore(%run_scoped3A : memref<!tpu.dma_semaphore, #tpu.memory_space<semaphore_mem>>)
      %dma_wait3A_375 = tpu.memref_slice %arg9[%mul3A_168] : memref<3145728xf32, #tpu.memory_space<hbm>> -> memref<12288xf32, #tpu.memory_space<hbm>>
      %dma_wait3A_376 = tpu.memref_slice %arg9[%mul3A_168] : memref<3145728xf32, #tpu.memory_space<hbm>> -> memref<12288xf32, #tpu.memory_space<hbm>>
      tpu.wait_dma2 semaphore(%run_scoped3A : memref<!tpu.dma_semaphore, #tpu.memory_space<semaphore_mem>>) src(%arg36 : memref<12288xf32, #tpu.memory_space<vmem>>) dst(%dma_wait3A_376 : memref<12288xf32, #tpu.memory_space<hbm>>)
      tpu.yield
    }) : () -> ()
    %mul3A_169 = arith.constant 8 : i32
    %mul3A_170 = arith.muli %add3A, %mul3A_169 : i32
    %add3A_171 = arith.constant 2 : i32
    %add3A_172 = arith.addi %mul3A_170, %add3A_171 : i32
    %mul3A_173 = arith.constant 4096 : i32
    %mul3A_174 = arith.muli %add3A_172, %mul3A_173 : i32
    "tpu.region"() ({
      %run_scoped3A = tpu.sem_alloc : memref<!tpu.dma_semaphore, #tpu.memory_space<semaphore_mem>>
      %dma_start3A_373 = tpu.memref_slice %arg8[%mul3A_174] : memref<1048576xi32, #tpu.memory_space<hbm>> -> memref<4096xi32, #tpu.memory_space<hbm>>
      %dma_start3A_374 = tpu.memref_slice %arg8[%mul3A_174] : memref<1048576xi32, #tpu.memory_space<hbm>> -> memref<4096xi32, #tpu.memory_space<hbm>>
      tpu.enqueue_dma source(%dma_start3A_374 : memref<4096xi32, #tpu.memory_space<hbm>>) target(%arg29 : memref<4096xi32, #tpu.memory_space<vmem>>) target_semaphore(%run_scoped3A : memref<!tpu.dma_semaphore, #tpu.memory_space<semaphore_mem>>)
      %dma_wait3A_375 = tpu.memref_slice %arg8[%mul3A_174] : memref<1048576xi32, #tpu.memory_space<hbm>> -> memref<4096xi32, #tpu.memory_space<hbm>>
      %dma_wait3A_376 = tpu.memref_slice %arg8[%mul3A_174] : memref<1048576xi32, #tpu.memory_space<hbm>> -> memref<4096xi32, #tpu.memory_space<hbm>>
      tpu.wait_dma2 semaphore(%run_scoped3A : memref<!tpu.dma_semaphore, #tpu.memory_space<semaphore_mem>>) src(%dma_wait3A_376 : memref<4096xi32, #tpu.memory_space<hbm>>) dst(%arg29 : memref<4096xi32, #tpu.memory_space<vmem>>)
      tpu.yield
    }) : () -> ()
    %dma_start3A_175 = arith.constant 0 : i32
    %dma_start3A_176 = tpu.memref_slice %arg25[%dma_start3A_175] : memref<100352xf32, #tpu.memory_space<vmem_shared>> -> memref<100352xf32, #tpu.memory_space<vmem_shared>>
    tpu.enqueue_indirect_dma source(%dma_start3A_176 : memref<100352xf32, #tpu.memory_space<vmem_shared>>) target(%arg30 : memref<4096xf32, #tpu.memory_space<vmem>>) offsets(%arg29 : memref<4096xi32, #tpu.memory_space<vmem>>) semaphore(%arg37 : memref<!tpu.dma_semaphore, #tpu.memory_space<semaphore_mem>>)
    %dma_start3A_177 = arith.constant 0 : i32
    %dma_start3A_178 = tpu.memref_slice %arg26[%dma_start3A_177] : memref<100352xf32, #tpu.memory_space<vmem_shared>> -> memref<100352xf32, #tpu.memory_space<vmem_shared>>
    tpu.enqueue_indirect_dma source(%dma_start3A_178 : memref<100352xf32, #tpu.memory_space<vmem_shared>>) target(%arg31 : memref<4096xf32, #tpu.memory_space<vmem>>) offsets(%arg29 : memref<4096xi32, #tpu.memory_space<vmem>>) semaphore(%arg37 : memref<!tpu.dma_semaphore, #tpu.memory_space<semaphore_mem>>)
    %dma_start3A_179 = arith.constant 0 : i32
    %dma_start3A_180 = tpu.memref_slice %arg27[%dma_start3A_179] : memref<100352xf32, #tpu.memory_space<vmem_shared>> -> memref<100352xf32, #tpu.memory_space<vmem_shared>>
    tpu.enqueue_indirect_dma source(%dma_start3A_180 : memref<100352xf32, #tpu.memory_space<vmem_shared>>) target(%arg32 : memref<4096xf32, #tpu.memory_space<vmem>>) offsets(%arg29 : memref<4096xi32, #tpu.memory_space<vmem>>) semaphore(%arg37 : memref<!tpu.dma_semaphore, #tpu.memory_space<semaphore_mem>>)
    %dma_wait3A_181 = arith.constant 0 : i32
    %dma_wait3A_182 = tpu.memref_slice %arg25[%dma_wait3A_181] : memref<100352xf32, #tpu.memory_space<vmem_shared>> -> memref<100352xf32, #tpu.memory_space<vmem_shared>>
    tpu.wait_indirect_dma semaphore(%arg37 : memref<!tpu.dma_semaphore, #tpu.memory_space<semaphore_mem>>) src(%dma_wait3A_182 : memref<100352xf32, #tpu.memory_space<vmem_shared>>) dst(%arg30 : memref<4096xf32, #tpu.memory_space<vmem>>)
    %dma_wait3A_183 = arith.constant 0 : i32
    %dma_wait3A_184 = tpu.memref_slice %arg26[%dma_wait3A_183] : memref<100352xf32, #tpu.memory_space<vmem_shared>> -> memref<100352xf32, #tpu.memory_space<vmem_shared>>
    tpu.wait_indirect_dma semaphore(%arg37 : memref<!tpu.dma_semaphore, #tpu.memory_space<semaphore_mem>>) src(%dma_wait3A_184 : memref<100352xf32, #tpu.memory_space<vmem_shared>>) dst(%arg31 : memref<4096xf32, #tpu.memory_space<vmem>>)
    %dma_wait3A_185 = arith.constant 0 : i32
    %dma_wait3A_186 = tpu.memref_slice %arg27[%dma_wait3A_185] : memref<100352xf32, #tpu.memory_space<vmem_shared>> -> memref<100352xf32, #tpu.memory_space<vmem_shared>>
    tpu.wait_indirect_dma semaphore(%arg37 : memref<!tpu.dma_semaphore, #tpu.memory_space<semaphore_mem>>) src(%dma_wait3A_186 : memref<100352xf32, #tpu.memory_space<vmem_shared>>) dst(%arg32 : memref<4096xf32, #tpu.memory_space<vmem>>)
    %dma_start3A_187 = arith.constant 0 : i32
    %dma_start3A_188 = tpu.memref_slice %arg28[%dma_start3A_187] : memref<196608xf32, #tpu.memory_space<vmem_shared>> -> memref<196608xf32, #tpu.memory_space<vmem_shared>>
    tpu.enqueue_indirect_dma source(%arg30 : memref<4096xf32, #tpu.memory_space<vmem>>) target(%dma_start3A_188 : memref<196608xf32, #tpu.memory_space<vmem_shared>>) offsets(%arg33 : memref<4096xi32, #tpu.memory_space<vmem>>) semaphore(%arg37 : memref<!tpu.dma_semaphore, #tpu.memory_space<semaphore_mem>>)
    %dma_start3A_189 = arith.constant 0 : i32
    %dma_start3A_190 = tpu.memref_slice %arg28[%dma_start3A_189] : memref<196608xf32, #tpu.memory_space<vmem_shared>> -> memref<196608xf32, #tpu.memory_space<vmem_shared>>
    tpu.enqueue_indirect_dma source(%arg31 : memref<4096xf32, #tpu.memory_space<vmem>>) target(%dma_start3A_190 : memref<196608xf32, #tpu.memory_space<vmem_shared>>) offsets(%arg34 : memref<4096xi32, #tpu.memory_space<vmem>>) semaphore(%arg37 : memref<!tpu.dma_semaphore, #tpu.memory_space<semaphore_mem>>)
    %dma_start3A_191 = arith.constant 0 : i32
    %dma_start3A_192 = tpu.memref_slice %arg28[%dma_start3A_191] : memref<196608xf32, #tpu.memory_space<vmem_shared>> -> memref<196608xf32, #tpu.memory_space<vmem_shared>>
    tpu.enqueue_indirect_dma source(%arg32 : memref<4096xf32, #tpu.memory_space<vmem>>) target(%dma_start3A_192 : memref<196608xf32, #tpu.memory_space<vmem_shared>>) offsets(%arg35 : memref<4096xi32, #tpu.memory_space<vmem>>) semaphore(%arg37 : memref<!tpu.dma_semaphore, #tpu.memory_space<semaphore_mem>>)
    %dma_wait3A_193 = arith.constant 0 : i32
    %dma_wait3A_194 = tpu.memref_slice %arg28[%dma_wait3A_193] : memref<196608xf32, #tpu.memory_space<vmem_shared>> -> memref<196608xf32, #tpu.memory_space<vmem_shared>>
    tpu.wait_indirect_dma semaphore(%arg37 : memref<!tpu.dma_semaphore, #tpu.memory_space<semaphore_mem>>) src(%arg30 : memref<4096xf32, #tpu.memory_space<vmem>>) dst(%dma_wait3A_194 : memref<196608xf32, #tpu.memory_space<vmem_shared>>)
    %dma_wait3A_195 = arith.constant 0 : i32
    %dma_wait3A_196 = tpu.memref_slice %arg28[%dma_wait3A_195] : memref<196608xf32, #tpu.memory_space<vmem_shared>> -> memref<196608xf32, #tpu.memory_space<vmem_shared>>
    tpu.wait_indirect_dma semaphore(%arg37 : memref<!tpu.dma_semaphore, #tpu.memory_space<semaphore_mem>>) src(%arg31 : memref<4096xf32, #tpu.memory_space<vmem>>) dst(%dma_wait3A_196 : memref<196608xf32, #tpu.memory_space<vmem_shared>>)
    %dma_wait3A_197 = arith.constant 0 : i32
    %dma_wait3A_198 = tpu.memref_slice %arg28[%dma_wait3A_197] : memref<196608xf32, #tpu.memory_space<vmem_shared>> -> memref<196608xf32, #tpu.memory_space<vmem_shared>>
    tpu.wait_indirect_dma semaphore(%arg37 : memref<!tpu.dma_semaphore, #tpu.memory_space<semaphore_mem>>) src(%arg32 : memref<4096xf32, #tpu.memory_space<vmem>>) dst(%dma_wait3A_198 : memref<196608xf32, #tpu.memory_space<vmem_shared>>)
    "tpu.region"() ({
      %run_scoped3A = tpu.sem_alloc : memref<!tpu.dma_semaphore, #tpu.memory_space<semaphore_mem>>
      %dma_start3A_373 = tpu.memref_slice %arg28[%mul3A_91] : memref<196608xf32, #tpu.memory_space<vmem_shared>> -> memref<12288xf32, #tpu.memory_space<vmem_shared>>
      %dma_start3A_374 = tpu.memref_slice %arg28[%mul3A_91] : memref<196608xf32, #tpu.memory_space<vmem_shared>> -> memref<12288xf32, #tpu.memory_space<vmem_shared>>
      tpu.enqueue_dma source(%dma_start3A_374 : memref<12288xf32, #tpu.memory_space<vmem_shared>>) target(%arg36 : memref<12288xf32, #tpu.memory_space<vmem>>) target_semaphore(%run_scoped3A : memref<!tpu.dma_semaphore, #tpu.memory_space<semaphore_mem>>)
      %dma_wait3A_375 = tpu.memref_slice %arg28[%mul3A_91] : memref<196608xf32, #tpu.memory_space<vmem_shared>> -> memref<12288xf32, #tpu.memory_space<vmem_shared>>
      %dma_wait3A_376 = tpu.memref_slice %arg28[%mul3A_91] : memref<196608xf32, #tpu.memory_space<vmem_shared>> -> memref<12288xf32, #tpu.memory_space<vmem_shared>>
      tpu.wait_dma2 semaphore(%run_scoped3A : memref<!tpu.dma_semaphore, #tpu.memory_space<semaphore_mem>>) src(%dma_wait3A_376 : memref<12288xf32, #tpu.memory_space<vmem_shared>>) dst(%arg36 : memref<12288xf32, #tpu.memory_space<vmem>>)
      tpu.yield
    }) : () -> ()
    %mul3A_199 = arith.constant 4096 : i32
    %mul3A_200 = arith.muli %add3A_172, %mul3A_199 : i32
    %mul3A_201 = arith.constant 3 : i32
    %mul3A_202 = arith.muli %mul3A_200, %mul3A_201 : i32
    "tpu.region"() ({
      %run_scoped3A = tpu.sem_alloc : memref<!tpu.dma_semaphore, #tpu.memory_space<semaphore_mem>>
      %dma_start3A_373 = tpu.memref_slice %arg9[%mul3A_202] : memref<3145728xf32, #tpu.memory_space<hbm>> -> memref<12288xf32, #tpu.memory_space<hbm>>
      %dma_start3A_374 = tpu.memref_slice %arg9[%mul3A_202] : memref<3145728xf32, #tpu.memory_space<hbm>> -> memref<12288xf32, #tpu.memory_space<hbm>>
      tpu.enqueue_dma source(%arg36 : memref<12288xf32, #tpu.memory_space<vmem>>) target(%dma_start3A_374 : memref<12288xf32, #tpu.memory_space<hbm>>) target_semaphore(%run_scoped3A : memref<!tpu.dma_semaphore, #tpu.memory_space<semaphore_mem>>)
      %dma_wait3A_375 = tpu.memref_slice %arg9[%mul3A_202] : memref<3145728xf32, #tpu.memory_space<hbm>> -> memref<12288xf32, #tpu.memory_space<hbm>>
      %dma_wait3A_376 = tpu.memref_slice %arg9[%mul3A_202] : memref<3145728xf32, #tpu.memory_space<hbm>> -> memref<12288xf32, #tpu.memory_space<hbm>>
      tpu.wait_dma2 semaphore(%run_scoped3A : memref<!tpu.dma_semaphore, #tpu.memory_space<semaphore_mem>>) src(%arg36 : memref<12288xf32, #tpu.memory_space<vmem>>) dst(%dma_wait3A_376 : memref<12288xf32, #tpu.memory_space<hbm>>)
      tpu.yield
    }) : () -> ()
    %mul3A_203 = arith.constant 8 : i32
    %mul3A_204 = arith.muli %add3A, %mul3A_203 : i32
    %add3A_205 = arith.constant 3 : i32
    %add3A_206 = arith.addi %mul3A_204, %add3A_205 : i32
    %mul3A_207 = arith.constant 4096 : i32
    %mul3A_208 = arith.muli %add3A_206, %mul3A_207 : i32
    "tpu.region"() ({
      %run_scoped3A = tpu.sem_alloc : memref<!tpu.dma_semaphore, #tpu.memory_space<semaphore_mem>>
      %dma_start3A_373 = tpu.memref_slice %arg8[%mul3A_208] : memref<1048576xi32, #tpu.memory_space<hbm>> -> memref<4096xi32, #tpu.memory_space<hbm>>
      %dma_start3A_374 = tpu.memref_slice %arg8[%mul3A_208] : memref<1048576xi32, #tpu.memory_space<hbm>> -> memref<4096xi32, #tpu.memory_space<hbm>>
      tpu.enqueue_dma source(%dma_start3A_374 : memref<4096xi32, #tpu.memory_space<hbm>>) target(%arg29 : memref<4096xi32, #tpu.memory_space<vmem>>) target_semaphore(%run_scoped3A : memref<!tpu.dma_semaphore, #tpu.memory_space<semaphore_mem>>)
      %dma_wait3A_375 = tpu.memref_slice %arg8[%mul3A_208] : memref<1048576xi32, #tpu.memory_space<hbm>> -> memref<4096xi32, #tpu.memory_space<hbm>>
      %dma_wait3A_376 = tpu.memref_slice %arg8[%mul3A_208] : memref<1048576xi32, #tpu.memory_space<hbm>> -> memref<4096xi32, #tpu.memory_space<hbm>>
      tpu.wait_dma2 semaphore(%run_scoped3A : memref<!tpu.dma_semaphore, #tpu.memory_space<semaphore_mem>>) src(%dma_wait3A_376 : memref<4096xi32, #tpu.memory_space<hbm>>) dst(%arg29 : memref<4096xi32, #tpu.memory_space<vmem>>)
      tpu.yield
    }) : () -> ()
    %dma_start3A_209 = arith.constant 0 : i32
    %dma_start3A_210 = tpu.memref_slice %arg25[%dma_start3A_209] : memref<100352xf32, #tpu.memory_space<vmem_shared>> -> memref<100352xf32, #tpu.memory_space<vmem_shared>>
    tpu.enqueue_indirect_dma source(%dma_start3A_210 : memref<100352xf32, #tpu.memory_space<vmem_shared>>) target(%arg30 : memref<4096xf32, #tpu.memory_space<vmem>>) offsets(%arg29 : memref<4096xi32, #tpu.memory_space<vmem>>) semaphore(%arg37 : memref<!tpu.dma_semaphore, #tpu.memory_space<semaphore_mem>>)
    %dma_start3A_211 = arith.constant 0 : i32
    %dma_start3A_212 = tpu.memref_slice %arg26[%dma_start3A_211] : memref<100352xf32, #tpu.memory_space<vmem_shared>> -> memref<100352xf32, #tpu.memory_space<vmem_shared>>
    tpu.enqueue_indirect_dma source(%dma_start3A_212 : memref<100352xf32, #tpu.memory_space<vmem_shared>>) target(%arg31 : memref<4096xf32, #tpu.memory_space<vmem>>) offsets(%arg29 : memref<4096xi32, #tpu.memory_space<vmem>>) semaphore(%arg37 : memref<!tpu.dma_semaphore, #tpu.memory_space<semaphore_mem>>)
    %dma_start3A_213 = arith.constant 0 : i32
    %dma_start3A_214 = tpu.memref_slice %arg27[%dma_start3A_213] : memref<100352xf32, #tpu.memory_space<vmem_shared>> -> memref<100352xf32, #tpu.memory_space<vmem_shared>>
    tpu.enqueue_indirect_dma source(%dma_start3A_214 : memref<100352xf32, #tpu.memory_space<vmem_shared>>) target(%arg32 : memref<4096xf32, #tpu.memory_space<vmem>>) offsets(%arg29 : memref<4096xi32, #tpu.memory_space<vmem>>) semaphore(%arg37 : memref<!tpu.dma_semaphore, #tpu.memory_space<semaphore_mem>>)
    %dma_wait3A_215 = arith.constant 0 : i32
    %dma_wait3A_216 = tpu.memref_slice %arg25[%dma_wait3A_215] : memref<100352xf32, #tpu.memory_space<vmem_shared>> -> memref<100352xf32, #tpu.memory_space<vmem_shared>>
    tpu.wait_indirect_dma semaphore(%arg37 : memref<!tpu.dma_semaphore, #tpu.memory_space<semaphore_mem>>) src(%dma_wait3A_216 : memref<100352xf32, #tpu.memory_space<vmem_shared>>) dst(%arg30 : memref<4096xf32, #tpu.memory_space<vmem>>)
    %dma_wait3A_217 = arith.constant 0 : i32
    %dma_wait3A_218 = tpu.memref_slice %arg26[%dma_wait3A_217] : memref<100352xf32, #tpu.memory_space<vmem_shared>> -> memref<100352xf32, #tpu.memory_space<vmem_shared>>
    tpu.wait_indirect_dma semaphore(%arg37 : memref<!tpu.dma_semaphore, #tpu.memory_space<semaphore_mem>>) src(%dma_wait3A_218 : memref<100352xf32, #tpu.memory_space<vmem_shared>>) dst(%arg31 : memref<4096xf32, #tpu.memory_space<vmem>>)
    %dma_wait3A_219 = arith.constant 0 : i32
    %dma_wait3A_220 = tpu.memref_slice %arg27[%dma_wait3A_219] : memref<100352xf32, #tpu.memory_space<vmem_shared>> -> memref<100352xf32, #tpu.memory_space<vmem_shared>>
    tpu.wait_indirect_dma semaphore(%arg37 : memref<!tpu.dma_semaphore, #tpu.memory_space<semaphore_mem>>) src(%dma_wait3A_220 : memref<100352xf32, #tpu.memory_space<vmem_shared>>) dst(%arg32 : memref<4096xf32, #tpu.memory_space<vmem>>)
    %dma_start3A_221 = arith.constant 0 : i32
    %dma_start3A_222 = tpu.memref_slice %arg28[%dma_start3A_221] : memref<196608xf32, #tpu.memory_space<vmem_shared>> -> memref<196608xf32, #tpu.memory_space<vmem_shared>>
    tpu.enqueue_indirect_dma source(%arg30 : memref<4096xf32, #tpu.memory_space<vmem>>) target(%dma_start3A_222 : memref<196608xf32, #tpu.memory_space<vmem_shared>>) offsets(%arg33 : memref<4096xi32, #tpu.memory_space<vmem>>) semaphore(%arg37 : memref<!tpu.dma_semaphore, #tpu.memory_space<semaphore_mem>>)
    %dma_start3A_223 = arith.constant 0 : i32
    %dma_start3A_224 = tpu.memref_slice %arg28[%dma_start3A_223] : memref<196608xf32, #tpu.memory_space<vmem_shared>> -> memref<196608xf32, #tpu.memory_space<vmem_shared>>
    tpu.enqueue_indirect_dma source(%arg31 : memref<4096xf32, #tpu.memory_space<vmem>>) target(%dma_start3A_224 : memref<196608xf32, #tpu.memory_space<vmem_shared>>) offsets(%arg34 : memref<4096xi32, #tpu.memory_space<vmem>>) semaphore(%arg37 : memref<!tpu.dma_semaphore, #tpu.memory_space<semaphore_mem>>)
    %dma_start3A_225 = arith.constant 0 : i32
    %dma_start3A_226 = tpu.memref_slice %arg28[%dma_start3A_225] : memref<196608xf32, #tpu.memory_space<vmem_shared>> -> memref<196608xf32, #tpu.memory_space<vmem_shared>>
    tpu.enqueue_indirect_dma source(%arg32 : memref<4096xf32, #tpu.memory_space<vmem>>) target(%dma_start3A_226 : memref<196608xf32, #tpu.memory_space<vmem_shared>>) offsets(%arg35 : memref<4096xi32, #tpu.memory_space<vmem>>) semaphore(%arg37 : memref<!tpu.dma_semaphore, #tpu.memory_space<semaphore_mem>>)
    %dma_wait3A_227 = arith.constant 0 : i32
    %dma_wait3A_228 = tpu.memref_slice %arg28[%dma_wait3A_227] : memref<196608xf32, #tpu.memory_space<vmem_shared>> -> memref<196608xf32, #tpu.memory_space<vmem_shared>>
    tpu.wait_indirect_dma semaphore(%arg37 : memref<!tpu.dma_semaphore, #tpu.memory_space<semaphore_mem>>) src(%arg30 : memref<4096xf32, #tpu.memory_space<vmem>>) dst(%dma_wait3A_228 : memref<196608xf32, #tpu.memory_space<vmem_shared>>)
    %dma_wait3A_229 = arith.constant 0 : i32
    %dma_wait3A_230 = tpu.memref_slice %arg28[%dma_wait3A_229] : memref<196608xf32, #tpu.memory_space<vmem_shared>> -> memref<196608xf32, #tpu.memory_space<vmem_shared>>
    tpu.wait_indirect_dma semaphore(%arg37 : memref<!tpu.dma_semaphore, #tpu.memory_space<semaphore_mem>>) src(%arg31 : memref<4096xf32, #tpu.memory_space<vmem>>) dst(%dma_wait3A_230 : memref<196608xf32, #tpu.memory_space<vmem_shared>>)
    %dma_wait3A_231 = arith.constant 0 : i32
    %dma_wait3A_232 = tpu.memref_slice %arg28[%dma_wait3A_231] : memref<196608xf32, #tpu.memory_space<vmem_shared>> -> memref<196608xf32, #tpu.memory_space<vmem_shared>>
    tpu.wait_indirect_dma semaphore(%arg37 : memref<!tpu.dma_semaphore, #tpu.memory_space<semaphore_mem>>) src(%arg32 : memref<4096xf32, #tpu.memory_space<vmem>>) dst(%dma_wait3A_232 : memref<196608xf32, #tpu.memory_space<vmem_shared>>)
    "tpu.region"() ({
      %run_scoped3A = tpu.sem_alloc : memref<!tpu.dma_semaphore, #tpu.memory_space<semaphore_mem>>
      %dma_start3A_373 = tpu.memref_slice %arg28[%mul3A_91] : memref<196608xf32, #tpu.memory_space<vmem_shared>> -> memref<12288xf32, #tpu.memory_space<vmem_shared>>
      %dma_start3A_374 = tpu.memref_slice %arg28[%mul3A_91] : memref<196608xf32, #tpu.memory_space<vmem_shared>> -> memref<12288xf32, #tpu.memory_space<vmem_shared>>
      tpu.enqueue_dma source(%dma_start3A_374 : memref<12288xf32, #tpu.memory_space<vmem_shared>>) target(%arg36 : memref<12288xf32, #tpu.memory_space<vmem>>) target_semaphore(%run_scoped3A : memref<!tpu.dma_semaphore, #tpu.memory_space<semaphore_mem>>)
      %dma_wait3A_375 = tpu.memref_slice %arg28[%mul3A_91] : memref<196608xf32, #tpu.memory_space<vmem_shared>> -> memref<12288xf32, #tpu.memory_space<vmem_shared>>
      %dma_wait3A_376 = tpu.memref_slice %arg28[%mul3A_91] : memref<196608xf32, #tpu.memory_space<vmem_shared>> -> memref<12288xf32, #tpu.memory_space<vmem_shared>>
      tpu.wait_dma2 semaphore(%run_scoped3A : memref<!tpu.dma_semaphore, #tpu.memory_space<semaphore_mem>>) src(%dma_wait3A_376 : memref<12288xf32, #tpu.memory_space<vmem_shared>>) dst(%arg36 : memref<12288xf32, #tpu.memory_space<vmem>>)
      tpu.yield
    }) : () -> ()
    %mul3A_233 = arith.constant 4096 : i32
    %mul3A_234 = arith.muli %add3A_206, %mul3A_233 : i32
    %mul3A_235 = arith.constant 3 : i32
    %mul3A_236 = arith.muli %mul3A_234, %mul3A_235 : i32
    "tpu.region"() ({
      %run_scoped3A = tpu.sem_alloc : memref<!tpu.dma_semaphore, #tpu.memory_space<semaphore_mem>>
      %dma_start3A_373 = tpu.memref_slice %arg9[%mul3A_236] : memref<3145728xf32, #tpu.memory_space<hbm>> -> memref<12288xf32, #tpu.memory_space<hbm>>
      %dma_start3A_374 = tpu.memref_slice %arg9[%mul3A_236] : memref<3145728xf32, #tpu.memory_space<hbm>> -> memref<12288xf32, #tpu.memory_space<hbm>>
      tpu.enqueue_dma source(%arg36 : memref<12288xf32, #tpu.memory_space<vmem>>) target(%dma_start3A_374 : memref<12288xf32, #tpu.memory_space<hbm>>) target_semaphore(%run_scoped3A : memref<!tpu.dma_semaphore, #tpu.memory_space<semaphore_mem>>)
      %dma_wait3A_375 = tpu.memref_slice %arg9[%mul3A_236] : memref<3145728xf32, #tpu.memory_space<hbm>> -> memref<12288xf32, #tpu.memory_space<hbm>>
      %dma_wait3A_376 = tpu.memref_slice %arg9[%mul3A_236] : memref<3145728xf32, #tpu.memory_space<hbm>> -> memref<12288xf32, #tpu.memory_space<hbm>>
      tpu.wait_dma2 semaphore(%run_scoped3A : memref<!tpu.dma_semaphore, #tpu.memory_space<semaphore_mem>>) src(%arg36 : memref<12288xf32, #tpu.memory_space<vmem>>) dst(%dma_wait3A_376 : memref<12288xf32, #tpu.memory_space<hbm>>)
      tpu.yield
    }) : () -> ()
    %mul3A_237 = arith.constant 8 : i32
    %mul3A_238 = arith.muli %add3A, %mul3A_237 : i32
    %add3A_239 = arith.constant 4 : i32
    %add3A_240 = arith.addi %mul3A_238, %add3A_239 : i32
    %mul3A_241 = arith.constant 4096 : i32
    %mul3A_242 = arith.muli %add3A_240, %mul3A_241 : i32
    "tpu.region"() ({
      %run_scoped3A = tpu.sem_alloc : memref<!tpu.dma_semaphore, #tpu.memory_space<semaphore_mem>>
      %dma_start3A_373 = tpu.memref_slice %arg8[%mul3A_242] : memref<1048576xi32, #tpu.memory_space<hbm>> -> memref<4096xi32, #tpu.memory_space<hbm>>
      %dma_start3A_374 = tpu.memref_slice %arg8[%mul3A_242] : memref<1048576xi32, #tpu.memory_space<hbm>> -> memref<4096xi32, #tpu.memory_space<hbm>>
      tpu.enqueue_dma source(%dma_start3A_374 : memref<4096xi32, #tpu.memory_space<hbm>>) target(%arg29 : memref<4096xi32, #tpu.memory_space<vmem>>) target_semaphore(%run_scoped3A : memref<!tpu.dma_semaphore, #tpu.memory_space<semaphore_mem>>)
      %dma_wait3A_375 = tpu.memref_slice %arg8[%mul3A_242] : memref<1048576xi32, #tpu.memory_space<hbm>> -> memref<4096xi32, #tpu.memory_space<hbm>>
      %dma_wait3A_376 = tpu.memref_slice %arg8[%mul3A_242] : memref<1048576xi32, #tpu.memory_space<hbm>> -> memref<4096xi32, #tpu.memory_space<hbm>>
      tpu.wait_dma2 semaphore(%run_scoped3A : memref<!tpu.dma_semaphore, #tpu.memory_space<semaphore_mem>>) src(%dma_wait3A_376 : memref<4096xi32, #tpu.memory_space<hbm>>) dst(%arg29 : memref<4096xi32, #tpu.memory_space<vmem>>)
      tpu.yield
    }) : () -> ()
    %dma_start3A_243 = arith.constant 0 : i32
    %dma_start3A_244 = tpu.memref_slice %arg25[%dma_start3A_243] : memref<100352xf32, #tpu.memory_space<vmem_shared>> -> memref<100352xf32, #tpu.memory_space<vmem_shared>>
    tpu.enqueue_indirect_dma source(%dma_start3A_244 : memref<100352xf32, #tpu.memory_space<vmem_shared>>) target(%arg30 : memref<4096xf32, #tpu.memory_space<vmem>>) offsets(%arg29 : memref<4096xi32, #tpu.memory_space<vmem>>) semaphore(%arg37 : memref<!tpu.dma_semaphore, #tpu.memory_space<semaphore_mem>>)
    %dma_start3A_245 = arith.constant 0 : i32
    %dma_start3A_246 = tpu.memref_slice %arg26[%dma_start3A_245] : memref<100352xf32, #tpu.memory_space<vmem_shared>> -> memref<100352xf32, #tpu.memory_space<vmem_shared>>
    tpu.enqueue_indirect_dma source(%dma_start3A_246 : memref<100352xf32, #tpu.memory_space<vmem_shared>>) target(%arg31 : memref<4096xf32, #tpu.memory_space<vmem>>) offsets(%arg29 : memref<4096xi32, #tpu.memory_space<vmem>>) semaphore(%arg37 : memref<!tpu.dma_semaphore, #tpu.memory_space<semaphore_mem>>)
    %dma_start3A_247 = arith.constant 0 : i32
    %dma_start3A_248 = tpu.memref_slice %arg27[%dma_start3A_247] : memref<100352xf32, #tpu.memory_space<vmem_shared>> -> memref<100352xf32, #tpu.memory_space<vmem_shared>>
    tpu.enqueue_indirect_dma source(%dma_start3A_248 : memref<100352xf32, #tpu.memory_space<vmem_shared>>) target(%arg32 : memref<4096xf32, #tpu.memory_space<vmem>>) offsets(%arg29 : memref<4096xi32, #tpu.memory_space<vmem>>) semaphore(%arg37 : memref<!tpu.dma_semaphore, #tpu.memory_space<semaphore_mem>>)
    %dma_wait3A_249 = arith.constant 0 : i32
    %dma_wait3A_250 = tpu.memref_slice %arg25[%dma_wait3A_249] : memref<100352xf32, #tpu.memory_space<vmem_shared>> -> memref<100352xf32, #tpu.memory_space<vmem_shared>>
    tpu.wait_indirect_dma semaphore(%arg37 : memref<!tpu.dma_semaphore, #tpu.memory_space<semaphore_mem>>) src(%dma_wait3A_250 : memref<100352xf32, #tpu.memory_space<vmem_shared>>) dst(%arg30 : memref<4096xf32, #tpu.memory_space<vmem>>)
    %dma_wait3A_251 = arith.constant 0 : i32
    %dma_wait3A_252 = tpu.memref_slice %arg26[%dma_wait3A_251] : memref<100352xf32, #tpu.memory_space<vmem_shared>> -> memref<100352xf32, #tpu.memory_space<vmem_shared>>
    tpu.wait_indirect_dma semaphore(%arg37 : memref<!tpu.dma_semaphore, #tpu.memory_space<semaphore_mem>>) src(%dma_wait3A_252 : memref<100352xf32, #tpu.memory_space<vmem_shared>>) dst(%arg31 : memref<4096xf32, #tpu.memory_space<vmem>>)
    %dma_wait3A_253 = arith.constant 0 : i32
    %dma_wait3A_254 = tpu.memref_slice %arg27[%dma_wait3A_253] : memref<100352xf32, #tpu.memory_space<vmem_shared>> -> memref<100352xf32, #tpu.memory_space<vmem_shared>>
    tpu.wait_indirect_dma semaphore(%arg37 : memref<!tpu.dma_semaphore, #tpu.memory_space<semaphore_mem>>) src(%dma_wait3A_254 : memref<100352xf32, #tpu.memory_space<vmem_shared>>) dst(%arg32 : memref<4096xf32, #tpu.memory_space<vmem>>)
    %dma_start3A_255 = arith.constant 0 : i32
    %dma_start3A_256 = tpu.memref_slice %arg28[%dma_start3A_255] : memref<196608xf32, #tpu.memory_space<vmem_shared>> -> memref<196608xf32, #tpu.memory_space<vmem_shared>>
    tpu.enqueue_indirect_dma source(%arg30 : memref<4096xf32, #tpu.memory_space<vmem>>) target(%dma_start3A_256 : memref<196608xf32, #tpu.memory_space<vmem_shared>>) offsets(%arg33 : memref<4096xi32, #tpu.memory_space<vmem>>) semaphore(%arg37 : memref<!tpu.dma_semaphore, #tpu.memory_space<semaphore_mem>>)
    %dma_start3A_257 = arith.constant 0 : i32
    %dma_start3A_258 = tpu.memref_slice %arg28[%dma_start3A_257] : memref<196608xf32, #tpu.memory_space<vmem_shared>> -> memref<196608xf32, #tpu.memory_space<vmem_shared>>
    tpu.enqueue_indirect_dma source(%arg31 : memref<4096xf32, #tpu.memory_space<vmem>>) target(%dma_start3A_258 : memref<196608xf32, #tpu.memory_space<vmem_shared>>) offsets(%arg34 : memref<4096xi32, #tpu.memory_space<vmem>>) semaphore(%arg37 : memref<!tpu.dma_semaphore, #tpu.memory_space<semaphore_mem>>)
    %dma_start3A_259 = arith.constant 0 : i32
    %dma_start3A_260 = tpu.memref_slice %arg28[%dma_start3A_259] : memref<196608xf32, #tpu.memory_space<vmem_shared>> -> memref<196608xf32, #tpu.memory_space<vmem_shared>>
    tpu.enqueue_indirect_dma source(%arg32 : memref<4096xf32, #tpu.memory_space<vmem>>) target(%dma_start3A_260 : memref<196608xf32, #tpu.memory_space<vmem_shared>>) offsets(%arg35 : memref<4096xi32, #tpu.memory_space<vmem>>) semaphore(%arg37 : memref<!tpu.dma_semaphore, #tpu.memory_space<semaphore_mem>>)
    %dma_wait3A_261 = arith.constant 0 : i32
    %dma_wait3A_262 = tpu.memref_slice %arg28[%dma_wait3A_261] : memref<196608xf32, #tpu.memory_space<vmem_shared>> -> memref<196608xf32, #tpu.memory_space<vmem_shared>>
    tpu.wait_indirect_dma semaphore(%arg37 : memref<!tpu.dma_semaphore, #tpu.memory_space<semaphore_mem>>) src(%arg30 : memref<4096xf32, #tpu.memory_space<vmem>>) dst(%dma_wait3A_262 : memref<196608xf32, #tpu.memory_space<vmem_shared>>)
    %dma_wait3A_263 = arith.constant 0 : i32
    %dma_wait3A_264 = tpu.memref_slice %arg28[%dma_wait3A_263] : memref<196608xf32, #tpu.memory_space<vmem_shared>> -> memref<196608xf32, #tpu.memory_space<vmem_shared>>
    tpu.wait_indirect_dma semaphore(%arg37 : memref<!tpu.dma_semaphore, #tpu.memory_space<semaphore_mem>>) src(%arg31 : memref<4096xf32, #tpu.memory_space<vmem>>) dst(%dma_wait3A_264 : memref<196608xf32, #tpu.memory_space<vmem_shared>>)
    %dma_wait3A_265 = arith.constant 0 : i32
    %dma_wait3A_266 = tpu.memref_slice %arg28[%dma_wait3A_265] : memref<196608xf32, #tpu.memory_space<vmem_shared>> -> memref<196608xf32, #tpu.memory_space<vmem_shared>>
    tpu.wait_indirect_dma semaphore(%arg37 : memref<!tpu.dma_semaphore, #tpu.memory_space<semaphore_mem>>) src(%arg32 : memref<4096xf32, #tpu.memory_space<vmem>>) dst(%dma_wait3A_266 : memref<196608xf32, #tpu.memory_space<vmem_shared>>)
    "tpu.region"() ({
      %run_scoped3A = tpu.sem_alloc : memref<!tpu.dma_semaphore, #tpu.memory_space<semaphore_mem>>
      %dma_start3A_373 = tpu.memref_slice %arg28[%mul3A_91] : memref<196608xf32, #tpu.memory_space<vmem_shared>> -> memref<12288xf32, #tpu.memory_space<vmem_shared>>
      %dma_start3A_374 = tpu.memref_slice %arg28[%mul3A_91] : memref<196608xf32, #tpu.memory_space<vmem_shared>> -> memref<12288xf32, #tpu.memory_space<vmem_shared>>
      tpu.enqueue_dma source(%dma_start3A_374 : memref<12288xf32, #tpu.memory_space<vmem_shared>>) target(%arg36 : memref<12288xf32, #tpu.memory_space<vmem>>) target_semaphore(%run_scoped3A : memref<!tpu.dma_semaphore, #tpu.memory_space<semaphore_mem>>)
      %dma_wait3A_375 = tpu.memref_slice %arg28[%mul3A_91] : memref<196608xf32, #tpu.memory_space<vmem_shared>> -> memref<12288xf32, #tpu.memory_space<vmem_shared>>
      %dma_wait3A_376 = tpu.memref_slice %arg28[%mul3A_91] : memref<196608xf32, #tpu.memory_space<vmem_shared>> -> memref<12288xf32, #tpu.memory_space<vmem_shared>>
      tpu.wait_dma2 semaphore(%run_scoped3A : memref<!tpu.dma_semaphore, #tpu.memory_space<semaphore_mem>>) src(%dma_wait3A_376 : memref<12288xf32, #tpu.memory_space<vmem_shared>>) dst(%arg36 : memref<12288xf32, #tpu.memory_space<vmem>>)
      tpu.yield
    }) : () -> ()
    %mul3A_267 = arith.constant 4096 : i32
    %mul3A_268 = arith.muli %add3A_240, %mul3A_267 : i32
    %mul3A_269 = arith.constant 3 : i32
    %mul3A_270 = arith.muli %mul3A_268, %mul3A_269 : i32
    "tpu.region"() ({
      %run_scoped3A = tpu.sem_alloc : memref<!tpu.dma_semaphore, #tpu.memory_space<semaphore_mem>>
      %dma_start3A_373 = tpu.memref_slice %arg9[%mul3A_270] : memref<3145728xf32, #tpu.memory_space<hbm>> -> memref<12288xf32, #tpu.memory_space<hbm>>
      %dma_start3A_374 = tpu.memref_slice %arg9[%mul3A_270] : memref<3145728xf32, #tpu.memory_space<hbm>> -> memref<12288xf32, #tpu.memory_space<hbm>>
      tpu.enqueue_dma source(%arg36 : memref<12288xf32, #tpu.memory_space<vmem>>) target(%dma_start3A_374 : memref<12288xf32, #tpu.memory_space<hbm>>) target_semaphore(%run_scoped3A : memref<!tpu.dma_semaphore, #tpu.memory_space<semaphore_mem>>)
      %dma_wait3A_375 = tpu.memref_slice %arg9[%mul3A_270] : memref<3145728xf32, #tpu.memory_space<hbm>> -> memref<12288xf32, #tpu.memory_space<hbm>>
      %dma_wait3A_376 = tpu.memref_slice %arg9[%mul3A_270] : memref<3145728xf32, #tpu.memory_space<hbm>> -> memref<12288xf32, #tpu.memory_space<hbm>>
      tpu.wait_dma2 semaphore(%run_scoped3A : memref<!tpu.dma_semaphore, #tpu.memory_space<semaphore_mem>>) src(%arg36 : memref<12288xf32, #tpu.memory_space<vmem>>) dst(%dma_wait3A_376 : memref<12288xf32, #tpu.memory_space<hbm>>)
      tpu.yield
    }) : () -> ()
    %mul3A_271 = arith.constant 8 : i32
    %mul3A_272 = arith.muli %add3A, %mul3A_271 : i32
    %add3A_273 = arith.constant 5 : i32
    %add3A_274 = arith.addi %mul3A_272, %add3A_273 : i32
    %mul3A_275 = arith.constant 4096 : i32
    %mul3A_276 = arith.muli %add3A_274, %mul3A_275 : i32
    "tpu.region"() ({
      %run_scoped3A = tpu.sem_alloc : memref<!tpu.dma_semaphore, #tpu.memory_space<semaphore_mem>>
      %dma_start3A_373 = tpu.memref_slice %arg8[%mul3A_276] : memref<1048576xi32, #tpu.memory_space<hbm>> -> memref<4096xi32, #tpu.memory_space<hbm>>
      %dma_start3A_374 = tpu.memref_slice %arg8[%mul3A_276] : memref<1048576xi32, #tpu.memory_space<hbm>> -> memref<4096xi32, #tpu.memory_space<hbm>>
      tpu.enqueue_dma source(%dma_start3A_374 : memref<4096xi32, #tpu.memory_space<hbm>>) target(%arg29 : memref<4096xi32, #tpu.memory_space<vmem>>) target_semaphore(%run_scoped3A : memref<!tpu.dma_semaphore, #tpu.memory_space<semaphore_mem>>)
      %dma_wait3A_375 = tpu.memref_slice %arg8[%mul3A_276] : memref<1048576xi32, #tpu.memory_space<hbm>> -> memref<4096xi32, #tpu.memory_space<hbm>>
      %dma_wait3A_376 = tpu.memref_slice %arg8[%mul3A_276] : memref<1048576xi32, #tpu.memory_space<hbm>> -> memref<4096xi32, #tpu.memory_space<hbm>>
      tpu.wait_dma2 semaphore(%run_scoped3A : memref<!tpu.dma_semaphore, #tpu.memory_space<semaphore_mem>>) src(%dma_wait3A_376 : memref<4096xi32, #tpu.memory_space<hbm>>) dst(%arg29 : memref<4096xi32, #tpu.memory_space<vmem>>)
      tpu.yield
    }) : () -> ()
    %dma_start3A_277 = arith.constant 0 : i32
    %dma_start3A_278 = tpu.memref_slice %arg25[%dma_start3A_277] : memref<100352xf32, #tpu.memory_space<vmem_shared>> -> memref<100352xf32, #tpu.memory_space<vmem_shared>>
    tpu.enqueue_indirect_dma source(%dma_start3A_278 : memref<100352xf32, #tpu.memory_space<vmem_shared>>) target(%arg30 : memref<4096xf32, #tpu.memory_space<vmem>>) offsets(%arg29 : memref<4096xi32, #tpu.memory_space<vmem>>) semaphore(%arg37 : memref<!tpu.dma_semaphore, #tpu.memory_space<semaphore_mem>>)
    %dma_start3A_279 = arith.constant 0 : i32
    %dma_start3A_280 = tpu.memref_slice %arg26[%dma_start3A_279] : memref<100352xf32, #tpu.memory_space<vmem_shared>> -> memref<100352xf32, #tpu.memory_space<vmem_shared>>
    tpu.enqueue_indirect_dma source(%dma_start3A_280 : memref<100352xf32, #tpu.memory_space<vmem_shared>>) target(%arg31 : memref<4096xf32, #tpu.memory_space<vmem>>) offsets(%arg29 : memref<4096xi32, #tpu.memory_space<vmem>>) semaphore(%arg37 : memref<!tpu.dma_semaphore, #tpu.memory_space<semaphore_mem>>)
    %dma_start3A_281 = arith.constant 0 : i32
    %dma_start3A_282 = tpu.memref_slice %arg27[%dma_start3A_281] : memref<100352xf32, #tpu.memory_space<vmem_shared>> -> memref<100352xf32, #tpu.memory_space<vmem_shared>>
    tpu.enqueue_indirect_dma source(%dma_start3A_282 : memref<100352xf32, #tpu.memory_space<vmem_shared>>) target(%arg32 : memref<4096xf32, #tpu.memory_space<vmem>>) offsets(%arg29 : memref<4096xi32, #tpu.memory_space<vmem>>) semaphore(%arg37 : memref<!tpu.dma_semaphore, #tpu.memory_space<semaphore_mem>>)
    %dma_wait3A_283 = arith.constant 0 : i32
    %dma_wait3A_284 = tpu.memref_slice %arg25[%dma_wait3A_283] : memref<100352xf32, #tpu.memory_space<vmem_shared>> -> memref<100352xf32, #tpu.memory_space<vmem_shared>>
    tpu.wait_indirect_dma semaphore(%arg37 : memref<!tpu.dma_semaphore, #tpu.memory_space<semaphore_mem>>) src(%dma_wait3A_284 : memref<100352xf32, #tpu.memory_space<vmem_shared>>) dst(%arg30 : memref<4096xf32, #tpu.memory_space<vmem>>)
    %dma_wait3A_285 = arith.constant 0 : i32
    %dma_wait3A_286 = tpu.memref_slice %arg26[%dma_wait3A_285] : memref<100352xf32, #tpu.memory_space<vmem_shared>> -> memref<100352xf32, #tpu.memory_space<vmem_shared>>
    tpu.wait_indirect_dma semaphore(%arg37 : memref<!tpu.dma_semaphore, #tpu.memory_space<semaphore_mem>>) src(%dma_wait3A_286 : memref<100352xf32, #tpu.memory_space<vmem_shared>>) dst(%arg31 : memref<4096xf32, #tpu.memory_space<vmem>>)
    %dma_wait3A_287 = arith.constant 0 : i32
    %dma_wait3A_288 = tpu.memref_slice %arg27[%dma_wait3A_287] : memref<100352xf32, #tpu.memory_space<vmem_shared>> -> memref<100352xf32, #tpu.memory_space<vmem_shared>>
    tpu.wait_indirect_dma semaphore(%arg37 : memref<!tpu.dma_semaphore, #tpu.memory_space<semaphore_mem>>) src(%dma_wait3A_288 : memref<100352xf32, #tpu.memory_space<vmem_shared>>) dst(%arg32 : memref<4096xf32, #tpu.memory_space<vmem>>)
    %dma_start3A_289 = arith.constant 0 : i32
    %dma_start3A_290 = tpu.memref_slice %arg28[%dma_start3A_289] : memref<196608xf32, #tpu.memory_space<vmem_shared>> -> memref<196608xf32, #tpu.memory_space<vmem_shared>>
    tpu.enqueue_indirect_dma source(%arg30 : memref<4096xf32, #tpu.memory_space<vmem>>) target(%dma_start3A_290 : memref<196608xf32, #tpu.memory_space<vmem_shared>>) offsets(%arg33 : memref<4096xi32, #tpu.memory_space<vmem>>) semaphore(%arg37 : memref<!tpu.dma_semaphore, #tpu.memory_space<semaphore_mem>>)
    %dma_start3A_291 = arith.constant 0 : i32
    %dma_start3A_292 = tpu.memref_slice %arg28[%dma_start3A_291] : memref<196608xf32, #tpu.memory_space<vmem_shared>> -> memref<196608xf32, #tpu.memory_space<vmem_shared>>
    tpu.enqueue_indirect_dma source(%arg31 : memref<4096xf32, #tpu.memory_space<vmem>>) target(%dma_start3A_292 : memref<196608xf32, #tpu.memory_space<vmem_shared>>) offsets(%arg34 : memref<4096xi32, #tpu.memory_space<vmem>>) semaphore(%arg37 : memref<!tpu.dma_semaphore, #tpu.memory_space<semaphore_mem>>)
    %dma_start3A_293 = arith.constant 0 : i32
    %dma_start3A_294 = tpu.memref_slice %arg28[%dma_start3A_293] : memref<196608xf32, #tpu.memory_space<vmem_shared>> -> memref<196608xf32, #tpu.memory_space<vmem_shared>>
    tpu.enqueue_indirect_dma source(%arg32 : memref<4096xf32, #tpu.memory_space<vmem>>) target(%dma_start3A_294 : memref<196608xf32, #tpu.memory_space<vmem_shared>>) offsets(%arg35 : memref<4096xi32, #tpu.memory_space<vmem>>) semaphore(%arg37 : memref<!tpu.dma_semaphore, #tpu.memory_space<semaphore_mem>>)
    %dma_wait3A_295 = arith.constant 0 : i32
    %dma_wait3A_296 = tpu.memref_slice %arg28[%dma_wait3A_295] : memref<196608xf32, #tpu.memory_space<vmem_shared>> -> memref<196608xf32, #tpu.memory_space<vmem_shared>>
    tpu.wait_indirect_dma semaphore(%arg37 : memref<!tpu.dma_semaphore, #tpu.memory_space<semaphore_mem>>) src(%arg30 : memref<4096xf32, #tpu.memory_space<vmem>>) dst(%dma_wait3A_296 : memref<196608xf32, #tpu.memory_space<vmem_shared>>)
    %dma_wait3A_297 = arith.constant 0 : i32
    %dma_wait3A_298 = tpu.memref_slice %arg28[%dma_wait3A_297] : memref<196608xf32, #tpu.memory_space<vmem_shared>> -> memref<196608xf32, #tpu.memory_space<vmem_shared>>
    tpu.wait_indirect_dma semaphore(%arg37 : memref<!tpu.dma_semaphore, #tpu.memory_space<semaphore_mem>>) src(%arg31 : memref<4096xf32, #tpu.memory_space<vmem>>) dst(%dma_wait3A_298 : memref<196608xf32, #tpu.memory_space<vmem_shared>>)
    %dma_wait3A_299 = arith.constant 0 : i32
    %dma_wait3A_300 = tpu.memref_slice %arg28[%dma_wait3A_299] : memref<196608xf32, #tpu.memory_space<vmem_shared>> -> memref<196608xf32, #tpu.memory_space<vmem_shared>>
    tpu.wait_indirect_dma semaphore(%arg37 : memref<!tpu.dma_semaphore, #tpu.memory_space<semaphore_mem>>) src(%arg32 : memref<4096xf32, #tpu.memory_space<vmem>>) dst(%dma_wait3A_300 : memref<196608xf32, #tpu.memory_space<vmem_shared>>)
    "tpu.region"() ({
      %run_scoped3A = tpu.sem_alloc : memref<!tpu.dma_semaphore, #tpu.memory_space<semaphore_mem>>
      %dma_start3A_373 = tpu.memref_slice %arg28[%mul3A_91] : memref<196608xf32, #tpu.memory_space<vmem_shared>> -> memref<12288xf32, #tpu.memory_space<vmem_shared>>
      %dma_start3A_374 = tpu.memref_slice %arg28[%mul3A_91] : memref<196608xf32, #tpu.memory_space<vmem_shared>> -> memref<12288xf32, #tpu.memory_space<vmem_shared>>
      tpu.enqueue_dma source(%dma_start3A_374 : memref<12288xf32, #tpu.memory_space<vmem_shared>>) target(%arg36 : memref<12288xf32, #tpu.memory_space<vmem>>) target_semaphore(%run_scoped3A : memref<!tpu.dma_semaphore, #tpu.memory_space<semaphore_mem>>)
      %dma_wait3A_375 = tpu.memref_slice %arg28[%mul3A_91] : memref<196608xf32, #tpu.memory_space<vmem_shared>> -> memref<12288xf32, #tpu.memory_space<vmem_shared>>
      %dma_wait3A_376 = tpu.memref_slice %arg28[%mul3A_91] : memref<196608xf32, #tpu.memory_space<vmem_shared>> -> memref<12288xf32, #tpu.memory_space<vmem_shared>>
      tpu.wait_dma2 semaphore(%run_scoped3A : memref<!tpu.dma_semaphore, #tpu.memory_space<semaphore_mem>>) src(%dma_wait3A_376 : memref<12288xf32, #tpu.memory_space<vmem_shared>>) dst(%arg36 : memref<12288xf32, #tpu.memory_space<vmem>>)
      tpu.yield
    }) : () -> ()
    %mul3A_301 = arith.constant 4096 : i32
    %mul3A_302 = arith.muli %add3A_274, %mul3A_301 : i32
    %mul3A_303 = arith.constant 3 : i32
    %mul3A_304 = arith.muli %mul3A_302, %mul3A_303 : i32
    "tpu.region"() ({
      %run_scoped3A = tpu.sem_alloc : memref<!tpu.dma_semaphore, #tpu.memory_space<semaphore_mem>>
      %dma_start3A_373 = tpu.memref_slice %arg9[%mul3A_304] : memref<3145728xf32, #tpu.memory_space<hbm>> -> memref<12288xf32, #tpu.memory_space<hbm>>
      %dma_start3A_374 = tpu.memref_slice %arg9[%mul3A_304] : memref<3145728xf32, #tpu.memory_space<hbm>> -> memref<12288xf32, #tpu.memory_space<hbm>>
      tpu.enqueue_dma source(%arg36 : memref<12288xf32, #tpu.memory_space<vmem>>) target(%dma_start3A_374 : memref<12288xf32, #tpu.memory_space<hbm>>) target_semaphore(%run_scoped3A : memref<!tpu.dma_semaphore, #tpu.memory_space<semaphore_mem>>)
      %dma_wait3A_375 = tpu.memref_slice %arg9[%mul3A_304] : memref<3145728xf32, #tpu.memory_space<hbm>> -> memref<12288xf32, #tpu.memory_space<hbm>>
      %dma_wait3A_376 = tpu.memref_slice %arg9[%mul3A_304] : memref<3145728xf32, #tpu.memory_space<hbm>> -> memref<12288xf32, #tpu.memory_space<hbm>>
      tpu.wait_dma2 semaphore(%run_scoped3A : memref<!tpu.dma_semaphore, #tpu.memory_space<semaphore_mem>>) src(%arg36 : memref<12288xf32, #tpu.memory_space<vmem>>) dst(%dma_wait3A_376 : memref<12288xf32, #tpu.memory_space<hbm>>)
      tpu.yield
    }) : () -> ()
    %mul3A_305 = arith.constant 8 : i32
    %mul3A_306 = arith.muli %add3A, %mul3A_305 : i32
    %add3A_307 = arith.constant 6 : i32
    %add3A_308 = arith.addi %mul3A_306, %add3A_307 : i32
    %mul3A_309 = arith.constant 4096 : i32
    %mul3A_310 = arith.muli %add3A_308, %mul3A_309 : i32
    "tpu.region"() ({
      %run_scoped3A = tpu.sem_alloc : memref<!tpu.dma_semaphore, #tpu.memory_space<semaphore_mem>>
      %dma_start3A_373 = tpu.memref_slice %arg8[%mul3A_310] : memref<1048576xi32, #tpu.memory_space<hbm>> -> memref<4096xi32, #tpu.memory_space<hbm>>
      %dma_start3A_374 = tpu.memref_slice %arg8[%mul3A_310] : memref<1048576xi32, #tpu.memory_space<hbm>> -> memref<4096xi32, #tpu.memory_space<hbm>>
      tpu.enqueue_dma source(%dma_start3A_374 : memref<4096xi32, #tpu.memory_space<hbm>>) target(%arg29 : memref<4096xi32, #tpu.memory_space<vmem>>) target_semaphore(%run_scoped3A : memref<!tpu.dma_semaphore, #tpu.memory_space<semaphore_mem>>)
      %dma_wait3A_375 = tpu.memref_slice %arg8[%mul3A_310] : memref<1048576xi32, #tpu.memory_space<hbm>> -> memref<4096xi32, #tpu.memory_space<hbm>>
      %dma_wait3A_376 = tpu.memref_slice %arg8[%mul3A_310] : memref<1048576xi32, #tpu.memory_space<hbm>> -> memref<4096xi32, #tpu.memory_space<hbm>>
      tpu.wait_dma2 semaphore(%run_scoped3A : memref<!tpu.dma_semaphore, #tpu.memory_space<semaphore_mem>>) src(%dma_wait3A_376 : memref<4096xi32, #tpu.memory_space<hbm>>) dst(%arg29 : memref<4096xi32, #tpu.memory_space<vmem>>)
      tpu.yield
    }) : () -> ()
    %dma_start3A_311 = arith.constant 0 : i32
    %dma_start3A_312 = tpu.memref_slice %arg25[%dma_start3A_311] : memref<100352xf32, #tpu.memory_space<vmem_shared>> -> memref<100352xf32, #tpu.memory_space<vmem_shared>>
    tpu.enqueue_indirect_dma source(%dma_start3A_312 : memref<100352xf32, #tpu.memory_space<vmem_shared>>) target(%arg30 : memref<4096xf32, #tpu.memory_space<vmem>>) offsets(%arg29 : memref<4096xi32, #tpu.memory_space<vmem>>) semaphore(%arg37 : memref<!tpu.dma_semaphore, #tpu.memory_space<semaphore_mem>>)
    %dma_start3A_313 = arith.constant 0 : i32
    %dma_start3A_314 = tpu.memref_slice %arg26[%dma_start3A_313] : memref<100352xf32, #tpu.memory_space<vmem_shared>> -> memref<100352xf32, #tpu.memory_space<vmem_shared>>
    tpu.enqueue_indirect_dma source(%dma_start3A_314 : memref<100352xf32, #tpu.memory_space<vmem_shared>>) target(%arg31 : memref<4096xf32, #tpu.memory_space<vmem>>) offsets(%arg29 : memref<4096xi32, #tpu.memory_space<vmem>>) semaphore(%arg37 : memref<!tpu.dma_semaphore, #tpu.memory_space<semaphore_mem>>)
    %dma_start3A_315 = arith.constant 0 : i32
    %dma_start3A_316 = tpu.memref_slice %arg27[%dma_start3A_315] : memref<100352xf32, #tpu.memory_space<vmem_shared>> -> memref<100352xf32, #tpu.memory_space<vmem_shared>>
    tpu.enqueue_indirect_dma source(%dma_start3A_316 : memref<100352xf32, #tpu.memory_space<vmem_shared>>) target(%arg32 : memref<4096xf32, #tpu.memory_space<vmem>>) offsets(%arg29 : memref<4096xi32, #tpu.memory_space<vmem>>) semaphore(%arg37 : memref<!tpu.dma_semaphore, #tpu.memory_space<semaphore_mem>>)
    %dma_wait3A_317 = arith.constant 0 : i32
    %dma_wait3A_318 = tpu.memref_slice %arg25[%dma_wait3A_317] : memref<100352xf32, #tpu.memory_space<vmem_shared>> -> memref<100352xf32, #tpu.memory_space<vmem_shared>>
    tpu.wait_indirect_dma semaphore(%arg37 : memref<!tpu.dma_semaphore, #tpu.memory_space<semaphore_mem>>) src(%dma_wait3A_318 : memref<100352xf32, #tpu.memory_space<vmem_shared>>) dst(%arg30 : memref<4096xf32, #tpu.memory_space<vmem>>)
    %dma_wait3A_319 = arith.constant 0 : i32
    %dma_wait3A_320 = tpu.memref_slice %arg26[%dma_wait3A_319] : memref<100352xf32, #tpu.memory_space<vmem_shared>> -> memref<100352xf32, #tpu.memory_space<vmem_shared>>
    tpu.wait_indirect_dma semaphore(%arg37 : memref<!tpu.dma_semaphore, #tpu.memory_space<semaphore_mem>>) src(%dma_wait3A_320 : memref<100352xf32, #tpu.memory_space<vmem_shared>>) dst(%arg31 : memref<4096xf32, #tpu.memory_space<vmem>>)
    %dma_wait3A_321 = arith.constant 0 : i32
    %dma_wait3A_322 = tpu.memref_slice %arg27[%dma_wait3A_321] : memref<100352xf32, #tpu.memory_space<vmem_shared>> -> memref<100352xf32, #tpu.memory_space<vmem_shared>>
    tpu.wait_indirect_dma semaphore(%arg37 : memref<!tpu.dma_semaphore, #tpu.memory_space<semaphore_mem>>) src(%dma_wait3A_322 : memref<100352xf32, #tpu.memory_space<vmem_shared>>) dst(%arg32 : memref<4096xf32, #tpu.memory_space<vmem>>)
    %dma_start3A_323 = arith.constant 0 : i32
    %dma_start3A_324 = tpu.memref_slice %arg28[%dma_start3A_323] : memref<196608xf32, #tpu.memory_space<vmem_shared>> -> memref<196608xf32, #tpu.memory_space<vmem_shared>>
    tpu.enqueue_indirect_dma source(%arg30 : memref<4096xf32, #tpu.memory_space<vmem>>) target(%dma_start3A_324 : memref<196608xf32, #tpu.memory_space<vmem_shared>>) offsets(%arg33 : memref<4096xi32, #tpu.memory_space<vmem>>) semaphore(%arg37 : memref<!tpu.dma_semaphore, #tpu.memory_space<semaphore_mem>>)
    %dma_start3A_325 = arith.constant 0 : i32
    %dma_start3A_326 = tpu.memref_slice %arg28[%dma_start3A_325] : memref<196608xf32, #tpu.memory_space<vmem_shared>> -> memref<196608xf32, #tpu.memory_space<vmem_shared>>
    tpu.enqueue_indirect_dma source(%arg31 : memref<4096xf32, #tpu.memory_space<vmem>>) target(%dma_start3A_326 : memref<196608xf32, #tpu.memory_space<vmem_shared>>) offsets(%arg34 : memref<4096xi32, #tpu.memory_space<vmem>>) semaphore(%arg37 : memref<!tpu.dma_semaphore, #tpu.memory_space<semaphore_mem>>)
    %dma_start3A_327 = arith.constant 0 : i32
    %dma_start3A_328 = tpu.memref_slice %arg28[%dma_start3A_327] : memref<196608xf32, #tpu.memory_space<vmem_shared>> -> memref<196608xf32, #tpu.memory_space<vmem_shared>>
    tpu.enqueue_indirect_dma source(%arg32 : memref<4096xf32, #tpu.memory_space<vmem>>) target(%dma_start3A_328 : memref<196608xf32, #tpu.memory_space<vmem_shared>>) offsets(%arg35 : memref<4096xi32, #tpu.memory_space<vmem>>) semaphore(%arg37 : memref<!tpu.dma_semaphore, #tpu.memory_space<semaphore_mem>>)
    %dma_wait3A_329 = arith.constant 0 : i32
    %dma_wait3A_330 = tpu.memref_slice %arg28[%dma_wait3A_329] : memref<196608xf32, #tpu.memory_space<vmem_shared>> -> memref<196608xf32, #tpu.memory_space<vmem_shared>>
    tpu.wait_indirect_dma semaphore(%arg37 : memref<!tpu.dma_semaphore, #tpu.memory_space<semaphore_mem>>) src(%arg30 : memref<4096xf32, #tpu.memory_space<vmem>>) dst(%dma_wait3A_330 : memref<196608xf32, #tpu.memory_space<vmem_shared>>)
    %dma_wait3A_331 = arith.constant 0 : i32
    %dma_wait3A_332 = tpu.memref_slice %arg28[%dma_wait3A_331] : memref<196608xf32, #tpu.memory_space<vmem_shared>> -> memref<196608xf32, #tpu.memory_space<vmem_shared>>
    tpu.wait_indirect_dma semaphore(%arg37 : memref<!tpu.dma_semaphore, #tpu.memory_space<semaphore_mem>>) src(%arg31 : memref<4096xf32, #tpu.memory_space<vmem>>) dst(%dma_wait3A_332 : memref<196608xf32, #tpu.memory_space<vmem_shared>>)
    %dma_wait3A_333 = arith.constant 0 : i32
    %dma_wait3A_334 = tpu.memref_slice %arg28[%dma_wait3A_333] : memref<196608xf32, #tpu.memory_space<vmem_shared>> -> memref<196608xf32, #tpu.memory_space<vmem_shared>>
    tpu.wait_indirect_dma semaphore(%arg37 : memref<!tpu.dma_semaphore, #tpu.memory_space<semaphore_mem>>) src(%arg32 : memref<4096xf32, #tpu.memory_space<vmem>>) dst(%dma_wait3A_334 : memref<196608xf32, #tpu.memory_space<vmem_shared>>)
    "tpu.region"() ({
      %run_scoped3A = tpu.sem_alloc : memref<!tpu.dma_semaphore, #tpu.memory_space<semaphore_mem>>
      %dma_start3A_373 = tpu.memref_slice %arg28[%mul3A_91] : memref<196608xf32, #tpu.memory_space<vmem_shared>> -> memref<12288xf32, #tpu.memory_space<vmem_shared>>
      %dma_start3A_374 = tpu.memref_slice %arg28[%mul3A_91] : memref<196608xf32, #tpu.memory_space<vmem_shared>> -> memref<12288xf32, #tpu.memory_space<vmem_shared>>
      tpu.enqueue_dma source(%dma_start3A_374 : memref<12288xf32, #tpu.memory_space<vmem_shared>>) target(%arg36 : memref<12288xf32, #tpu.memory_space<vmem>>) target_semaphore(%run_scoped3A : memref<!tpu.dma_semaphore, #tpu.memory_space<semaphore_mem>>)
      %dma_wait3A_375 = tpu.memref_slice %arg28[%mul3A_91] : memref<196608xf32, #tpu.memory_space<vmem_shared>> -> memref<12288xf32, #tpu.memory_space<vmem_shared>>
      %dma_wait3A_376 = tpu.memref_slice %arg28[%mul3A_91] : memref<196608xf32, #tpu.memory_space<vmem_shared>> -> memref<12288xf32, #tpu.memory_space<vmem_shared>>
      tpu.wait_dma2 semaphore(%run_scoped3A : memref<!tpu.dma_semaphore, #tpu.memory_space<semaphore_mem>>) src(%dma_wait3A_376 : memref<12288xf32, #tpu.memory_space<vmem_shared>>) dst(%arg36 : memref<12288xf32, #tpu.memory_space<vmem>>)
      tpu.yield
    }) : () -> ()
    %mul3A_335 = arith.constant 4096 : i32
    %mul3A_336 = arith.muli %add3A_308, %mul3A_335 : i32
    %mul3A_337 = arith.constant 3 : i32
    %mul3A_338 = arith.muli %mul3A_336, %mul3A_337 : i32
    "tpu.region"() ({
      %run_scoped3A = tpu.sem_alloc : memref<!tpu.dma_semaphore, #tpu.memory_space<semaphore_mem>>
      %dma_start3A_373 = tpu.memref_slice %arg9[%mul3A_338] : memref<3145728xf32, #tpu.memory_space<hbm>> -> memref<12288xf32, #tpu.memory_space<hbm>>
      %dma_start3A_374 = tpu.memref_slice %arg9[%mul3A_338] : memref<3145728xf32, #tpu.memory_space<hbm>> -> memref<12288xf32, #tpu.memory_space<hbm>>
      tpu.enqueue_dma source(%arg36 : memref<12288xf32, #tpu.memory_space<vmem>>) target(%dma_start3A_374 : memref<12288xf32, #tpu.memory_space<hbm>>) target_semaphore(%run_scoped3A : memref<!tpu.dma_semaphore, #tpu.memory_space<semaphore_mem>>)
      %dma_wait3A_375 = tpu.memref_slice %arg9[%mul3A_338] : memref<3145728xf32, #tpu.memory_space<hbm>> -> memref<12288xf32, #tpu.memory_space<hbm>>
      %dma_wait3A_376 = tpu.memref_slice %arg9[%mul3A_338] : memref<3145728xf32, #tpu.memory_space<hbm>> -> memref<12288xf32, #tpu.memory_space<hbm>>
      tpu.wait_dma2 semaphore(%run_scoped3A : memref<!tpu.dma_semaphore, #tpu.memory_space<semaphore_mem>>) src(%arg36 : memref<12288xf32, #tpu.memory_space<vmem>>) dst(%dma_wait3A_376 : memref<12288xf32, #tpu.memory_space<hbm>>)
      tpu.yield
    }) : () -> ()
    %mul3A_339 = arith.constant 8 : i32
    %mul3A_340 = arith.muli %add3A, %mul3A_339 : i32
    %add3A_341 = arith.constant 7 : i32
    %add3A_342 = arith.addi %mul3A_340, %add3A_341 : i32
    %mul3A_343 = arith.constant 4096 : i32
    %mul3A_344 = arith.muli %add3A_342, %mul3A_343 : i32
    "tpu.region"() ({
      %run_scoped3A = tpu.sem_alloc : memref<!tpu.dma_semaphore, #tpu.memory_space<semaphore_mem>>
      %dma_start3A_373 = tpu.memref_slice %arg8[%mul3A_344] : memref<1048576xi32, #tpu.memory_space<hbm>> -> memref<4096xi32, #tpu.memory_space<hbm>>
      %dma_start3A_374 = tpu.memref_slice %arg8[%mul3A_344] : memref<1048576xi32, #tpu.memory_space<hbm>> -> memref<4096xi32, #tpu.memory_space<hbm>>
      tpu.enqueue_dma source(%dma_start3A_374 : memref<4096xi32, #tpu.memory_space<hbm>>) target(%arg29 : memref<4096xi32, #tpu.memory_space<vmem>>) target_semaphore(%run_scoped3A : memref<!tpu.dma_semaphore, #tpu.memory_space<semaphore_mem>>)
      %dma_wait3A_375 = tpu.memref_slice %arg8[%mul3A_344] : memref<1048576xi32, #tpu.memory_space<hbm>> -> memref<4096xi32, #tpu.memory_space<hbm>>
      %dma_wait3A_376 = tpu.memref_slice %arg8[%mul3A_344] : memref<1048576xi32, #tpu.memory_space<hbm>> -> memref<4096xi32, #tpu.memory_space<hbm>>
      tpu.wait_dma2 semaphore(%run_scoped3A : memref<!tpu.dma_semaphore, #tpu.memory_space<semaphore_mem>>) src(%dma_wait3A_376 : memref<4096xi32, #tpu.memory_space<hbm>>) dst(%arg29 : memref<4096xi32, #tpu.memory_space<vmem>>)
      tpu.yield
    }) : () -> ()
    %dma_start3A_345 = arith.constant 0 : i32
    %dma_start3A_346 = tpu.memref_slice %arg25[%dma_start3A_345] : memref<100352xf32, #tpu.memory_space<vmem_shared>> -> memref<100352xf32, #tpu.memory_space<vmem_shared>>
    tpu.enqueue_indirect_dma source(%dma_start3A_346 : memref<100352xf32, #tpu.memory_space<vmem_shared>>) target(%arg30 : memref<4096xf32, #tpu.memory_space<vmem>>) offsets(%arg29 : memref<4096xi32, #tpu.memory_space<vmem>>) semaphore(%arg37 : memref<!tpu.dma_semaphore, #tpu.memory_space<semaphore_mem>>)
    %dma_start3A_347 = arith.constant 0 : i32
    %dma_start3A_348 = tpu.memref_slice %arg26[%dma_start3A_347] : memref<100352xf32, #tpu.memory_space<vmem_shared>> -> memref<100352xf32, #tpu.memory_space<vmem_shared>>
    tpu.enqueue_indirect_dma source(%dma_start3A_348 : memref<100352xf32, #tpu.memory_space<vmem_shared>>) target(%arg31 : memref<4096xf32, #tpu.memory_space<vmem>>) offsets(%arg29 : memref<4096xi32, #tpu.memory_space<vmem>>) semaphore(%arg37 : memref<!tpu.dma_semaphore, #tpu.memory_space<semaphore_mem>>)
    %dma_start3A_349 = arith.constant 0 : i32
    %dma_start3A_350 = tpu.memref_slice %arg27[%dma_start3A_349] : memref<100352xf32, #tpu.memory_space<vmem_shared>> -> memref<100352xf32, #tpu.memory_space<vmem_shared>>
    tpu.enqueue_indirect_dma source(%dma_start3A_350 : memref<100352xf32, #tpu.memory_space<vmem_shared>>) target(%arg32 : memref<4096xf32, #tpu.memory_space<vmem>>) offsets(%arg29 : memref<4096xi32, #tpu.memory_space<vmem>>) semaphore(%arg37 : memref<!tpu.dma_semaphore, #tpu.memory_space<semaphore_mem>>)
    %dma_wait3A_351 = arith.constant 0 : i32
    %dma_wait3A_352 = tpu.memref_slice %arg25[%dma_wait3A_351] : memref<100352xf32, #tpu.memory_space<vmem_shared>> -> memref<100352xf32, #tpu.memory_space<vmem_shared>>
    tpu.wait_indirect_dma semaphore(%arg37 : memref<!tpu.dma_semaphore, #tpu.memory_space<semaphore_mem>>) src(%dma_wait3A_352 : memref<100352xf32, #tpu.memory_space<vmem_shared>>) dst(%arg30 : memref<4096xf32, #tpu.memory_space<vmem>>)
    %dma_wait3A_353 = arith.constant 0 : i32
    %dma_wait3A_354 = tpu.memref_slice %arg26[%dma_wait3A_353] : memref<100352xf32, #tpu.memory_space<vmem_shared>> -> memref<100352xf32, #tpu.memory_space<vmem_shared>>
    tpu.wait_indirect_dma semaphore(%arg37 : memref<!tpu.dma_semaphore, #tpu.memory_space<semaphore_mem>>) src(%dma_wait3A_354 : memref<100352xf32, #tpu.memory_space<vmem_shared>>) dst(%arg31 : memref<4096xf32, #tpu.memory_space<vmem>>)
    %dma_wait3A_355 = arith.constant 0 : i32
    %dma_wait3A_356 = tpu.memref_slice %arg27[%dma_wait3A_355] : memref<100352xf32, #tpu.memory_space<vmem_shared>> -> memref<100352xf32, #tpu.memory_space<vmem_shared>>
    tpu.wait_indirect_dma semaphore(%arg37 : memref<!tpu.dma_semaphore, #tpu.memory_space<semaphore_mem>>) src(%dma_wait3A_356 : memref<100352xf32, #tpu.memory_space<vmem_shared>>) dst(%arg32 : memref<4096xf32, #tpu.memory_space<vmem>>)
    %dma_start3A_357 = arith.constant 0 : i32
    %dma_start3A_358 = tpu.memref_slice %arg28[%dma_start3A_357] : memref<196608xf32, #tpu.memory_space<vmem_shared>> -> memref<196608xf32, #tpu.memory_space<vmem_shared>>
    tpu.enqueue_indirect_dma source(%arg30 : memref<4096xf32, #tpu.memory_space<vmem>>) target(%dma_start3A_358 : memref<196608xf32, #tpu.memory_space<vmem_shared>>) offsets(%arg33 : memref<4096xi32, #tpu.memory_space<vmem>>) semaphore(%arg37 : memref<!tpu.dma_semaphore, #tpu.memory_space<semaphore_mem>>)
    %dma_start3A_359 = arith.constant 0 : i32
    %dma_start3A_360 = tpu.memref_slice %arg28[%dma_start3A_359] : memref<196608xf32, #tpu.memory_space<vmem_shared>> -> memref<196608xf32, #tpu.memory_space<vmem_shared>>
    tpu.enqueue_indirect_dma source(%arg31 : memref<4096xf32, #tpu.memory_space<vmem>>) target(%dma_start3A_360 : memref<196608xf32, #tpu.memory_space<vmem_shared>>) offsets(%arg34 : memref<4096xi32, #tpu.memory_space<vmem>>) semaphore(%arg37 : memref<!tpu.dma_semaphore, #tpu.memory_space<semaphore_mem>>)
    %dma_start3A_361 = arith.constant 0 : i32
    %dma_start3A_362 = tpu.memref_slice %arg28[%dma_start3A_361] : memref<196608xf32, #tpu.memory_space<vmem_shared>> -> memref<196608xf32, #tpu.memory_space<vmem_shared>>
    tpu.enqueue_indirect_dma source(%arg32 : memref<4096xf32, #tpu.memory_space<vmem>>) target(%dma_start3A_362 : memref<196608xf32, #tpu.memory_space<vmem_shared>>) offsets(%arg35 : memref<4096xi32, #tpu.memory_space<vmem>>) semaphore(%arg37 : memref<!tpu.dma_semaphore, #tpu.memory_space<semaphore_mem>>)
    %dma_wait3A_363 = arith.constant 0 : i32
    %dma_wait3A_364 = tpu.memref_slice %arg28[%dma_wait3A_363] : memref<196608xf32, #tpu.memory_space<vmem_shared>> -> memref<196608xf32, #tpu.memory_space<vmem_shared>>
    tpu.wait_indirect_dma semaphore(%arg37 : memref<!tpu.dma_semaphore, #tpu.memory_space<semaphore_mem>>) src(%arg30 : memref<4096xf32, #tpu.memory_space<vmem>>) dst(%dma_wait3A_364 : memref<196608xf32, #tpu.memory_space<vmem_shared>>)
    %dma_wait3A_365 = arith.constant 0 : i32
    %dma_wait3A_366 = tpu.memref_slice %arg28[%dma_wait3A_365] : memref<196608xf32, #tpu.memory_space<vmem_shared>> -> memref<196608xf32, #tpu.memory_space<vmem_shared>>
    tpu.wait_indirect_dma semaphore(%arg37 : memref<!tpu.dma_semaphore, #tpu.memory_space<semaphore_mem>>) src(%arg31 : memref<4096xf32, #tpu.memory_space<vmem>>) dst(%dma_wait3A_366 : memref<196608xf32, #tpu.memory_space<vmem_shared>>)
    %dma_wait3A_367 = arith.constant 0 : i32
    %dma_wait3A_368 = tpu.memref_slice %arg28[%dma_wait3A_367] : memref<196608xf32, #tpu.memory_space<vmem_shared>> -> memref<196608xf32, #tpu.memory_space<vmem_shared>>
    tpu.wait_indirect_dma semaphore(%arg37 : memref<!tpu.dma_semaphore, #tpu.memory_space<semaphore_mem>>) src(%arg32 : memref<4096xf32, #tpu.memory_space<vmem>>) dst(%dma_wait3A_368 : memref<196608xf32, #tpu.memory_space<vmem_shared>>)
    "tpu.region"() ({
      %run_scoped3A = tpu.sem_alloc : memref<!tpu.dma_semaphore, #tpu.memory_space<semaphore_mem>>
      %dma_start3A_373 = tpu.memref_slice %arg28[%mul3A_91] : memref<196608xf32, #tpu.memory_space<vmem_shared>> -> memref<12288xf32, #tpu.memory_space<vmem_shared>>
      %dma_start3A_374 = tpu.memref_slice %arg28[%mul3A_91] : memref<196608xf32, #tpu.memory_space<vmem_shared>> -> memref<12288xf32, #tpu.memory_space<vmem_shared>>
      tpu.enqueue_dma source(%dma_start3A_374 : memref<12288xf32, #tpu.memory_space<vmem_shared>>) target(%arg36 : memref<12288xf32, #tpu.memory_space<vmem>>) target_semaphore(%run_scoped3A : memref<!tpu.dma_semaphore, #tpu.memory_space<semaphore_mem>>)
      %dma_wait3A_375 = tpu.memref_slice %arg28[%mul3A_91] : memref<196608xf32, #tpu.memory_space<vmem_shared>> -> memref<12288xf32, #tpu.memory_space<vmem_shared>>
      %dma_wait3A_376 = tpu.memref_slice %arg28[%mul3A_91] : memref<196608xf32, #tpu.memory_space<vmem_shared>> -> memref<12288xf32, #tpu.memory_space<vmem_shared>>
      tpu.wait_dma2 semaphore(%run_scoped3A : memref<!tpu.dma_semaphore, #tpu.memory_space<semaphore_mem>>) src(%dma_wait3A_376 : memref<12288xf32, #tpu.memory_space<vmem_shared>>) dst(%arg36 : memref<12288xf32, #tpu.memory_space<vmem>>)
      tpu.yield
    }) : () -> ()
    %mul3A_369 = arith.constant 4096 : i32
    %mul3A_370 = arith.muli %add3A_342, %mul3A_369 : i32
    %mul3A_371 = arith.constant 3 : i32
    %mul3A_372 = arith.muli %mul3A_370, %mul3A_371 : i32
    "tpu.region"() ({
      %run_scoped3A = tpu.sem_alloc : memref<!tpu.dma_semaphore, #tpu.memory_space<semaphore_mem>>
      %dma_start3A_373 = tpu.memref_slice %arg9[%mul3A_372] : memref<3145728xf32, #tpu.memory_space<hbm>> -> memref<12288xf32, #tpu.memory_space<hbm>>
      %dma_start3A_374 = tpu.memref_slice %arg9[%mul3A_372] : memref<3145728xf32, #tpu.memory_space<hbm>> -> memref<12288xf32, #tpu.memory_space<hbm>>
      tpu.enqueue_dma source(%arg36 : memref<12288xf32, #tpu.memory_space<vmem>>) target(%dma_start3A_374 : memref<12288xf32, #tpu.memory_space<hbm>>) target_semaphore(%run_scoped3A : memref<!tpu.dma_semaphore, #tpu.memory_space<semaphore_mem>>)
      %dma_wait3A_375 = tpu.memref_slice %arg9[%mul3A_372] : memref<3145728xf32, #tpu.memory_space<hbm>> -> memref<12288xf32, #tpu.memory_space<hbm>>
      %dma_wait3A_376 = tpu.memref_slice %arg9[%mul3A_372] : memref<3145728xf32, #tpu.memory_space<hbm>> -> memref<12288xf32, #tpu.memory_space<hbm>>
      tpu.wait_dma2 semaphore(%run_scoped3A : memref<!tpu.dma_semaphore, #tpu.memory_space<semaphore_mem>>) src(%arg36 : memref<12288xf32, #tpu.memory_space<vmem>>) dst(%dma_wait3A_376 : memref<12288xf32, #tpu.memory_space<hbm>>)
      tpu.yield
    }) : () -> ()
    return
  }
}

#map = affine_map<(d0, d1) -> (0)>
module attributes {stable_mosaic.version = 14 : i64} {
  func.func @_vn_body(%arg0: i32, %arg1: i32, %arg2: memref<50000xf32, #tpu.memory_space<hbm>>, %arg3: memref<50000xf32, #tpu.memory_space<hbm>>, %arg4: memref<50000xf32, #tpu.memory_space<hbm>>, %arg5: memref<100352xi32, #tpu.memory_space<hbm>>, %arg6: memref<100352xi32, #tpu.memory_space<hbm>>, %arg7: memref<100352xi32, #tpu.memory_space<hbm>>, %arg8: memref<50176xf32, #tpu.memory_space<hbm>>, %arg9: memref<50176xf32, #tpu.memory_space<hbm>>, %arg10: memref<50176xf32, #tpu.memory_space<hbm>>, %arg11: memref<50176xf32, #tpu.memory_space<vmem_shared>>, %arg12: memref<50176xf32, #tpu.memory_space<vmem_shared>>, %arg13: memref<50176xf32, #tpu.memory_space<vmem_shared>>, %arg14: memref<6272xi32, #tpu.memory_space<vmem>>, %arg15: memref<6272xi32, #tpu.memory_space<vmem>>, %arg16: memref<6272xi32, #tpu.memory_space<vmem>>, %arg17: memref<6272xf32, #tpu.memory_space<vmem>>, %arg18: memref<6272xf32, #tpu.memory_space<vmem>>, %arg19: memref<6272xf32, #tpu.memory_space<vmem>>, %arg20: memref<6272xf32, #tpu.memory_space<vmem>>, %arg21: memref<6272xf32, #tpu.memory_space<vmem>>, %arg22: memref<6272xf32, #tpu.memory_space<vmem>>, %arg23: memref<6272xf32, #tpu.memory_space<vmem>>, %arg24: memref<6272xf32, #tpu.memory_space<vmem>>, %arg25: memref<6272xf32, #tpu.memory_space<vmem>>, %arg26: memref<6272xf32, #tpu.memory_space<vmem>>, %arg27: memref<6272xf32, #tpu.memory_space<vmem>>, %arg28: memref<6272xf32, #tpu.memory_space<vmem>>, %arg29: memref<1568xf32, #tpu.memory_space<vmem>>, %arg30: memref<1568xf32, #tpu.memory_space<vmem>>, %arg31: memref<1568xf32, #tpu.memory_space<vmem>>, %arg32: memref<3136xf32, #tpu.memory_space<vmem>>, %arg33: memref<!tpu.dma_semaphore, #tpu.memory_space<semaphore_mem>>) attributes {dimension_semantics = [#tpu.dimension_semantics<core_parallel>, #tpu.dimension_semantics<subcore_parallel>], iteration_bounds = array<i64: 2, 16>, scalar_prefetch = 0 : i64, scratch_operands = 23 : i64, tpu.core_type = #tpu.core_type<sc_vector_subcore>, window_params = [{transform_indices = #map}, {transform_indices = #map}, {transform_indices = #map}, {transform_indices = #map}, {transform_indices = #map}, {transform_indices = #map}, {transform_indices = #map}, {transform_indices = #map}, {transform_indices = #map}]} {
    %mul3A = arith.constant 2 : i32
    %mul3A_0 = arith.muli %arg1, %mul3A : i32
    %add3A = arith.addi %mul3A_0, %arg0 : i32
    %broadcast_in_dim3A = arith.constant 0.000000e+00 : f32
    %broadcast_in_dim3A_1 = vector.broadcast %broadcast_in_dim3A : f32 to vector<16xf32>
    %scan3A = arith.constant 0 : i32
    %scan3A_2 = arith.constant 0 : i32
    %scan3A_3 = arith.constant 196 : i32
    %scan3A_4 = arith.addi %scan3A_2, %scan3A_3 : i32
    %scan3A_5 = arith.constant 1 : i32
    scf.for %scan3A_58 = %scan3A_2 to %scan3A_4 step %scan3A_5  : i32 {
      %mul3A_59 = arith.constant 16 : i32
      %mul3A_60 = arith.muli %scan3A_58, %mul3A_59 : i32
      %swap3A = arith.index_cast %mul3A_60 : i32 to index
      %swap3A_61 = tpu.vector_load %arg32[%swap3A] {strides = array<i32>} : memref<3136xf32, #tpu.memory_space<vmem>>, vector<16xf32>,
      %swap3A_62 = vector.shape_cast %swap3A_61 : vector<16xf32> to vector<16xf32>
      %swap3A_63 = vector.shape_cast %broadcast_in_dim3A_1 : vector<16xf32> to vector<16xf32>
      tpu.vector_store %arg32[%swap3A], %swap3A_63 {strides = array<i32>} : memref<3136xf32, #tpu.memory_space<vmem>>, vector<16xf32>,
    }
    %scan3A_6 = arith.constant 196 : i32
    %mul3A_7 = arith.constant 3136 : i32
    %mul3A_8 = arith.muli %arg1, %mul3A_7 : i32
    "tpu.region"() ({
      %run_scoped3A = tpu.sem_alloc : memref<!tpu.dma_semaphore, #tpu.memory_space<semaphore_mem>>
      %dma_start3A_58 = tpu.memref_slice %arg11[%mul3A_8] : memref<50176xf32, #tpu.memory_space<vmem_shared>> -> memref<3136xf32, #tpu.memory_space<vmem_shared>>
      %dma_start3A_59 = tpu.memref_slice %arg11[%mul3A_8] : memref<50176xf32, #tpu.memory_space<vmem_shared>> -> memref<3136xf32, #tpu.memory_space<vmem_shared>>
      tpu.enqueue_dma source(%arg32 : memref<3136xf32, #tpu.memory_space<vmem>>) target(%dma_start3A_59 : memref<3136xf32, #tpu.memory_space<vmem_shared>>) target_semaphore(%run_scoped3A : memref<!tpu.dma_semaphore, #tpu.memory_space<semaphore_mem>>)
      %dma_wait3A_60 = tpu.memref_slice %arg11[%mul3A_8] : memref<50176xf32, #tpu.memory_space<vmem_shared>> -> memref<3136xf32, #tpu.memory_space<vmem_shared>>
      %dma_wait3A_61 = tpu.memref_slice %arg11[%mul3A_8] : memref<50176xf32, #tpu.memory_space<vmem_shared>> -> memref<3136xf32, #tpu.memory_space<vmem_shared>>
      tpu.wait_dma2 semaphore(%run_scoped3A : memref<!tpu.dma_semaphore, #tpu.memory_space<semaphore_mem>>) src(%arg32 : memref<3136xf32, #tpu.memory_space<vmem>>) dst(%dma_wait3A_61 : memref<3136xf32, #tpu.memory_space<vmem_shared>>)
      tpu.yield
    }) : () -> ()
    %mul3A_9 = arith.constant 3136 : i32
    %mul3A_10 = arith.muli %arg1, %mul3A_9 : i32
    "tpu.region"() ({
      %run_scoped3A = tpu.sem_alloc : memref<!tpu.dma_semaphore, #tpu.memory_space<semaphore_mem>>
      %dma_start3A_58 = tpu.memref_slice %arg12[%mul3A_10] : memref<50176xf32, #tpu.memory_space<vmem_shared>> -> memref<3136xf32, #tpu.memory_space<vmem_shared>>
      %dma_start3A_59 = tpu.memref_slice %arg12[%mul3A_10] : memref<50176xf32, #tpu.memory_space<vmem_shared>> -> memref<3136xf32, #tpu.memory_space<vmem_shared>>
      tpu.enqueue_dma source(%arg32 : memref<3136xf32, #tpu.memory_space<vmem>>) target(%dma_start3A_59 : memref<3136xf32, #tpu.memory_space<vmem_shared>>) target_semaphore(%run_scoped3A : memref<!tpu.dma_semaphore, #tpu.memory_space<semaphore_mem>>)
      %dma_wait3A_60 = tpu.memref_slice %arg12[%mul3A_10] : memref<50176xf32, #tpu.memory_space<vmem_shared>> -> memref<3136xf32, #tpu.memory_space<vmem_shared>>
      %dma_wait3A_61 = tpu.memref_slice %arg12[%mul3A_10] : memref<50176xf32, #tpu.memory_space<vmem_shared>> -> memref<3136xf32, #tpu.memory_space<vmem_shared>>
      tpu.wait_dma2 semaphore(%run_scoped3A : memref<!tpu.dma_semaphore, #tpu.memory_space<semaphore_mem>>) src(%arg32 : memref<3136xf32, #tpu.memory_space<vmem>>) dst(%dma_wait3A_61 : memref<3136xf32, #tpu.memory_space<vmem_shared>>)
      tpu.yield
    }) : () -> ()
    %mul3A_11 = arith.constant 3136 : i32
    %mul3A_12 = arith.muli %arg1, %mul3A_11 : i32
    "tpu.region"() ({
      %run_scoped3A = tpu.sem_alloc : memref<!tpu.dma_semaphore, #tpu.memory_space<semaphore_mem>>
      %dma_start3A_58 = tpu.memref_slice %arg13[%mul3A_12] : memref<50176xf32, #tpu.memory_space<vmem_shared>> -> memref<3136xf32, #tpu.memory_space<vmem_shared>>
      %dma_start3A_59 = tpu.memref_slice %arg13[%mul3A_12] : memref<50176xf32, #tpu.memory_space<vmem_shared>> -> memref<3136xf32, #tpu.memory_space<vmem_shared>>
      tpu.enqueue_dma source(%arg32 : memref<3136xf32, #tpu.memory_space<vmem>>) target(%dma_start3A_59 : memref<3136xf32, #tpu.memory_space<vmem_shared>>) target_semaphore(%run_scoped3A : memref<!tpu.dma_semaphore, #tpu.memory_space<semaphore_mem>>)
      %dma_wait3A_60 = tpu.memref_slice %arg13[%mul3A_12] : memref<50176xf32, #tpu.memory_space<vmem_shared>> -> memref<3136xf32, #tpu.memory_space<vmem_shared>>
      %dma_wait3A_61 = tpu.memref_slice %arg13[%mul3A_12] : memref<50176xf32, #tpu.memory_space<vmem_shared>> -> memref<3136xf32, #tpu.memory_space<vmem_shared>>
      tpu.wait_dma2 semaphore(%run_scoped3A : memref<!tpu.dma_semaphore, #tpu.memory_space<semaphore_mem>>) src(%arg32 : memref<3136xf32, #tpu.memory_space<vmem>>) dst(%dma_wait3A_61 : memref<3136xf32, #tpu.memory_space<vmem_shared>>)
      tpu.yield
    }) : () -> ()
    %barrier3A = arith.constant 0 : index
    tpu.barrier barrier_id(%barrier3A)
    %mul3A_13 = arith.constant 6272 : i32
    %mul3A_14 = arith.muli %arg1, %mul3A_13 : i32
    "tpu.region"() ({
      %run_scoped3A = tpu.sem_alloc : memref<!tpu.dma_semaphore, #tpu.memory_space<semaphore_mem>>
      %dma_start3A_58 = tpu.memref_slice %arg5[%mul3A_14] : memref<100352xi32, #tpu.memory_space<hbm>> -> memref<6272xi32, #tpu.memory_space<hbm>>
      %dma_start3A_59 = tpu.memref_slice %arg5[%mul3A_14] : memref<100352xi32, #tpu.memory_space<hbm>> -> memref<6272xi32, #tpu.memory_space<hbm>>
      tpu.enqueue_dma source(%dma_start3A_59 : memref<6272xi32, #tpu.memory_space<hbm>>) target(%arg14 : memref<6272xi32, #tpu.memory_space<vmem>>) target_semaphore(%run_scoped3A : memref<!tpu.dma_semaphore, #tpu.memory_space<semaphore_mem>>)
      %dma_wait3A_60 = tpu.memref_slice %arg5[%mul3A_14] : memref<100352xi32, #tpu.memory_space<hbm>> -> memref<6272xi32, #tpu.memory_space<hbm>>
      %dma_wait3A_61 = tpu.memref_slice %arg5[%mul3A_14] : memref<100352xi32, #tpu.memory_space<hbm>> -> memref<6272xi32, #tpu.memory_space<hbm>>
      tpu.wait_dma2 semaphore(%run_scoped3A : memref<!tpu.dma_semaphore, #tpu.memory_space<semaphore_mem>>) src(%dma_wait3A_61 : memref<6272xi32, #tpu.memory_space<hbm>>) dst(%arg14 : memref<6272xi32, #tpu.memory_space<vmem>>)
      tpu.yield
    }) : () -> ()
    "tpu.region"() ({
      %run_scoped3A = tpu.sem_alloc : memref<!tpu.dma_semaphore, #tpu.memory_space<semaphore_mem>>
      %dma_start3A_58 = tpu.memref_slice %arg6[%mul3A_14] : memref<100352xi32, #tpu.memory_space<hbm>> -> memref<6272xi32, #tpu.memory_space<hbm>>
      %dma_start3A_59 = tpu.memref_slice %arg6[%mul3A_14] : memref<100352xi32, #tpu.memory_space<hbm>> -> memref<6272xi32, #tpu.memory_space<hbm>>
      tpu.enqueue_dma source(%dma_start3A_59 : memref<6272xi32, #tpu.memory_space<hbm>>) target(%arg15 : memref<6272xi32, #tpu.memory_space<vmem>>) target_semaphore(%run_scoped3A : memref<!tpu.dma_semaphore, #tpu.memory_space<semaphore_mem>>)
      %dma_wait3A_60 = tpu.memref_slice %arg6[%mul3A_14] : memref<100352xi32, #tpu.memory_space<hbm>> -> memref<6272xi32, #tpu.memory_space<hbm>>
      %dma_wait3A_61 = tpu.memref_slice %arg6[%mul3A_14] : memref<100352xi32, #tpu.memory_space<hbm>> -> memref<6272xi32, #tpu.memory_space<hbm>>
      tpu.wait_dma2 semaphore(%run_scoped3A : memref<!tpu.dma_semaphore, #tpu.memory_space<semaphore_mem>>) src(%dma_wait3A_61 : memref<6272xi32, #tpu.memory_space<hbm>>) dst(%arg15 : memref<6272xi32, #tpu.memory_space<vmem>>)
      tpu.yield
    }) : () -> ()
    "tpu.region"() ({
      %run_scoped3A = tpu.sem_alloc : memref<!tpu.dma_semaphore, #tpu.memory_space<semaphore_mem>>
      %dma_start3A_58 = tpu.memref_slice %arg7[%mul3A_14] : memref<100352xi32, #tpu.memory_space<hbm>> -> memref<6272xi32, #tpu.memory_space<hbm>>
      %dma_start3A_59 = tpu.memref_slice %arg7[%mul3A_14] : memref<100352xi32, #tpu.memory_space<hbm>> -> memref<6272xi32, #tpu.memory_space<hbm>>
      tpu.enqueue_dma source(%dma_start3A_59 : memref<6272xi32, #tpu.memory_space<hbm>>) target(%arg16 : memref<6272xi32, #tpu.memory_space<vmem>>) target_semaphore(%run_scoped3A : memref<!tpu.dma_semaphore, #tpu.memory_space<semaphore_mem>>)
      %dma_wait3A_60 = tpu.memref_slice %arg7[%mul3A_14] : memref<100352xi32, #tpu.memory_space<hbm>> -> memref<6272xi32, #tpu.memory_space<hbm>>
      %dma_wait3A_61 = tpu.memref_slice %arg7[%mul3A_14] : memref<100352xi32, #tpu.memory_space<hbm>> -> memref<6272xi32, #tpu.memory_space<hbm>>
      tpu.wait_dma2 semaphore(%run_scoped3A : memref<!tpu.dma_semaphore, #tpu.memory_space<semaphore_mem>>) src(%dma_wait3A_61 : memref<6272xi32, #tpu.memory_space<hbm>>) dst(%arg16 : memref<6272xi32, #tpu.memory_space<vmem>>)
      tpu.yield
    }) : () -> ()
    %dma_start3A = arith.constant 0 : i32
    %dma_start3A_15 = tpu.memref_slice %arg2[%dma_start3A] : memref<50000xf32, #tpu.memory_space<hbm>> -> memref<50000xf32, #tpu.memory_space<hbm>>
    tpu.enqueue_indirect_dma source(%dma_start3A_15 : memref<50000xf32, #tpu.memory_space<hbm>>) target(%arg17 : memref<6272xf32, #tpu.memory_space<vmem>>) offsets(%arg14 : memref<6272xi32, #tpu.memory_space<vmem>>) semaphore(%arg33 : memref<!tpu.dma_semaphore, #tpu.memory_space<semaphore_mem>>)
    %dma_start3A_16 = arith.constant 0 : i32
    %dma_start3A_17 = tpu.memref_slice %arg3[%dma_start3A_16] : memref<50000xf32, #tpu.memory_space<hbm>> -> memref<50000xf32, #tpu.memory_space<hbm>>
    tpu.enqueue_indirect_dma source(%dma_start3A_17 : memref<50000xf32, #tpu.memory_space<hbm>>) target(%arg18 : memref<6272xf32, #tpu.memory_space<vmem>>) offsets(%arg14 : memref<6272xi32, #tpu.memory_space<vmem>>) semaphore(%arg33 : memref<!tpu.dma_semaphore, #tpu.memory_space<semaphore_mem>>)
    %dma_start3A_18 = arith.constant 0 : i32
    %dma_start3A_19 = tpu.memref_slice %arg4[%dma_start3A_18] : memref<50000xf32, #tpu.memory_space<hbm>> -> memref<50000xf32, #tpu.memory_space<hbm>>
    tpu.enqueue_indirect_dma source(%dma_start3A_19 : memref<50000xf32, #tpu.memory_space<hbm>>) target(%arg19 : memref<6272xf32, #tpu.memory_space<vmem>>) offsets(%arg14 : memref<6272xi32, #tpu.memory_space<vmem>>) semaphore(%arg33 : memref<!tpu.dma_semaphore, #tpu.memory_space<semaphore_mem>>)
    %dma_start3A_20 = arith.constant 0 : i32
    %dma_start3A_21 = tpu.memref_slice %arg2[%dma_start3A_20] : memref<50000xf32, #tpu.memory_space<hbm>> -> memref<50000xf32, #tpu.memory_space<hbm>>
    tpu.enqueue_indirect_dma source(%dma_start3A_21 : memref<50000xf32, #tpu.memory_space<hbm>>) target(%arg20 : memref<6272xf32, #tpu.memory_space<vmem>>) offsets(%arg15 : memref<6272xi32, #tpu.memory_space<vmem>>) semaphore(%arg33 : memref<!tpu.dma_semaphore, #tpu.memory_space<semaphore_mem>>)
    %dma_start3A_22 = arith.constant 0 : i32
    %dma_start3A_23 = tpu.memref_slice %arg3[%dma_start3A_22] : memref<50000xf32, #tpu.memory_space<hbm>> -> memref<50000xf32, #tpu.memory_space<hbm>>
    tpu.enqueue_indirect_dma source(%dma_start3A_23 : memref<50000xf32, #tpu.memory_space<hbm>>) target(%arg21 : memref<6272xf32, #tpu.memory_space<vmem>>) offsets(%arg15 : memref<6272xi32, #tpu.memory_space<vmem>>) semaphore(%arg33 : memref<!tpu.dma_semaphore, #tpu.memory_space<semaphore_mem>>)
    %dma_start3A_24 = arith.constant 0 : i32
    %dma_start3A_25 = tpu.memref_slice %arg4[%dma_start3A_24] : memref<50000xf32, #tpu.memory_space<hbm>> -> memref<50000xf32, #tpu.memory_space<hbm>>
    tpu.enqueue_indirect_dma source(%dma_start3A_25 : memref<50000xf32, #tpu.memory_space<hbm>>) target(%arg22 : memref<6272xf32, #tpu.memory_space<vmem>>) offsets(%arg15 : memref<6272xi32, #tpu.memory_space<vmem>>) semaphore(%arg33 : memref<!tpu.dma_semaphore, #tpu.memory_space<semaphore_mem>>)
    %dma_start3A_26 = arith.constant 0 : i32
    %dma_start3A_27 = tpu.memref_slice %arg2[%dma_start3A_26] : memref<50000xf32, #tpu.memory_space<hbm>> -> memref<50000xf32, #tpu.memory_space<hbm>>
    tpu.enqueue_indirect_dma source(%dma_start3A_27 : memref<50000xf32, #tpu.memory_space<hbm>>) target(%arg23 : memref<6272xf32, #tpu.memory_space<vmem>>) offsets(%arg16 : memref<6272xi32, #tpu.memory_space<vmem>>) semaphore(%arg33 : memref<!tpu.dma_semaphore, #tpu.memory_space<semaphore_mem>>)
    %dma_start3A_28 = arith.constant 0 : i32
    %dma_start3A_29 = tpu.memref_slice %arg3[%dma_start3A_28] : memref<50000xf32, #tpu.memory_space<hbm>> -> memref<50000xf32, #tpu.memory_space<hbm>>
    tpu.enqueue_indirect_dma source(%dma_start3A_29 : memref<50000xf32, #tpu.memory_space<hbm>>) target(%arg24 : memref<6272xf32, #tpu.memory_space<vmem>>) offsets(%arg16 : memref<6272xi32, #tpu.memory_space<vmem>>) semaphore(%arg33 : memref<!tpu.dma_semaphore, #tpu.memory_space<semaphore_mem>>)
    %dma_start3A_30 = arith.constant 0 : i32
    %dma_start3A_31 = tpu.memref_slice %arg4[%dma_start3A_30] : memref<50000xf32, #tpu.memory_space<hbm>> -> memref<50000xf32, #tpu.memory_space<hbm>>
    tpu.enqueue_indirect_dma source(%dma_start3A_31 : memref<50000xf32, #tpu.memory_space<hbm>>) target(%arg25 : memref<6272xf32, #tpu.memory_space<vmem>>) offsets(%arg16 : memref<6272xi32, #tpu.memory_space<vmem>>) semaphore(%arg33 : memref<!tpu.dma_semaphore, #tpu.memory_space<semaphore_mem>>)
    %dma_wait3A = arith.constant 0 : i32
    %dma_wait3A_32 = tpu.memref_slice %arg2[%dma_wait3A] : memref<50000xf32, #tpu.memory_space<hbm>> -> memref<50000xf32, #tpu.memory_space<hbm>>
    tpu.wait_indirect_dma semaphore(%arg33 : memref<!tpu.dma_semaphore, #tpu.memory_space<semaphore_mem>>) src(%dma_wait3A_32 : memref<50000xf32, #tpu.memory_space<hbm>>) dst(%arg17 : memref<6272xf32, #tpu.memory_space<vmem>>)
    %dma_wait3A_33 = arith.constant 0 : i32
    %dma_wait3A_34 = tpu.memref_slice %arg3[%dma_wait3A_33] : memref<50000xf32, #tpu.memory_space<hbm>> -> memref<50000xf32, #tpu.memory_space<hbm>>
    tpu.wait_indirect_dma semaphore(%arg33 : memref<!tpu.dma_semaphore, #tpu.memory_space<semaphore_mem>>) src(%dma_wait3A_34 : memref<50000xf32, #tpu.memory_space<hbm>>) dst(%arg18 : memref<6272xf32, #tpu.memory_space<vmem>>)
    %dma_wait3A_35 = arith.constant 0 : i32
    %dma_wait3A_36 = tpu.memref_slice %arg4[%dma_wait3A_35] : memref<50000xf32, #tpu.memory_space<hbm>> -> memref<50000xf32, #tpu.memory_space<hbm>>
    tpu.wait_indirect_dma semaphore(%arg33 : memref<!tpu.dma_semaphore, #tpu.memory_space<semaphore_mem>>) src(%dma_wait3A_36 : memref<50000xf32, #tpu.memory_space<hbm>>) dst(%arg19 : memref<6272xf32, #tpu.memory_space<vmem>>)
    %dma_wait3A_37 = arith.constant 0 : i32
    %dma_wait3A_38 = tpu.memref_slice %arg2[%dma_wait3A_37] : memref<50000xf32, #tpu.memory_space<hbm>> -> memref<50000xf32, #tpu.memory_space<hbm>>
    tpu.wait_indirect_dma semaphore(%arg33 : memref<!tpu.dma_semaphore, #tpu.memory_space<semaphore_mem>>) src(%dma_wait3A_38 : memref<50000xf32, #tpu.memory_space<hbm>>) dst(%arg20 : memref<6272xf32, #tpu.memory_space<vmem>>)
    %dma_wait3A_39 = arith.constant 0 : i32
    %dma_wait3A_40 = tpu.memref_slice %arg3[%dma_wait3A_39] : memref<50000xf32, #tpu.memory_space<hbm>> -> memref<50000xf32, #tpu.memory_space<hbm>>
    tpu.wait_indirect_dma semaphore(%arg33 : memref<!tpu.dma_semaphore, #tpu.memory_space<semaphore_mem>>) src(%dma_wait3A_40 : memref<50000xf32, #tpu.memory_space<hbm>>) dst(%arg21 : memref<6272xf32, #tpu.memory_space<vmem>>)
    %dma_wait3A_41 = arith.constant 0 : i32
    %dma_wait3A_42 = tpu.memref_slice %arg4[%dma_wait3A_41] : memref<50000xf32, #tpu.memory_space<hbm>> -> memref<50000xf32, #tpu.memory_space<hbm>>
    tpu.wait_indirect_dma semaphore(%arg33 : memref<!tpu.dma_semaphore, #tpu.memory_space<semaphore_mem>>) src(%dma_wait3A_42 : memref<50000xf32, #tpu.memory_space<hbm>>) dst(%arg22 : memref<6272xf32, #tpu.memory_space<vmem>>)
    %dma_wait3A_43 = arith.constant 0 : i32
    %dma_wait3A_44 = tpu.memref_slice %arg2[%dma_wait3A_43] : memref<50000xf32, #tpu.memory_space<hbm>> -> memref<50000xf32, #tpu.memory_space<hbm>>
    tpu.wait_indirect_dma semaphore(%arg33 : memref<!tpu.dma_semaphore, #tpu.memory_space<semaphore_mem>>) src(%dma_wait3A_44 : memref<50000xf32, #tpu.memory_space<hbm>>) dst(%arg23 : memref<6272xf32, #tpu.memory_space<vmem>>)
    %dma_wait3A_45 = arith.constant 0 : i32
    %dma_wait3A_46 = tpu.memref_slice %arg3[%dma_wait3A_45] : memref<50000xf32, #tpu.memory_space<hbm>> -> memref<50000xf32, #tpu.memory_space<hbm>>
    tpu.wait_indirect_dma semaphore(%arg33 : memref<!tpu.dma_semaphore, #tpu.memory_space<semaphore_mem>>) src(%dma_wait3A_46 : memref<50000xf32, #tpu.memory_space<hbm>>) dst(%arg24 : memref<6272xf32, #tpu.memory_space<vmem>>)
    %dma_wait3A_47 = arith.constant 0 : i32
    %dma_wait3A_48 = tpu.memref_slice %arg4[%dma_wait3A_47] : memref<50000xf32, #tpu.memory_space<hbm>> -> memref<50000xf32, #tpu.memory_space<hbm>>
    tpu.wait_indirect_dma semaphore(%arg33 : memref<!tpu.dma_semaphore, #tpu.memory_space<semaphore_mem>>) src(%dma_wait3A_48 : memref<50000xf32, #tpu.memory_space<hbm>>) dst(%arg25 : memref<6272xf32, #tpu.memory_space<vmem>>)
    %scan3A_49 = arith.constant 0 : i32
    %scan3A_50 = arith.constant 0 : i32
    %scan3A_51 = arith.constant 392 : i32
    %scan3A_52 = arith.addi %scan3A_50, %scan3A_51 : i32
    %scan3A_53 = arith.constant 1 : i32
    scf.for %scan3A_58 = %scan3A_50 to %scan3A_52 step %scan3A_53  : i32 {
      %mul3A_59 = arith.constant 16 : i32
      %mul3A_60 = arith.muli %scan3A_58, %mul3A_59 : i32
      %get3A = arith.index_cast %mul3A_60 : i32 to index
      %get3A_61 = tpu.vector_load %arg20[%get3A] {strides = array<i32>} : memref<6272xf32, #tpu.memory_space<vmem>>, vector<16xf32>,
      %get3A_62 = vector.shape_cast %get3A_61 : vector<16xf32> to vector<16xf32>
      %get3A_63 = arith.index_cast %mul3A_60 : i32 to index
      %get3A_64 = tpu.vector_load %arg17[%get3A_63] {strides = array<i32>} : memref<6272xf32, #tpu.memory_space<vmem>>, vector<16xf32>,
      %get3A_65 = vector.shape_cast %get3A_64 : vector<16xf32> to vector<16xf32>
      %sub3A = arith.subf %get3A_62, %get3A_65 : vector<16xf32>
      %get3A_66 = arith.index_cast %mul3A_60 : i32 to index
      %get3A_67 = tpu.vector_load %arg21[%get3A_66] {strides = array<i32>} : memref<6272xf32, #tpu.memory_space<vmem>>, vector<16xf32>,
      %get3A_68 = vector.shape_cast %get3A_67 : vector<16xf32> to vector<16xf32>
      %get3A_69 = arith.index_cast %mul3A_60 : i32 to index
      %get3A_70 = tpu.vector_load %arg18[%get3A_69] {strides = array<i32>} : memref<6272xf32, #tpu.memory_space<vmem>>, vector<16xf32>,
      %get3A_71 = vector.shape_cast %get3A_70 : vector<16xf32> to vector<16xf32>
      %sub3A_72 = arith.subf %get3A_68, %get3A_71 : vector<16xf32>
      %get3A_73 = arith.index_cast %mul3A_60 : i32 to index
      %get3A_74 = tpu.vector_load %arg22[%get3A_73] {strides = array<i32>} : memref<6272xf32, #tpu.memory_space<vmem>>, vector<16xf32>,
      %get3A_75 = vector.shape_cast %get3A_74 : vector<16xf32> to vector<16xf32>
      %get3A_76 = arith.index_cast %mul3A_60 : i32 to index
      %get3A_77 = tpu.vector_load %arg19[%get3A_76] {strides = array<i32>} : memref<6272xf32, #tpu.memory_space<vmem>>, vector<16xf32>,
      %get3A_78 = vector.shape_cast %get3A_77 : vector<16xf32> to vector<16xf32>
      %sub3A_79 = arith.subf %get3A_75, %get3A_78 : vector<16xf32>
      %get3A_80 = arith.index_cast %mul3A_60 : i32 to index
      %get3A_81 = tpu.vector_load %arg23[%get3A_80] {strides = array<i32>} : memref<6272xf32, #tpu.memory_space<vmem>>, vector<16xf32>,
      %get3A_82 = vector.shape_cast %get3A_81 : vector<16xf32> to vector<16xf32>
      %get3A_83 = arith.index_cast %mul3A_60 : i32 to index
      %get3A_84 = tpu.vector_load %arg17[%get3A_83] {strides = array<i32>} : memref<6272xf32, #tpu.memory_space<vmem>>, vector<16xf32>,
      %get3A_85 = vector.shape_cast %get3A_84 : vector<16xf32> to vector<16xf32>
      %sub3A_86 = arith.subf %get3A_82, %get3A_85 : vector<16xf32>
      %get3A_87 = arith.index_cast %mul3A_60 : i32 to index
      %get3A_88 = tpu.vector_load %arg24[%get3A_87] {strides = array<i32>} : memref<6272xf32, #tpu.memory_space<vmem>>, vector<16xf32>,
      %get3A_89 = vector.shape_cast %get3A_88 : vector<16xf32> to vector<16xf32>
      %get3A_90 = arith.index_cast %mul3A_60 : i32 to index
      %get3A_91 = tpu.vector_load %arg18[%get3A_90] {strides = array<i32>} : memref<6272xf32, #tpu.memory_space<vmem>>, vector<16xf32>,
      %get3A_92 = vector.shape_cast %get3A_91 : vector<16xf32> to vector<16xf32>
      %sub3A_93 = arith.subf %get3A_89, %get3A_92 : vector<16xf32>
      %get3A_94 = arith.index_cast %mul3A_60 : i32 to index
      %get3A_95 = tpu.vector_load %arg25[%get3A_94] {strides = array<i32>} : memref<6272xf32, #tpu.memory_space<vmem>>, vector<16xf32>,
      %get3A_96 = vector.shape_cast %get3A_95 : vector<16xf32> to vector<16xf32>
      %get3A_97 = arith.index_cast %mul3A_60 : i32 to index
      %get3A_98 = tpu.vector_load %arg19[%get3A_97] {strides = array<i32>} : memref<6272xf32, #tpu.memory_space<vmem>>, vector<16xf32>,
      %get3A_99 = vector.shape_cast %get3A_98 : vector<16xf32> to vector<16xf32>
      %sub3A_100 = arith.subf %get3A_96, %get3A_99 : vector<16xf32>
      %mul3A_101 = arith.mulf %sub3A_72, %sub3A_100 : vector<16xf32>
      %mul3A_102 = arith.mulf %sub3A_79, %sub3A_93 : vector<16xf32>
      %sub3A_103 = arith.subf %mul3A_101, %mul3A_102 : vector<16xf32>
      %swap3A = arith.index_cast %mul3A_60 : i32 to index
      %swap3A_104 = tpu.vector_load %arg26[%swap3A] {strides = array<i32>} : memref<6272xf32, #tpu.memory_space<vmem>>, vector<16xf32>,
      %swap3A_105 = vector.shape_cast %swap3A_104 : vector<16xf32> to vector<16xf32>
      %swap3A_106 = vector.shape_cast %sub3A_103 : vector<16xf32> to vector<16xf32>
      tpu.vector_store %arg26[%swap3A], %swap3A_106 {strides = array<i32>} : memref<6272xf32, #tpu.memory_space<vmem>>, vector<16xf32>,
      %mul3A_107 = arith.mulf %sub3A_79, %sub3A_86 : vector<16xf32>
      %mul3A_108 = arith.mulf %sub3A, %sub3A_100 : vector<16xf32>
      %sub3A_109 = arith.subf %mul3A_107, %mul3A_108 : vector<16xf32>
      %swap3A_110 = arith.index_cast %mul3A_60 : i32 to index
      %swap3A_111 = tpu.vector_load %arg27[%swap3A_110] {strides = array<i32>} : memref<6272xf32, #tpu.memory_space<vmem>>, vector<16xf32>,
      %swap3A_112 = vector.shape_cast %swap3A_111 : vector<16xf32> to vector<16xf32>
      %swap3A_113 = vector.shape_cast %sub3A_109 : vector<16xf32> to vector<16xf32>
      tpu.vector_store %arg27[%swap3A_110], %swap3A_113 {strides = array<i32>} : memref<6272xf32, #tpu.memory_space<vmem>>, vector<16xf32>,
      %mul3A_114 = arith.mulf %sub3A, %sub3A_93 : vector<16xf32>
      %mul3A_115 = arith.mulf %sub3A_72, %sub3A_86 : vector<16xf32>
      %sub3A_116 = arith.subf %mul3A_114, %mul3A_115 : vector<16xf32>
      %swap3A_117 = arith.index_cast %mul3A_60 : i32 to index
      %swap3A_118 = tpu.vector_load %arg28[%swap3A_117] {strides = array<i32>} : memref<6272xf32, #tpu.memory_space<vmem>>, vector<16xf32>,
      %swap3A_119 = vector.shape_cast %swap3A_118 : vector<16xf32> to vector<16xf32>
      %swap3A_120 = vector.shape_cast %sub3A_116 : vector<16xf32> to vector<16xf32>
      tpu.vector_store %arg28[%swap3A_117], %swap3A_120 {strides = array<i32>} : memref<6272xf32, #tpu.memory_space<vmem>>, vector<16xf32>,
    }
    %scan3A_54 = arith.constant 392 : i32
    "tpu.region"() ({
      %run_scoped3A = tpu.sem_alloc : memref<!tpu.dma_semaphore, #tpu.memory_space<semaphore_mem>>
      %dma_start3A_58 = arith.constant 0 : i32
      %dma_start3A_59 = tpu.memref_slice %arg11[%dma_start3A_58] : memref<50176xf32, #tpu.memory_space<vmem_shared>> -> memref<50176xf32, #tpu.memory_space<vmem_shared>>
      tpu.enqueue_indirect_dma source(%arg26 : memref<6272xf32, #tpu.memory_space<vmem>>) target(%dma_start3A_59 : memref<50176xf32, #tpu.memory_space<vmem_shared>>) offsets(%arg14 : memref<6272xi32, #tpu.memory_space<vmem>>) semaphore(%run_scoped3A : memref<!tpu.dma_semaphore, #tpu.memory_space<semaphore_mem>>) {add = true}
      %dma_wait3A_60 = arith.constant 0 : i32
      %dma_wait3A_61 = tpu.memref_slice %arg11[%dma_wait3A_60] : memref<50176xf32, #tpu.memory_space<vmem_shared>> -> memref<50176xf32, #tpu.memory_space<vmem_shared>>
      tpu.wait_indirect_dma semaphore(%run_scoped3A : memref<!tpu.dma_semaphore, #tpu.memory_space<semaphore_mem>>) src(%arg26 : memref<6272xf32, #tpu.memory_space<vmem>>) dst(%dma_wait3A_61 : memref<50176xf32, #tpu.memory_space<vmem_shared>>)
      tpu.yield
    }) : () -> ()
    "tpu.region"() ({
      %run_scoped3A = tpu.sem_alloc : memref<!tpu.dma_semaphore, #tpu.memory_space<semaphore_mem>>
      %dma_start3A_58 = arith.constant 0 : i32
      %dma_start3A_59 = tpu.memref_slice %arg12[%dma_start3A_58] : memref<50176xf32, #tpu.memory_space<vmem_shared>> -> memref<50176xf32, #tpu.memory_space<vmem_shared>>
      tpu.enqueue_indirect_dma source(%arg27 : memref<6272xf32, #tpu.memory_space<vmem>>) target(%dma_start3A_59 : memref<50176xf32, #tpu.memory_space<vmem_shared>>) offsets(%arg14 : memref<6272xi32, #tpu.memory_space<vmem>>) semaphore(%run_scoped3A : memref<!tpu.dma_semaphore, #tpu.memory_space<semaphore_mem>>) {add = true}
      %dma_wait3A_60 = arith.constant 0 : i32
      %dma_wait3A_61 = tpu.memref_slice %arg12[%dma_wait3A_60] : memref<50176xf32, #tpu.memory_space<vmem_shared>> -> memref<50176xf32, #tpu.memory_space<vmem_shared>>
      tpu.wait_indirect_dma semaphore(%run_scoped3A : memref<!tpu.dma_semaphore, #tpu.memory_space<semaphore_mem>>) src(%arg27 : memref<6272xf32, #tpu.memory_space<vmem>>) dst(%dma_wait3A_61 : memref<50176xf32, #tpu.memory_space<vmem_shared>>)
      tpu.yield
    }) : () -> ()
    "tpu.region"() ({
      %run_scoped3A = tpu.sem_alloc : memref<!tpu.dma_semaphore, #tpu.memory_space<semaphore_mem>>
      %dma_start3A_58 = arith.constant 0 : i32
      %dma_start3A_59 = tpu.memref_slice %arg13[%dma_start3A_58] : memref<50176xf32, #tpu.memory_space<vmem_shared>> -> memref<50176xf32, #tpu.memory_space<vmem_shared>>
      tpu.enqueue_indirect_dma source(%arg28 : memref<6272xf32, #tpu.memory_space<vmem>>) target(%dma_start3A_59 : memref<50176xf32, #tpu.memory_space<vmem_shared>>) offsets(%arg14 : memref<6272xi32, #tpu.memory_space<vmem>>) semaphore(%run_scoped3A : memref<!tpu.dma_semaphore, #tpu.memory_space<semaphore_mem>>) {add = true}
      %dma_wait3A_60 = arith.constant 0 : i32
      %dma_wait3A_61 = tpu.memref_slice %arg13[%dma_wait3A_60] : memref<50176xf32, #tpu.memory_space<vmem_shared>> -> memref<50176xf32, #tpu.memory_space<vmem_shared>>
      tpu.wait_indirect_dma semaphore(%run_scoped3A : memref<!tpu.dma_semaphore, #tpu.memory_space<semaphore_mem>>) src(%arg28 : memref<6272xf32, #tpu.memory_space<vmem>>) dst(%dma_wait3A_61 : memref<50176xf32, #tpu.memory_space<vmem_shared>>)
      tpu.yield
    }) : () -> ()
    "tpu.region"() ({
      %run_scoped3A = tpu.sem_alloc : memref<!tpu.dma_semaphore, #tpu.memory_space<semaphore_mem>>
      %dma_start3A_58 = arith.constant 0 : i32
      %dma_start3A_59 = tpu.memref_slice %arg11[%dma_start3A_58] : memref<50176xf32, #tpu.memory_space<vmem_shared>> -> memref<50176xf32, #tpu.memory_space<vmem_shared>>
      tpu.enqueue_indirect_dma source(%arg26 : memref<6272xf32, #tpu.memory_space<vmem>>) target(%dma_start3A_59 : memref<50176xf32, #tpu.memory_space<vmem_shared>>) offsets(%arg15 : memref<6272xi32, #tpu.memory_space<vmem>>) semaphore(%run_scoped3A : memref<!tpu.dma_semaphore, #tpu.memory_space<semaphore_mem>>) {add = true}
      %dma_wait3A_60 = arith.constant 0 : i32
      %dma_wait3A_61 = tpu.memref_slice %arg11[%dma_wait3A_60] : memref<50176xf32, #tpu.memory_space<vmem_shared>> -> memref<50176xf32, #tpu.memory_space<vmem_shared>>
      tpu.wait_indirect_dma semaphore(%run_scoped3A : memref<!tpu.dma_semaphore, #tpu.memory_space<semaphore_mem>>) src(%arg26 : memref<6272xf32, #tpu.memory_space<vmem>>) dst(%dma_wait3A_61 : memref<50176xf32, #tpu.memory_space<vmem_shared>>)
      tpu.yield
    }) : () -> ()
    "tpu.region"() ({
      %run_scoped3A = tpu.sem_alloc : memref<!tpu.dma_semaphore, #tpu.memory_space<semaphore_mem>>
      %dma_start3A_58 = arith.constant 0 : i32
      %dma_start3A_59 = tpu.memref_slice %arg12[%dma_start3A_58] : memref<50176xf32, #tpu.memory_space<vmem_shared>> -> memref<50176xf32, #tpu.memory_space<vmem_shared>>
      tpu.enqueue_indirect_dma source(%arg27 : memref<6272xf32, #tpu.memory_space<vmem>>) target(%dma_start3A_59 : memref<50176xf32, #tpu.memory_space<vmem_shared>>) offsets(%arg15 : memref<6272xi32, #tpu.memory_space<vmem>>) semaphore(%run_scoped3A : memref<!tpu.dma_semaphore, #tpu.memory_space<semaphore_mem>>) {add = true}
      %dma_wait3A_60 = arith.constant 0 : i32
      %dma_wait3A_61 = tpu.memref_slice %arg12[%dma_wait3A_60] : memref<50176xf32, #tpu.memory_space<vmem_shared>> -> memref<50176xf32, #tpu.memory_space<vmem_shared>>
      tpu.wait_indirect_dma semaphore(%run_scoped3A : memref<!tpu.dma_semaphore, #tpu.memory_space<semaphore_mem>>) src(%arg27 : memref<6272xf32, #tpu.memory_space<vmem>>) dst(%dma_wait3A_61 : memref<50176xf32, #tpu.memory_space<vmem_shared>>)
      tpu.yield
    }) : () -> ()
    "tpu.region"() ({
      %run_scoped3A = tpu.sem_alloc : memref<!tpu.dma_semaphore, #tpu.memory_space<semaphore_mem>>
      %dma_start3A_58 = arith.constant 0 : i32
      %dma_start3A_59 = tpu.memref_slice %arg13[%dma_start3A_58] : memref<50176xf32, #tpu.memory_space<vmem_shared>> -> memref<50176xf32, #tpu.memory_space<vmem_shared>>
      tpu.enqueue_indirect_dma source(%arg28 : memref<6272xf32, #tpu.memory_space<vmem>>) target(%dma_start3A_59 : memref<50176xf32, #tpu.memory_space<vmem_shared>>) offsets(%arg15 : memref<6272xi32, #tpu.memory_space<vmem>>) semaphore(%run_scoped3A : memref<!tpu.dma_semaphore, #tpu.memory_space<semaphore_mem>>) {add = true}
      %dma_wait3A_60 = arith.constant 0 : i32
      %dma_wait3A_61 = tpu.memref_slice %arg13[%dma_wait3A_60] : memref<50176xf32, #tpu.memory_space<vmem_shared>> -> memref<50176xf32, #tpu.memory_space<vmem_shared>>
      tpu.wait_indirect_dma semaphore(%run_scoped3A : memref<!tpu.dma_semaphore, #tpu.memory_space<semaphore_mem>>) src(%arg28 : memref<6272xf32, #tpu.memory_space<vmem>>) dst(%dma_wait3A_61 : memref<50176xf32, #tpu.memory_space<vmem_shared>>)
      tpu.yield
    }) : () -> ()
    "tpu.region"() ({
      %run_scoped3A = tpu.sem_alloc : memref<!tpu.dma_semaphore, #tpu.memory_space<semaphore_mem>>
      %dma_start3A_58 = arith.constant 0 : i32
      %dma_start3A_59 = tpu.memref_slice %arg11[%dma_start3A_58] : memref<50176xf32, #tpu.memory_space<vmem_shared>> -> memref<50176xf32, #tpu.memory_space<vmem_shared>>
      tpu.enqueue_indirect_dma source(%arg26 : memref<6272xf32, #tpu.memory_space<vmem>>) target(%dma_start3A_59 : memref<50176xf32, #tpu.memory_space<vmem_shared>>) offsets(%arg16 : memref<6272xi32, #tpu.memory_space<vmem>>) semaphore(%run_scoped3A : memref<!tpu.dma_semaphore, #tpu.memory_space<semaphore_mem>>) {add = true}
      %dma_wait3A_60 = arith.constant 0 : i32
      %dma_wait3A_61 = tpu.memref_slice %arg11[%dma_wait3A_60] : memref<50176xf32, #tpu.memory_space<vmem_shared>> -> memref<50176xf32, #tpu.memory_space<vmem_shared>>
      tpu.wait_indirect_dma semaphore(%run_scoped3A : memref<!tpu.dma_semaphore, #tpu.memory_space<semaphore_mem>>) src(%arg26 : memref<6272xf32, #tpu.memory_space<vmem>>) dst(%dma_wait3A_61 : memref<50176xf32, #tpu.memory_space<vmem_shared>>)
      tpu.yield
    }) : () -> ()
    "tpu.region"() ({
      %run_scoped3A = tpu.sem_alloc : memref<!tpu.dma_semaphore, #tpu.memory_space<semaphore_mem>>
      %dma_start3A_58 = arith.constant 0 : i32
      %dma_start3A_59 = tpu.memref_slice %arg12[%dma_start3A_58] : memref<50176xf32, #tpu.memory_space<vmem_shared>> -> memref<50176xf32, #tpu.memory_space<vmem_shared>>
      tpu.enqueue_indirect_dma source(%arg27 : memref<6272xf32, #tpu.memory_space<vmem>>) target(%dma_start3A_59 : memref<50176xf32, #tpu.memory_space<vmem_shared>>) offsets(%arg16 : memref<6272xi32, #tpu.memory_space<vmem>>) semaphore(%run_scoped3A : memref<!tpu.dma_semaphore, #tpu.memory_space<semaphore_mem>>) {add = true}
      %dma_wait3A_60 = arith.constant 0 : i32
      %dma_wait3A_61 = tpu.memref_slice %arg12[%dma_wait3A_60] : memref<50176xf32, #tpu.memory_space<vmem_shared>> -> memref<50176xf32, #tpu.memory_space<vmem_shared>>
      tpu.wait_indirect_dma semaphore(%run_scoped3A : memref<!tpu.dma_semaphore, #tpu.memory_space<semaphore_mem>>) src(%arg27 : memref<6272xf32, #tpu.memory_space<vmem>>) dst(%dma_wait3A_61 : memref<50176xf32, #tpu.memory_space<vmem_shared>>)
      tpu.yield
    }) : () -> ()
    "tpu.region"() ({
      %run_scoped3A = tpu.sem_alloc : memref<!tpu.dma_semaphore, #tpu.memory_space<semaphore_mem>>
      %dma_start3A_58 = arith.constant 0 : i32
      %dma_start3A_59 = tpu.memref_slice %arg13[%dma_start3A_58] : memref<50176xf32, #tpu.memory_space<vmem_shared>> -> memref<50176xf32, #tpu.memory_space<vmem_shared>>
      tpu.enqueue_indirect_dma source(%arg28 : memref<6272xf32, #tpu.memory_space<vmem>>) target(%dma_start3A_59 : memref<50176xf32, #tpu.memory_space<vmem_shared>>) offsets(%arg16 : memref<6272xi32, #tpu.memory_space<vmem>>) semaphore(%run_scoped3A : memref<!tpu.dma_semaphore, #tpu.memory_space<semaphore_mem>>) {add = true}
      %dma_wait3A_60 = arith.constant 0 : i32
      %dma_wait3A_61 = tpu.memref_slice %arg13[%dma_wait3A_60] : memref<50176xf32, #tpu.memory_space<vmem_shared>> -> memref<50176xf32, #tpu.memory_space<vmem_shared>>
      tpu.wait_indirect_dma semaphore(%run_scoped3A : memref<!tpu.dma_semaphore, #tpu.memory_space<semaphore_mem>>) src(%arg28 : memref<6272xf32, #tpu.memory_space<vmem>>) dst(%dma_wait3A_61 : memref<50176xf32, #tpu.memory_space<vmem_shared>>)
      tpu.yield
    }) : () -> ()
    %barrier3A_55 = arith.constant 0 : index
    tpu.barrier barrier_id(%barrier3A_55)
    %mul3A_56 = arith.constant 1568 : i32
    %mul3A_57 = arith.muli %add3A, %mul3A_56 : i32
    "tpu.region"() ({
      %run_scoped3A = tpu.sem_alloc : memref<!tpu.dma_semaphore, #tpu.memory_space<semaphore_mem>>
      %dma_start3A_58 = tpu.memref_slice %arg11[%mul3A_57] : memref<50176xf32, #tpu.memory_space<vmem_shared>> -> memref<1568xf32, #tpu.memory_space<vmem_shared>>
      %dma_start3A_59 = tpu.memref_slice %arg11[%mul3A_57] : memref<50176xf32, #tpu.memory_space<vmem_shared>> -> memref<1568xf32, #tpu.memory_space<vmem_shared>>
      tpu.enqueue_dma source(%dma_start3A_59 : memref<1568xf32, #tpu.memory_space<vmem_shared>>) target(%arg29 : memref<1568xf32, #tpu.memory_space<vmem>>) target_semaphore(%run_scoped3A : memref<!tpu.dma_semaphore, #tpu.memory_space<semaphore_mem>>)
      %dma_wait3A_60 = tpu.memref_slice %arg11[%mul3A_57] : memref<50176xf32, #tpu.memory_space<vmem_shared>> -> memref<1568xf32, #tpu.memory_space<vmem_shared>>
      %dma_wait3A_61 = tpu.memref_slice %arg11[%mul3A_57] : memref<50176xf32, #tpu.memory_space<vmem_shared>> -> memref<1568xf32, #tpu.memory_space<vmem_shared>>
      tpu.wait_dma2 semaphore(%run_scoped3A : memref<!tpu.dma_semaphore, #tpu.memory_space<semaphore_mem>>) src(%dma_wait3A_61 : memref<1568xf32, #tpu.memory_space<vmem_shared>>) dst(%arg29 : memref<1568xf32, #tpu.memory_space<vmem>>)
      tpu.yield
    }) : () -> ()
    "tpu.region"() ({
      %run_scoped3A = tpu.sem_alloc : memref<!tpu.dma_semaphore, #tpu.memory_space<semaphore_mem>>
      %dma_start3A_58 = tpu.memref_slice %arg12[%mul3A_57] : memref<50176xf32, #tpu.memory_space<vmem_shared>> -> memref<1568xf32, #tpu.memory_space<vmem_shared>>
      %dma_start3A_59 = tpu.memref_slice %arg12[%mul3A_57] : memref<50176xf32, #tpu.memory_space<vmem_shared>> -> memref<1568xf32, #tpu.memory_space<vmem_shared>>
      tpu.enqueue_dma source(%dma_start3A_59 : memref<1568xf32, #tpu.memory_space<vmem_shared>>) target(%arg30 : memref<1568xf32, #tpu.memory_space<vmem>>) target_semaphore(%run_scoped3A : memref<!tpu.dma_semaphore, #tpu.memory_space<semaphore_mem>>)
      %dma_wait3A_60 = tpu.memref_slice %arg12[%mul3A_57] : memref<50176xf32, #tpu.memory_space<vmem_shared>> -> memref<1568xf32, #tpu.memory_space<vmem_shared>>
      %dma_wait3A_61 = tpu.memref_slice %arg12[%mul3A_57] : memref<50176xf32, #tpu.memory_space<vmem_shared>> -> memref<1568xf32, #tpu.memory_space<vmem_shared>>
      tpu.wait_dma2 semaphore(%run_scoped3A : memref<!tpu.dma_semaphore, #tpu.memory_space<semaphore_mem>>) src(%dma_wait3A_61 : memref<1568xf32, #tpu.memory_space<vmem_shared>>) dst(%arg30 : memref<1568xf32, #tpu.memory_space<vmem>>)
      tpu.yield
    }) : () -> ()
    "tpu.region"() ({
      %run_scoped3A = tpu.sem_alloc : memref<!tpu.dma_semaphore, #tpu.memory_space<semaphore_mem>>
      %dma_start3A_58 = tpu.memref_slice %arg13[%mul3A_57] : memref<50176xf32, #tpu.memory_space<vmem_shared>> -> memref<1568xf32, #tpu.memory_space<vmem_shared>>
      %dma_start3A_59 = tpu.memref_slice %arg13[%mul3A_57] : memref<50176xf32, #tpu.memory_space<vmem_shared>> -> memref<1568xf32, #tpu.memory_space<vmem_shared>>
      tpu.enqueue_dma source(%dma_start3A_59 : memref<1568xf32, #tpu.memory_space<vmem_shared>>) target(%arg31 : memref<1568xf32, #tpu.memory_space<vmem>>) target_semaphore(%run_scoped3A : memref<!tpu.dma_semaphore, #tpu.memory_space<semaphore_mem>>)
      %dma_wait3A_60 = tpu.memref_slice %arg13[%mul3A_57] : memref<50176xf32, #tpu.memory_space<vmem_shared>> -> memref<1568xf32, #tpu.memory_space<vmem_shared>>
      %dma_wait3A_61 = tpu.memref_slice %arg13[%mul3A_57] : memref<50176xf32, #tpu.memory_space<vmem_shared>> -> memref<1568xf32, #tpu.memory_space<vmem_shared>>
      tpu.wait_dma2 semaphore(%run_scoped3A : memref<!tpu.dma_semaphore, #tpu.memory_space<semaphore_mem>>) src(%dma_wait3A_61 : memref<1568xf32, #tpu.memory_space<vmem_shared>>) dst(%arg31 : memref<1568xf32, #tpu.memory_space<vmem>>)
      tpu.yield
    }) : () -> ()
    "tpu.region"() ({
      %run_scoped3A = tpu.sem_alloc : memref<!tpu.dma_semaphore, #tpu.memory_space<semaphore_mem>>
      %dma_start3A_58 = tpu.memref_slice %arg8[%mul3A_57] : memref<50176xf32, #tpu.memory_space<hbm>> -> memref<1568xf32, #tpu.memory_space<hbm>>
      %dma_start3A_59 = tpu.memref_slice %arg8[%mul3A_57] : memref<50176xf32, #tpu.memory_space<hbm>> -> memref<1568xf32, #tpu.memory_space<hbm>>
      tpu.enqueue_dma source(%arg29 : memref<1568xf32, #tpu.memory_space<vmem>>) target(%dma_start3A_59 : memref<1568xf32, #tpu.memory_space<hbm>>) target_semaphore(%run_scoped3A : memref<!tpu.dma_semaphore, #tpu.memory_space<semaphore_mem>>)
      %dma_wait3A_60 = tpu.memref_slice %arg8[%mul3A_57] : memref<50176xf32, #tpu.memory_space<hbm>> -> memref<1568xf32, #tpu.memory_space<hbm>>
      %dma_wait3A_61 = tpu.memref_slice %arg8[%mul3A_57] : memref<50176xf32, #tpu.memory_space<hbm>> -> memref<1568xf32, #tpu.memory_space<hbm>>
      tpu.wait_dma2 semaphore(%run_scoped3A : memref<!tpu.dma_semaphore, #tpu.memory_space<semaphore_mem>>) src(%arg29 : memref<1568xf32, #tpu.memory_space<vmem>>) dst(%dma_wait3A_61 : memref<1568xf32, #tpu.memory_space<hbm>>)
      tpu.yield
    }) : () -> ()
    "tpu.region"() ({
      %run_scoped3A = tpu.sem_alloc : memref<!tpu.dma_semaphore, #tpu.memory_space<semaphore_mem>>
      %dma_start3A_58 = tpu.memref_slice %arg9[%mul3A_57] : memref<50176xf32, #tpu.memory_space<hbm>> -> memref<1568xf32, #tpu.memory_space<hbm>>
      %dma_start3A_59 = tpu.memref_slice %arg9[%mul3A_57] : memref<50176xf32, #tpu.memory_space<hbm>> -> memref<1568xf32, #tpu.memory_space<hbm>>
      tpu.enqueue_dma source(%arg30 : memref<1568xf32, #tpu.memory_space<vmem>>) target(%dma_start3A_59 : memref<1568xf32, #tpu.memory_space<hbm>>) target_semaphore(%run_scoped3A : memref<!tpu.dma_semaphore, #tpu.memory_space<semaphore_mem>>)
      %dma_wait3A_60 = tpu.memref_slice %arg9[%mul3A_57] : memref<50176xf32, #tpu.memory_space<hbm>> -> memref<1568xf32, #tpu.memory_space<hbm>>
      %dma_wait3A_61 = tpu.memref_slice %arg9[%mul3A_57] : memref<50176xf32, #tpu.memory_space<hbm>> -> memref<1568xf32, #tpu.memory_space<hbm>>
      tpu.wait_dma2 semaphore(%run_scoped3A : memref<!tpu.dma_semaphore, #tpu.memory_space<semaphore_mem>>) src(%arg30 : memref<1568xf32, #tpu.memory_space<vmem>>) dst(%dma_wait3A_61 : memref<1568xf32, #tpu.memory_space<hbm>>)
      tpu.yield
    }) : () -> ()
    "tpu.region"() ({
      %run_scoped3A = tpu.sem_alloc : memref<!tpu.dma_semaphore, #tpu.memory_space<semaphore_mem>>
      %dma_start3A_58 = tpu.memref_slice %arg10[%mul3A_57] : memref<50176xf32, #tpu.memory_space<hbm>> -> memref<1568xf32, #tpu.memory_space<hbm>>
      %dma_start3A_59 = tpu.memref_slice %arg10[%mul3A_57] : memref<50176xf32, #tpu.memory_space<hbm>> -> memref<1568xf32, #tpu.memory_space<hbm>>
      tpu.enqueue_dma source(%arg31 : memref<1568xf32, #tpu.memory_space<vmem>>) target(%dma_start3A_59 : memref<1568xf32, #tpu.memory_space<hbm>>) target_semaphore(%run_scoped3A : memref<!tpu.dma_semaphore, #tpu.memory_space<semaphore_mem>>)
      %dma_wait3A_60 = tpu.memref_slice %arg10[%mul3A_57] : memref<50176xf32, #tpu.memory_space<hbm>> -> memref<1568xf32, #tpu.memory_space<hbm>>
      %dma_wait3A_61 = tpu.memref_slice %arg10[%mul3A_57] : memref<50176xf32, #tpu.memory_space<hbm>> -> memref<1568xf32, #tpu.memory_space<hbm>>
      tpu.wait_dma2 semaphore(%run_scoped3A : memref<!tpu.dma_semaphore, #tpu.memory_space<semaphore_mem>>) src(%arg31 : memref<1568xf32, #tpu.memory_space<vmem>>) dst(%dma_wait3A_61 : memref<1568xf32, #tpu.memory_space<hbm>>)
      tpu.yield
    }) : () -> ()
    return
  }
}

module attributes {stable_mosaic.version = 14 : i64} {
  func.func @_norm_tc_body(%arg0: memref<392x128xf32, #tpu.memory_space<vmem>>, %arg1: memref<392x128xf32, #tpu.memory_space<vmem>>, %arg2: memref<392x128xf32, #tpu.memory_space<vmem>>, %arg3: memref<392x128xf32, #tpu.memory_space<vmem>>, %arg4: memref<392x128xf32, #tpu.memory_space<vmem>>, %arg5: memref<392x128xf32, #tpu.memory_space<vmem>>) attributes {dimension_semantics = [], scalar_prefetch = 0 : i64, scratch_operands = 0 : i64, tpu.core_type = #tpu.core_type<tc>} {
    %get3A = arith.constant 0 : index
    %get3A_0 = arith.constant 0 : index
    %get3A_1 = vector.load %arg0[%get3A, %get3A_0] : memref<392x128xf32, #tpu.memory_space<vmem>>, vector<392x128xf32>
    %get3A_2 = arith.constant 0 : index
    %get3A_3 = arith.constant 0 : index
    %get3A_4 = vector.load %arg1[%get3A_2, %get3A_3] : memref<392x128xf32, #tpu.memory_space<vmem>>, vector<392x128xf32>
    %get3A_5 = arith.constant 0 : index
    %get3A_6 = arith.constant 0 : index
    %get3A_7 = vector.load %arg2[%get3A_5, %get3A_6] : memref<392x128xf32, #tpu.memory_space<vmem>>, vector<392x128xf32>
    %mul3A = arith.mulf %get3A_1, %get3A_1 : vector<392x128xf32>
    %mul3A_8 = arith.mulf %get3A_4, %get3A_4 : vector<392x128xf32>
    %add3A = arith.addf %mul3A, %mul3A_8 : vector<392x128xf32>
    %mul3A_9 = arith.mulf %get3A_7, %get3A_7 : vector<392x128xf32>
    %add3A_10 = arith.addf %add3A, %mul3A_9 : vector<392x128xf32>
    %sqrt3A = math.sqrt %add3A_10 : vector<392x128xf32>
    %max3A = arith.constant 9.99999997E-7 : f32
    %max3A_11 = vector.broadcast %max3A : f32 to vector<392x128xf32>
    %max3A_12 = arith.maximumf %sqrt3A, %max3A_11 : vector<392x128xf32>
    %div3A = arith.divf %get3A_1, %max3A_12 : vector<392x128xf32>
    %swap3A = arith.constant 0 : index
    %swap3A_13 = arith.constant 0 : index
    %swap3A_14 = vector.load %arg3[%swap3A, %swap3A_13] : memref<392x128xf32, #tpu.memory_space<vmem>>, vector<392x128xf32>
    tpu.vector_store %arg3[%swap3A, %swap3A_13], %div3A {strides = array<i32>} : memref<392x128xf32, #tpu.memory_space<vmem>>, vector<392x128xf32>,
    %div3A_15 = arith.divf %get3A_4, %max3A_12 : vector<392x128xf32>
    %swap3A_16 = arith.constant 0 : index
    %swap3A_17 = arith.constant 0 : index
    %swap3A_18 = vector.load %arg4[%swap3A_16, %swap3A_17] : memref<392x128xf32, #tpu.memory_space<vmem>>, vector<392x128xf32>
    tpu.vector_store %arg4[%swap3A_16, %swap3A_17], %div3A_15 {strides = array<i32>} : memref<392x128xf32, #tpu.memory_space<vmem>>, vector<392x128xf32>,
    %div3A_19 = arith.divf %get3A_7, %max3A_12 : vector<392x128xf32>
    %swap3A_20 = arith.constant 0 : index
    %swap3A_21 = arith.constant 0 : index
    %swap3A_22 = vector.load %arg5[%swap3A_20, %swap3A_21] : memref<392x128xf32, #tpu.memory_space<vmem>>, vector<392x128xf32>
    tpu.vector_store %arg5[%swap3A_20, %swap3A_21], %div3A_19 {strides = array<i32>} : memref<392x128xf32, #tpu.memory_space<vmem>>, vector<392x128xf32>,
    return
  }
}

</mosaic_0001>

<sc_bundles>
// kernel: kernel.5.cloned.1.call-start
scs
__scs_entry_jumppad:
0x0: {  	(pc) =	sbr.rel $0x88, $3  }
0x1: {  	(tag) =	ssettag $0x0;
	lr =	simm.s32 $0x1  }
0x2: {  	[smem:$0x3F9E] =	sst lr;
	_ =	strace $0xD0000000  }
0x3: {  	_ = 	snop  }
0x4: {  	_ = 	snop  }
0x5: {  	_ = 	snop  }
0x6: {  	_ = 	snop  }
0x7: {  	_ = 	snop  }
__scs_overlays_trampoline_lowered:
0x8: {  	[smem:$0x3FAD] =	sst s0  }
0x9: {  	[smem:$0x3FAE] =	sst s1  }
0xa: {  	[smem:$0x3FAF] =	sst s2  }
0xb: {  	[smem:$0x3FB0] =	sst s3  }
0xc: {  	[smem:$0x3FB1] =	sst s4  }
0xd: {  	[smem:$0x3FB2] =	sst s5  }
0xe: {  	[smem:$0x3FB3] =	sst s6  }
0xf: {  	[smem:$0x3FB4] =	sst s7  }
0x10: {  	[smem:$0x3FB5] =	sst s8  }
0x11: {  	[smem:$0x3FB6] =	sst s9;
	s0 =	simm.s32 @!p0 $0x0  }
0x12: {  	s1 =	sld [smem:$0x3F9C];
	s0 =	simm.s32 @p0 $0x1  }
0x13: {  	[smem:$0x3FB7] =	sst s0;
	s0 =	simm.s32 @!p1 $0x0  }
0x14: {  	s2 =	sld [smem:$0x3F9B];
	s0 =	simm.s32 @p1 $0x1  }
0x15: {  	[smem:$0x3FB8] =	sst s0;
	s0 =	simm.s32 @!p2 $0x0  }
0x16: {  	s3 =	sld [smem:$0x3FDB];
	s0 =	simm.s32 @p2 $0x1  }
0x17: {  	s4 =	simm.s32 $0x1BF5;
	[smem:$0x3FBA] =	sst s0  }
0x18: {  	s0 =	sld [smem:$0x3F9D];
	_ =	swait.ge [sflag:s4], $0x0  }
0x19: {  	s7 =	sld [smem:$0x3F9E]  }
0x1a: {  	s8 =	sadd.s32 $0xFFFFE003, lr  }
0x1b: {  	s9 =	sadd.s32 $0xFFFFFEF7, lr;
	s5 =	simm.s32 $0xFFFFFFFF;
	p2 =	slt.u32 s8, $0xFFFFF086  }
0x1c: {  	p1 =	slt.u32 s9, $0xF7A;
	s5 =	simm.s32 @!p2 $0x0  }
0x1d: {  	s5 =	simm.s32 @p1 $0x1;
	p0 =	seq.s32 s7, s2  }
0x1e: {  	s7 =	smul.u32 @!p0 $0xF7A, s2;
	p2 =	seq.s32 @!p0 s5, $0x0  }
0x1f: {  	s9 =	smul.u32 $0xF7A, s1;
	s8 =	simm.s32 @!p0 $0x1BF5;
	p2 =	por !p2, p0  }
0x20: {  	[sflag:s8] =	ssyncset.s32 @!p0 $0xFFFFF086;
	s6 =	sadd.s32 @!p0 s3, s7;
	s7 =	simm.s32 @!p0 $0x108  }
0x21: {  	s3 =	sadd.s32 s3, s9;
	s6 =	sadd.s32 @!p0 $0x88, s6;
	s7 =	simm.s32 @p2 $0x1082  }
0x22: {  	[simem:s7], [sflag:s8] =	dma.local @!p0 [hbm:s6], $0xF7A  }
0x23: {  	s9 =	sor.u32 $0xD0000000, s2;
	s6 =	simm.s32 $0x108;
	_ =	swait.ge @!p0 [sflag:s8], $0x0  }
0x24: {  	s3 =	sadd.s32 $0x88, s3;
	s6 =	simm.s32 @!p1 $0x1082;
	[sflag:s4] =	ssyncset.s32 $0xFFFFF086  }
0x25: {  	[simem:s6], [sflag:s4] =	dma.local [hbm:s3], $0xF7A  }
0x26: {  	[smem:$0x3F9E] =	sst s1;
	(tag) =	ssettag s2;
	_ =	strace s9  }
0x27: {  	s1 =	sld [smem:$0x3FAE]  }
0x28: {  	s2 =	sld [smem:$0x3FAF]  }
0x29: {  	s4 =	sld [smem:$0x3FB1]  }
0x2a: {  	p0 =	seq.s32 s5, $0x0;
	s5 =	sld [smem:$0x3FB2]  }
0x2b: {  	s6 =	sld [smem:$0x3FB3]  }
0x2c: {  	s7 =	sld [smem:$0x3FB4]  }
0x2d: {  	s3 =	simm.s32 $0x108;
	s8 =	sld [smem:$0x3FB5]  }
0x2e: {  	s3 =	simm.s32 @!p0 $0x1082;
	s9 =	sld [smem:$0x3FB6]  }
0x2f: {  	lr =	sadd.s32 s0, s3;
	s0 =	sld [smem:$0x3FAD]  }
0x30: {  	s3 =	sld [smem:$0x3FB0]  }
0x31: {  	[smem:$0x3FB9] =	sst s10  }
0x32: {  	s10 =	sld [smem:$0x3FB7];
	_ =	sdelay $0x3  }
0x33: {  	p0 =	seq.s32 s10, $0x1;
	s10 =	sld [smem:$0x3FB9];
	_ =	sdelay $0x3  }
0x34: {  	[smem:$0x3FB9] =	sst s10  }
0x35: {  	s10 =	sld [smem:$0x3FB8];
	_ =	sdelay $0x3  }
0x36: {  	p1 =	seq.s32 s10, $0x1;
	s10 =	sld [smem:$0x3FB9];
	_ =	sdelay $0x3  }
0x37: {  	[smem:$0x3FB9] =	sst s10  }
0x38: {  	s10 =	sld [smem:$0x3FBA]  }
0x39: {  	_ = 	snop;
	(pc) =	sbr.ind lr, $3  }
0x3a: {  	_ = 	snop  }
0x3b: {  	_ = 	snop  }
0x3c: {  	p2 =	seq.s32 s10, $0x1;
	s10 =	sld [smem:$0x3FB9]  }
0x3d: {  	_ =	shalt  }
0x3e: {  	_ =	shalt  }
0x3f: {  	_ =	shalt  }
0x40: {  	_ =	shalt  }
0x41: {  	_ =	shalt  }
0x42: {  	_ =	shalt  }
0x43: {  	_ =	shalt  }
0x44: {  	_ =	shalt  }
0x45: {  	_ =	shalt  }
0x46: {  	_ =	shalt  }
0x47: {  	_ =	shalt  }
0x48: {  	_ =	shalt  }
0x49: {  	_ =	shalt  }
0x4a: {  	_ =	shalt  }
0x4b: {  	_ =	shalt  }
0x4c: {  	_ =	shalt  }
0x4d: {  	_ =	shalt  }
0x4e: {  	_ =	shalt  }
0x4f: {  	_ =	shalt  }
0x50: {  	_ =	shalt  }
0x51: {  	_ =	shalt  }
0x52: {  	_ =	shalt  }
0x53: {  	_ =	shalt  }
0x54: {  	_ =	shalt  }
0x55: {  	_ =	shalt  }
0x56: {  	_ =	shalt  }
0x57: {  	_ =	shalt  }
0x58: {  	_ =	shalt  }
0x59: {  	_ =	shalt  }
0x5a: {  	_ =	shalt  }
0x5b: {  	_ =	shalt  }
0x5c: {  	_ =	shalt  }
0x5d: {  	_ =	shalt  }
0x5e: {  	_ =	shalt  }
0x5f: {  	_ =	shalt  }
0x60: {  	_ =	shalt  }
0x61: {  	_ =	shalt  }
0x62: {  	_ =	shalt  }
0x63: {  	_ =	shalt  }
0x64: {  	_ =	shalt  }
0x65: {  	_ =	shalt  }
0x66: {  	_ =	shalt  }
0x67: {  	_ =	shalt  }
0x68: {  	_ =	shalt  }
0x69: {  	_ =	shalt  }
0x6a: {  	_ =	shalt  }
0x6b: {  	_ =	shalt  }
0x6c: {  	_ =	shalt  }
0x6d: {  	_ =	shalt  }
0x6e: {  	_ =	shalt  }
0x6f: {  	_ =	shalt  }
0x70: {  	_ =	shalt  }
0x71: {  	_ =	shalt  }
0x72: {  	_ =	shalt  }
0x73: {  	_ =	shalt  }
0x74: {  	_ =	shalt  }
0x75: {  	_ =	shalt  }
0x76: {  	_ =	shalt  }
0x77: {  	_ =	shalt  }
0x78: {  	_ =	shalt  }
0x79: {  	_ =	shalt  }
0x7a: {  	_ =	shalt  }
0x7b: {  	_ =	shalt  }
0x7c: {  	_ =	shalt  }
0x7d: {  	_ =	shalt  }
0x7e: {  	_ =	shalt  }
0x7f: {  	_ =	shalt  }
0x80: {  	_ =	shalt  }
0x81: {  	_ =	shalt  }
0x82: {  	_ =	shalt  }
0x83: {  	_ =	shalt  }
0x84: {  	_ =	shalt  }
0x85: {  	_ =	shalt  }
0x86: {  	_ =	shalt  }
0x87: {  	_ =	shalt  }
.Lfunc_end0:
.L_simem_size_0:
called_computation_lowered:
.L_overlay_start_0:
0x88: {  	s2 =	sld [smem:$0x3FD9]  }
0x89: {  	s3 =	sld [smem:$0x3FFE];
	_ =	sdelay $0x1  }
0x8a: {  	s1 =	srdreg.scid  }
0x8b: {  	s0 =	sand.u32 $0x1, s1  }
0x8c: {  	s17 =	sshll.u32 s0, $0xA;
	s2 =	sadd.s32 s3, s2  }
0x8d: {  	s2 =	sadd.s32 s2, s17  }
0x8e: {  	[smem:$0x3FC5] =	sst s2  }
0x8f: {  	_ = 	snop  }
0x90: {  	s2 =	sld [smem:$0x3FD0];
	(tm) =	ssettm $0x1  }
0x91: {  	s18 =	sld [smem:$0x3FFB];
	_ =	sdelay $0x3  }
0x92: {  	_ =	strace s18  }
0x93: {  	s3 =	sld [smem:$0x3FFC];
	_ =	sdelay $0x3  }
0x94: {  	_ =	strace s3  }
0x95: {  	s3 =	sld [smem:$0x3FFD];
	_ =	sdelay $0x3  }
0x96: {  	_ =	strace s3  }
0x97: {  	_ =	strace $0x8FFFFFFF  }
0x98: {  	s19 =	sld [smem:$0x3FDB];
	_ =	sdelay $0x1  }
0x99: {  	s4 =	simm.s32 $_scs_section_size  }
0x9a: {  	s5 =	simm.s32 $_size__tile_overlayer_lowered;
	s6 =	simm.s32 $_tile_overlayer_lowered  }
0x9b: {  	s22 =	simm.s32 $0x1BFF;
	s21 =	sshll.u32 s6, $0x1;
	s3 =	sadd.s32 s4, s19  }
0x9c: {  	s7 =	simm.s32 $0x0;
	s20 =	sshll.u32 s5, $0x1;
	s5 =	sadd.s32 s21, s3  }
0x9d: {  	[timem:s7], [sflag:s22] =	dma.local [hbm:s5], s20  }
0x9e: {  	_ =	swait.ge [sflag:s22], s20  }
0x9f: {  	s4 =	ssub.s32 $0x0, s20;
	[sflag:s22] =	ssyncset.done $0x0  }
0xa0: {  	[sflag:s22] =	ssyncadd.s32 s4;
	_ =	sdelay $0x1  }
0xa1: {  	s23 =	simm.s32 $0x1B8B  }
0xa2: {  	_ =	swait.ge [sflag:s23], $0x1  }
0xa3: {  	[sflag:s23] =	ssyncset.done $0x0  }
0xa4: {  	s25 =	simm.s32 $0x1B8E;
	s24 =	sld [smem:$0x3FFE];
	[sflag:s23] =	ssyncadd.s32 $0xFFFFFFFF  }
0xa5: {  	s26 =	simm.s32 $execute0_lowered;
	[smem:$0x3FD2] =	sst s25  }
0xa6: {  	s5 =	sshll.u32 s26, $0x1;
	_ =	strace $0x80000046;
	[dreg:$0x1] =	wrdreg $0xFFFFFFFF  }
0xa7: {  	s28 =	simm.s32 $_size_execute0_lowered;
	s3 =	sadd.s32 s3, s5;
	[dreg:$0x0] =	wrdreg $0x0  }
0xa8: {  	s5 =	sshll.u32 s28, $0x1;
	[dreg:$0x2] =	wrdreg s3  }
0xa9: {  	[dreg:$0x3] =	wrdreg s5  }
0xaa: {  	[dreg:$0x4] =	wrdreg $0xC0  }
0xab: {  	_ =	task [dreg:s7], $0x5FFFF  }
0xac: {  	[dreg:$0x1] =	wrdreg $0xFFFFFFFF  }
0xad: {  	[dreg:$0x0] =	wrdreg $0x60  }
0xae: {  	[dreg:$0x2] =	wrdreg s24  }
0xaf: {  	[dreg:$0x3] =	wrdreg s2  }
0xb0: {  	[dreg:$0x4] =	wrdreg $0x0  }
0xb1: {  	[dreg:$0x5] =	wrdreg $0xC400  }
0xb2: {  	[dreg:$0x6] =	wrdreg $0x18800  }
0xb3: {  	[dreg:$0x7] =	wrdreg $0x9  }
0xb4: {  	_ =	task.clear_ibuf [dreg:s7], $0x8FFFF;
	_ =	strace $0x90000046  }
0xb5: {  	s29 =	simm.s32 $0x9;
	_ =	strace $0x80000048  }
0xb6: {  	_ =	swait.ge [sflag:s29], $0x1  }
0xb7: {  	[sflag:s29] =	ssyncadd.s32 $0xFFFFFFFF  }
0xb8: {  	_ =	strace $0x90000048  }
0xb9: {  	_ =	sfence  }
0xba: {  	s30 =	sld [smem:$0x0];
	_ =	sdelay $0x2  }
0xbb: {  	s31 =	sshll.u32 s1, $0xD;
	s1 =	sshrl.u32 s1, $0x2  }
0xbc: {  	s3 =	sand.u32 $0x4000, s31;
	s1 =	sadd.s32 s1, s30  }
0xbd: {  	s0 =	sor.u32 s3, s0;
	s1 =	sshll.u32 s1, $0x11  }
0xbe: {  	s0 =	sor.u32 s1, s0  }
0xbf: {  	s0 =	sadd.s32 $0x8F2B, s0  }
0xc0: {  	[sflag:s0] =	ssyncadd.remote.s32 $0x1  }
0xc1: {  	_ =	sfence.sel $0xFFFF  }
0xc2: {  	[dreg:$0x0] =	wrdreg $0xFFFFFFFF;
	(pc) =	sbr.abs _section_cstart, $3  }
0xc3: {  	[dreg:$0x1] =	wrdreg $0xFFFFFFFF  }
0xc4: {  	_ =	task.clear_ibuf [dreg:s7], $0x2FFFF;
	_ =	strace $0x9FFFFFFF  }
0xc5: {  	(tm) =	ssettm $0x7FFFFFFF  }
tec
execute0_lowered:
.L_overlay_start_1:
0x0: {  	(tag) =	ssettag $0x1  }
0x1: {  	s1 =	rddreg [dreg:$0x0]  }
0x2: {  	s2 =	rddreg [dreg:$0x1]  }
0x3: {  	s4 =	rddreg [dreg:$0x2]  }
0x4: {  	s5 =	rddreg [dreg:$0x3]  }
0x5: {  	s6 =	rddreg [dreg:$0x4];
	s12 =	stileid.u32  }
0x6: {  	s0 =	srdreg.scid;
	s7 =	simm.s32 $0x0;
	s28 =	simm.s32 $0x1880  }
0x7: {  	s29 =	simm.s32 $0x14AC0;
	s30 =	simm.s32 $0x16340;
	s31 =	simm.s32 $0x17BC0  }
0x8: {  	s0 =	sand.u32 $0x1, s0;
	s3 =	sshll.u32 s12, $0x1;
	s9 =	smul.u32 $0x310, s12  }
0x9: {  	[smem:$0x7FF] =	sst s7;
	s8 =	sadd.s32 $0x1A00, s1;
	s12 =	smul.u32 $0xC40, s12  }
0xa: {  	s3 =	sor.u32 s0, s3;
	_ =	strace $0x80000047;
	s0 =	ssub.s32 $0x2, s0  }
0xb: {  	s3 =	smul.u32 $0x620, s3;
	s11 =	sshrl.u32 s0, $0x1;
	s21 =	sadd.s32 s12, s4  }
0xc: {  	s9 =	sadd.s32 s9, s1;
	s22 =	sadd.s32 s12, s5;
	[dreg:$0x6] =	wrdreg s21  }
0xd: {  	s23 =	sadd.s32 s12, s6;
	s0 =	ssub.s32 s0, s11;
	[dreg:$0x7] =	wrdreg s22  }
0xe: {  	[dreg:$0x8] =	wrdreg s23;
	s24 =	sadd.s32 $0x9800, s9;
	s25 =	sadd.s32 $0x6600, s9  }
0xf: {  	s9 =	sadd.s32 $0x3400, s9;
	s22 =	simm.s32 $0x1A7C0;
	[dreg:$0x9] =	wrdreg s24  }
0x10: {  	s23 =	simm.s32 $0x2;
	s11 =	simm.s32 $0x0;
	[dreg:$0xa] =	wrdreg s25  }
0x11: {  	s10 =	sshrl.u32 s3, $0x3;
	[dreg:$0xb] =	wrdreg s9;
	s26 =	sadd.s32 s3, s4  }
0x12: {  	s16 =	sadd.s32 s3, s5;
	s17 =	sadd.s32 s3, s6;
	s21 =	smax.u32 s0, $0x1  }
0x13: {  	s24 =	simm.s32 $0x24C0;
	s25 =	simm.s32 $0x3D40;
	s3 =	simm.s32 $0x1  }
0x14: {  	s0 =	simm.s32 $0x19440;
	s9 =	simm.s32 $0x19AC0;
	s10 =	sadd.s32 s10, s1  }
0x15: {  	[dreg:$0xc] =	wrdreg s26;
	s26 =	simm.s32 $0x55C0;
	s18 =	sadd.s32 $0xCA00, s10  }
0x16: {  	v0 =	vimm.f32 $0.0e+00;
	s19 =	sadd.s32 $0xE400, s10;
	s20 =	sadd.s32 $0xFE00, s10;
	s10 =	simm.s32 $0x1A140  }
.LBB2_1:
0x17: {  	s12 =	simm.s32 $0x40;
	s13 =	simm.s32 $0x0  }
.LBB2_2:
0x18: {  	p0 =	sne.s32 s12, $0x30C0;
	[tilespmem:s13+$0x1A7C0] =	vst v0;
	s13 =	smov.u32 s12;
	s12 =	sadd.s32 $0x40, s12  }
.Ltmp0:
0x19: {  	(pc) =	sbr.rel @p0 .LBB2_2-.Ltmp0, $2  }
0x1a: {  	_ =	sdelay $0x2  }
0x1b: {  	s13 =	sshra.s32 s13, $0x2  }
0x1c: {  	[tilespmem:s13+$0x1A7C0] =	vst v0;
	s12 =	rddreg [dreg:$0x6]  }
0x1d: {  	[spmem:s12] =	stream.linear.scatter [tilespmem:s22], [sflag:$0x2], $0xC40, $0x38;
	[tilespmem:$0x1B440] =	vst v63  }
0x1e: {  	_ =	swait.ge [sflag:s23], $0xC40  }
0x1f: {  	[sflag:s23] =	ssyncset.done $0x0  }
0x20: {  	s13 =	rddreg [dreg:$0x7];
	[sflag:s23] =	ssyncadd.s32 $0xFFFFF3C0  }
0x21: {  	[spmem:s13] =	stream.linear.scatter [tilespmem:s22], [sflag:$0x2], $0xC40, $0x38;
	[tilespmem:$0x1B440] =	vst v63  }
0x22: {  	_ =	swait.ge [sflag:s23], $0xC40  }
0x23: {  	[sflag:s23] =	ssyncset.done $0x0  }
0x24: {  	s14 =	rddreg [dreg:$0x8];
	[sflag:s23] =	ssyncadd.s32 $0xFFFFF3C0  }
0x25: {  	[spmem:s14] =	stream.linear.scatter [tilespmem:s22], [sflag:$0x2], $0xC40, $0x38;
	[tilespmem:$0x1B440] =	vst v63  }
0x26: {  	_ =	swait.ge [sflag:s23], $0xC40  }
0x27: {  	[sflag:s23] =	ssyncset.done $0x0  }
0x28: {  	[sflag:s23] =	ssyncadd.s32 $0xFFFFF3C0  }
0x29: {  	[bflag:$0x0] =	sbarrier.arrive $0xFFFF  }
0x2a: {  	s12 =	simm.s32 $0x0;
	s15 =	rddreg [dreg:$0x9]  }
0x2b: {  	[tilespmem:s24], [sflag:$0x2] =	stream.linear.gather [hbm4b:s15+s12], $0x1880, $0x38;
	[tilespmem:$0x1B440] =	vst v63  }
0x2c: {  	_ =	swait.ge [sflag:s23], $0x1880  }
0x2d: {  	[sflag:s23] =	ssyncset.done $0x0  }
0x2e: {  	s14 =	rddreg [dreg:$0xa];
	[sflag:s23] =	ssyncadd.s32 $0xFFFFE780  }
0x2f: {  	[tilespmem:s25], [sflag:$0x2] =	stream.linear.gather [hbm4b:s14+s12], $0x1880, $0x38;
	[tilespmem:$0x1B440] =	vst v63  }
0x30: {  	_ =	swait.ge [sflag:s23], $0x1880  }
0x31: {  	[sflag:s23] =	ssyncset.done $0x0  }
0x32: {  	s15 =	rddreg [dreg:$0xb];
	[sflag:s23] =	ssyncadd.s32 $0xFFFFE780  }
0x33: {  	[tilespmem:s26], [sflag:$0x2] =	stream.linear.gather [hbm4b:s15+s12], $0x1880, $0x38;
	[tilespmem:$0x1B440] =	vst v63  }
0x34: {  	_ =	swait.ge [sflag:s23], $0x1880  }
0x35: {  	[sflag:s23] =	ssyncset.done $0x0  }
0x36: {  	s13 =	simm.s32 $0x6E40;
	[sflag:s23] =	ssyncadd.s32 $0xFFFFE780  }
0x37: {  	[tilespmem:s13], [sflag:$0x1] =	stream.indirect.gather [hbm4b:s8+s28], $0x1, s24, s28, $0xb8;
	[tilespmem:$0x1B440] =	vst v63  }
0x38: {  	s14 =	simm.s32 $0x86C0  }
0x39: {  	[tilespmem:s14], [sflag:$0x1] =	stream.indirect.gather [hbm4b:s1+s28], $0x1, s24, s28, $0xb8;
	[tilespmem:$0x1B440] =	vst v63  }
0x3a: {  	s15 =	simm.s32 $0x9F40  }
0x3b: {  	[tilespmem:s15], [sflag:$0x1] =	stream.indirect.gather [hbm4b:s2+s28], $0x1, s24, s28, $0xb8;
	[tilespmem:$0x1B440] =	vst v63  }
0x3c: {  	s13 =	simm.s32 $0xB7C0  }
0x3d: {  	[tilespmem:s13], [sflag:$0x1] =	stream.indirect.gather [hbm4b:s8+s28], $0x1, s25, s28, $0xb8;
	[tilespmem:$0x1B440] =	vst v63  }
0x3e: {  	s14 =	simm.s32 $0xD040  }
0x3f: {  	[tilespmem:s14], [sflag:$0x1] =	stream.indirect.gather [hbm4b:s1+s28], $0x1, s25, s28, $0xb8;
	[tilespmem:$0x1B440] =	vst v63  }
0x40: {  	s15 =	simm.s32 $0xE8C0  }
0x41: {  	[tilespmem:s15], [sflag:$0x1] =	stream.indirect.gather [hbm4b:s2+s28], $0x1, s25, s28, $0xb8;
	[tilespmem:$0x1B440] =	vst v63  }
0x42: {  	s13 =	simm.s32 $0x10140  }
0x43: {  	[tilespmem:s13], [sflag:$0x1] =	stream.indirect.gather [hbm4b:s8+s28], $0x1, s26, s28, $0xb8;
	[tilespmem:$0x1B440] =	vst v63  }
0x44: {  	s14 =	simm.s32 $0x119C0  }
0x45: {  	[tilespmem:s14], [sflag:$0x1] =	stream.indirect.gather [hbm4b:s1+s28], $0x1, s26, s28, $0xb8;
	[tilespmem:$0x1B440] =	vst v63  }
0x46: {  	s15 =	simm.s32 $0x13240  }
0x47: {  	[tilespmem:s15], [sflag:$0x1] =	stream.indirect.gather [hbm4b:s2+s28], $0x1, s26, s28, $0xb8;
	[tilespmem:$0x1B440] =	vst v63  }
0x48: {  	_ =	swait.ge [sflag:s3], $0x1880  }
0x49: {  	[sflag:s3] =	ssyncset.done $0x0  }
0x4a: {  	[sflag:s3] =	ssyncadd.s32 $0xFFFFE780  }
0x4b: {  	_ =	swait.ge [sflag:s3], $0x1880  }
0x4c: {  	[sflag:s3] =	ssyncset.done $0x0  }
0x4d: {  	[sflag:s3] =	ssyncadd.s32 $0xFFFFE780  }
0x4e: {  	_ =	swait.ge [sflag:s3], $0x1880  }
0x4f: {  	[sflag:s3] =	ssyncset.done $0x0  }
0x50: {  	[sflag:s3] =	ssyncadd.s32 $0xFFFFE780  }
0x51: {  	_ =	swait.ge [sflag:s3], $0x1880  }
0x52: {  	[sflag:s3] =	ssyncset.done $0x0  }
0x53: {  	[sflag:s3] =	ssyncadd.s32 $0xFFFFE780  }
0x54: {  	_ =	swait.ge [sflag:s3], $0x1880  }
0x55: {  	[sflag:s3] =	ssyncset.done $0x0  }
0x56: {  	[sflag:s3] =	ssyncadd.s32 $0xFFFFE780  }
0x57: {  	_ =	swait.ge [sflag:s3], $0x1880  }
0x58: {  	[sflag:s3] =	ssyncset.done $0x0  }
0x59: {  	[sflag:s3] =	ssyncadd.s32 $0xFFFFE780  }
0x5a: {  	_ =	swait.ge [sflag:s3], $0x1880  }
0x5b: {  	[sflag:s3] =	ssyncset.done $0x0  }
0x5c: {  	[sflag:s3] =	ssyncadd.s32 $0xFFFFE780  }
0x5d: {  	_ =	swait.ge [sflag:s3], $0x1880  }
0x5e: {  	[sflag:s3] =	ssyncset.done $0x0  }
0x5f: {  	[sflag:s3] =	ssyncadd.s32 $0xFFFFE780  }
0x60: {  	_ =	swait.ge [sflag:s3], $0x1880  }
0x61: {  	[sflag:s3] =	ssyncset.done $0x0  }
0x62: {  	s12 =	simm.s32 $0x0;
	[sflag:s3] =	ssyncadd.s32 $0xFFFFE780  }
0x63: {  	v2 =	vld [tilespmem:s12+$0xB7C0]  }
0x64: {  	v4 =	vld [tilespmem:s12+$0x6E40]  }
0x65: {  	v5 =	vld [tilespmem:s12+$0xD040]  }
0x66: {  	v7 =	vld [tilespmem:s12+$0x86C0]  }
0x67: {  	v8 =	vld [tilespmem:s12+$0x10140]  }
0x68: {  	v9 =	vld [tilespmem:s12+$0x119C0]  }
0x69: {  	v10 =	vld [tilespmem:s12+$0xE8C0]  }
0x6a: {  	v11 =	vld [tilespmem:s12+$0x9F40]  }
0x6b: {  	s13 =	simm.s32 $0x10;
	v14 =	vld [tilespmem:s12+$0x13240]  }
0x6c: {  	v1 =	vld [tilespmem:s13+$0xB7C0];
	v3 =	vsub.f32 v2, v4;
	v6 =	vsub.f32 v5, v7  }
0x6d: {  	v2 =	vld [tilespmem:s13+$0x6E40];
	v8 =	vsub.f32 v8, v4;
	v9 =	vsub.f32 v9, v7  }
0x6e: {  	v5 =	vld [tilespmem:s13+$0xD040]  }
0x6f: {  	v4 =	vld [tilespmem:s13+$0x86C0];
	v10 =	vsub.f32 v10, v11;
	v12 =	vmul.f32 v9, v3;
	v13 =	vmul.f32 v8, v6  }
0x70: {  	s14 =	simm.s32 $0x80;
	v7 =	vld [tilespmem:s13+$0x10140];
	v11 =	vsub.f32 v14, v11  }
.LBB2_4:
0x71: {  	p0 =	sne.s32 s14, $0x61C0;
	v14 =	vld [tilespmem:s13+$0x119C0];
	v9 =	vmul.f32 v9, v10;
	v8 =	vmul.f32 v8, v10;
	v10 =	vsub.f32 v12, v13  }
0x72: {  	v12 =	vld [tilespmem:s13+$0xE8C0];
	v6 =	vmul.f32 v11, v6;
	v3 =	vmul.f32 v11, v3  }
0x73: {  	v11 =	vld [tilespmem:s13+$0x9F40];
	[tilespmem:s12+$0x17BC0] =	vst v10  }
0x74: {  	s15 =	sshra.s32 s14, $0x2;
	v15 =	vld [tilespmem:s13+$0x13240];
	v10 =	vsub.f32 v6, v9;
	v13 =	vsub.f32 v8, v3  }
.Ltmp1:
0x75: {  	v3 =	vsub.f32 v1, v2;
	v6 =	vsub.f32 v5, v4;
	v1 =	vld [tilespmem:s15+$0xB7C0];
	(pc) =	sbr.rel @p0 .LBB2_4-.Ltmp1, $4  }
0x76: {  	v8 =	vsub.f32 v7, v2;
	v2 =	vld [tilespmem:s15+$0x6E40];
	v9 =	vsub.f32 v14, v4;
	[tilespmem:s12+$0x14AC0] =	vst v10  }
0x77: {  	v5 =	vld [tilespmem:s15+$0xD040];
	[tilespmem:s12+$0x16340] =	vst v13;
	s12 =	smov.u32 s13;
	s13 =	smov.u32 s15  }
0x78: {  	v13 =	vmul.f32 v8, v6;
	v4 =	vld [tilespmem:s13+$0x86C0];
	v10 =	vsub.f32 v12, v11;
	v12 =	vmul.f32 v9, v3  }
0x79: {  	s14 =	sadd.s32 $0x40, s14;
	v7 =	vld [tilespmem:s13+$0x10140];
	v11 =	vsub.f32 v15, v11  }
0x7a: {  	v14 =	vld [tilespmem:s13+$0x119C0];
	v12 =	vsub.f32 v12, v13  }
0x7b: {  	v57 =	vld [tilespmem:s13+$0xE8C0]  }
0x7c: {  	v15 =	vld [tilespmem:s13+$0x9F40];
	[tilespmem:s12+$0x17BC0] =	vst v12  }
0x7d: {  	v12 =	vld [tilespmem:s13+$0x13240];
	_ =	sdelay $0x1  }
0x7e: {  	v9 =	vmul.f32 v9, v10  }
0x7f: {  	v8 =	vmul.f32 v8, v10;
	v1 =	vsub.f32 v1, v2;
	v5 =	vsub.f32 v5, v4  }
0x80: {  	v6 =	vmul.f32 v11, v6;
	v2 =	vsub.f32 v7, v2;
	v58 =	vsub.f32 v14, v4  }
0x81: {  	v3 =	vmul.f32 v11, v3;
	v59 =	vsub.f32 v57, v15;
	v60 =	vsub.f32 v12, v15  }
0x82: {  	v6 =	vsub.f32 v6, v9;
	v62 =	vmul.f32 v2, v5;
	v61 =	vmul.f32 v58, v1  }
0x83: {  	v3 =	vsub.f32 v8, v3;
	v4 =	vmul.f32 v58, v59;
	v5 =	vmul.f32 v60, v5  }
0x84: {  	[tilespmem:s12+$0x14AC0] =	vst v6;
	v2 =	vmul.f32 v2, v59;
	v63 =	vsub.f32 v61, v62;
	v1 =	vmul.f32 v60, v1  }
0x85: {  	[tilespmem:s12+$0x16340] =	vst v3;
	v3 =	vsub.f32 v5, v4  }
0x86: {  	[tilespmem:s13+$0x17BC0] =	vst v63;
	v1 =	vsub.f32 v2, v1  }
0x87: {  	[tilespmem:s13+$0x14AC0] =	vst v3  }
0x88: {  	[tilespmem:s13+$0x16340] =	vst v1  }
0x89: {  	[spmem:s4] =	stream.indirect.scatter.add.f32 [tilespmem:s29], [sflag:$0x2], $0x1, s24, s28, $0xb8;
	[tilespmem:$0x1B440] =	vst v63  }
0x8a: {  	_ =	swait.ge [sflag:s23], $0x1880  }
0x8b: {  	[sflag:s23] =	ssyncset.done $0x0  }
0x8c: {  	[sflag:s23] =	ssyncadd.s32 $0xFFFFE780  }
0x8d: {  	[spmem:s5] =	stream.indirect.scatter.add.f32 [tilespmem:s30], [sflag:$0x2], $0x1, s24, s28, $0xb8;
	[tilespmem:$0x1B440] =	vst v63  }
0x8e: {  	_ =	swait.ge [sflag:s23], $0x1880  }
0x8f: {  	[sflag:s23] =	ssyncset.done $0x0  }
0x90: {  	[sflag:s23] =	ssyncadd.s32 $0xFFFFE780  }
0x91: {  	[spmem:s6] =	stream.indirect.scatter.add.f32 [tilespmem:s31], [sflag:$0x2], $0x1, s24, s28, $0xb8;
	[tilespmem:$0x1B440] =	vst v63  }
0x92: {  	_ =	swait.ge [sflag:s23], $0x1880  }
0x93: {  	[sflag:s23] =	ssyncset.done $0x0  }
0x94: {  	[sflag:s23] =	ssyncadd.s32 $0xFFFFE780  }
0x95: {  	[spmem:s4] =	stream.indirect.scatter.add.f32 [tilespmem:s29], [sflag:$0x2], $0x1, s25, s28, $0xb8;
	[tilespmem:$0x1B440] =	vst v63  }
0x96: {  	_ =	swait.ge [sflag:s23], $0x1880  }
0x97: {  	[sflag:s23] =	ssyncset.done $0x0  }
0x98: {  	[sflag:s23] =	ssyncadd.s32 $0xFFFFE780  }
0x99: {  	[spmem:s5] =	stream.indirect.scatter.add.f32 [tilespmem:s30], [sflag:$0x2], $0x1, s25, s28, $0xb8;
	[tilespmem:$0x1B440] =	vst v63  }
0x9a: {  	_ =	swait.ge [sflag:s23], $0x1880  }
0x9b: {  	[sflag:s23] =	ssyncset.done $0x0  }
0x9c: {  	[sflag:s23] =	ssyncadd.s32 $0xFFFFE780  }
0x9d: {  	[spmem:s6] =	stream.indirect.scatter.add.f32 [tilespmem:s31], [sflag:$0x2], $0x1, s25, s28, $0xb8;
	[tilespmem:$0x1B440] =	vst v63  }
0x9e: {  	_ =	swait.ge [sflag:s23], $0x1880  }
0x9f: {  	[sflag:s23] =	ssyncset.done $0x0  }
0xa0: {  	[sflag:s23] =	ssyncadd.s32 $0xFFFFE780  }
0xa1: {  	[spmem:s4] =	stream.indirect.scatter.add.f32 [tilespmem:s29], [sflag:$0x2], $0x1, s26, s28, $0xb8;
	[tilespmem:$0x1B440] =	vst v63  }
0xa2: {  	_ =	swait.ge [sflag:s23], $0x1880  }
0xa3: {  	[sflag:s23] =	ssyncset.done $0x0  }
0xa4: {  	[sflag:s23] =	ssyncadd.s32 $0xFFFFE780  }
0xa5: {  	[spmem:s5] =	stream.indirect.scatter.add.f32 [tilespmem:s30], [sflag:$0x2], $0x1, s26, s28, $0xb8;
	[tilespmem:$0x1B440] =	vst v63  }
0xa6: {  	_ =	swait.ge [sflag:s23], $0x1880  }
0xa7: {  	[sflag:s23] =	ssyncset.done $0x0  }
0xa8: {  	[sflag:s23] =	ssyncadd.s32 $0xFFFFE780  }
0xa9: {  	[spmem:s6] =	stream.indirect.scatter.add.f32 [tilespmem:s31], [sflag:$0x2], $0x1, s26, s28, $0xb8;
	[tilespmem:$0x1B440] =	vst v63  }
0xaa: {  	_ =	swait.ge [sflag:s23], $0x1880  }
0xab: {  	[sflag:s23] =	ssyncset.done $0x0  }
0xac: {  	[sflag:s23] =	ssyncadd.s32 $0xFFFFE780  }
0xad: {  	[bflag:$0x0] =	sbarrier.arrive $0xFFFF  }
0xae: {  	s15 =	rddreg [dreg:$0xc]  }
0xaf: {  	[tilespmem:s0], [sflag:$0x2] =	stream.linear.gather [spmem:s15], $0x620, $0x38;
	[tilespmem:$0x1B440] =	vst v63  }
0xb0: {  	_ =	swait.ge [sflag:s23], $0x620  }
0xb1: {  	[sflag:s23] =	ssyncset.done $0x0  }
0xb2: {  	[sflag:s23] =	ssyncadd.s32 $0xFFFFF9E0  }
0xb3: {  	[tilespmem:s9], [sflag:$0x2] =	stream.linear.gather [spmem:s16], $0x620, $0x38;
	[tilespmem:$0x1B440] =	vst v63  }
0xb4: {  	_ =	swait.ge [sflag:s23], $0x620  }
0xb5: {  	[sflag:s23] =	ssyncset.done $0x0  }
0xb6: {  	[sflag:s23] =	ssyncadd.s32 $0xFFFFF9E0  }
0xb7: {  	[tilespmem:s10], [sflag:$0x2] =	stream.linear.gather [spmem:s17], $0x620, $0x38;
	[tilespmem:$0x1B440] =	vst v63  }
0xb8: {  	_ =	swait.ge [sflag:s23], $0x620  }
0xb9: {  	[sflag:s23] =	ssyncset.done $0x0  }
0xba: {  	[sflag:s23] =	ssyncadd.s32 $0xFFFFF9E0  }
0xbb: {  	[hbm4b:s18+s7] =	stream.linear.scatter [tilespmem:s0], [sflag:$0x2], $0x620, $0x38;
	[tilespmem:$0x1B440] =	vst v63  }
0xbc: {  	_ =	swait.ge [sflag:s23], $0x620  }
0xbd: {  	[sflag:s23] =	ssyncset.done $0x0  }
0xbe: {  	[sflag:s23] =	ssyncadd.s32 $0xFFFFF9E0  }
0xbf: {  	[hbm4b:s19+s7] =	stream.linear.scatter [tilespmem:s9], [sflag:$0x2], $0x620, $0x38;
	[tilespmem:$0x1B440] =	vst v63  }
0xc0: {  	s11 =	sadd.s32 $0x1, s11;
	_ =	swait.ge [sflag:s23], $0x620  }
0xc1: {  	p0 =	sne.s32 s11, s21;
	[sflag:s23] =	ssyncset.done $0x0  }
.Ltmp2:
0xc2: {  	[sflag:s23] =	ssyncadd.s32 $0xFFFFF9E0;
	(pc) =	sbr.rel @p0 .LBB2_1-.Ltmp2, $4  }
0xc3: {  	[hbm4b:s20+s7] =	stream.linear.scatter [tilespmem:s10], [sflag:$0x2], $0x620, $0x38;
	[tilespmem:$0x1B440] =	vst v63  }
0xc4: {  	_ =	swait.ge [sflag:s23], $0x620  }
0xc5: {  	[sflag:s23] =	ssyncset.done $0x0  }
0xc6: {  	[sflag:s23] =	ssyncadd.s32 $0xFFFFF9E0  }
0xc7: {  	_ =	sfence.sel $0x180000  }
0xc8: {  	[bflag:$0x0] =	sbarrier.arrive $0xFFFF  }
0xc9: {  	_ =	strace $0x90000047  }
0xca: {  	s0 =	stileid.u32;
	[bflag:$0x2] =	sbarrier.arrive $0xFFFF  }
0xcb: {  	p0 =	sne.s32 s0, $0x0;
	s0 =	rddreg [dreg:$0x5]  }
0xcc: {  	s0 =	sadd.s32 @!p0 $0x100000, s0  }
0xcd: {  	[sflag:s0] =	ssyncadd.tile.s32 @!p0 $0x1;
	_ =	shalt  }
.Lfunc_end2:
_tile_overlayer_lowered:
.L_overlay_start_2:
0xce: {  	(tag) =	ssettag $0x2  }
0xcf: {  	s0 =	rddreg [dreg:$0x0];
	s2 =	stileid.u32  }
0xd0: {  	s1 =	rddreg [dreg:$0x1];
	p0 =	sne.s32 s2, $0x0  }
0xd1: {  	s3 =	rddreg [dreg:$0x2];
	[bflag:$0x3] =	sbarrier.arrive $0xFFFF;
	s2 =	simm.s32 @!p0 $0x1C02  }
0xd2: {  	[timem:s3], [sflag:s2] =	dma.local @!p0 [hbm:s0], s1  }
0xd3: {  	s0 =	simm.s32 @!p0 $0x2  }
0xd4: {  	_ =	swait.ge @!p0 [sflag:s0], s1  }
0xd5: {  	s1 =	ssub.s32 @!p0 $0x0, s1;
	[sflag:s0] =	ssyncset.done @!p0 $0x0  }
0xd6: {  	[sflag:s0] =	ssyncadd.s32 @!p0 s1  }
0xd7: {  	[bflag:$0x3] =	sbarrier.arrive $0xFFFF  }
0xd8: {  	_ =	shalt  }

// kernel: kernel.8.cloned.1.call-start
scs
__scs_entry_jumppad:
0x0: {  	(pc) =	sbr.rel $0x88, $3  }
0x1: {  	(tag) =	ssettag $0x0;
	lr =	simm.s32 $0x1  }
0x2: {  	[smem:$0x3F9E] =	sst lr;
	_ =	strace $0xD0000000  }
0x3: {  	_ = 	snop  }
0x4: {  	_ = 	snop  }
0x5: {  	_ = 	snop  }
0x6: {  	_ = 	snop  }
0x7: {  	_ = 	snop  }
__scs_overlays_trampoline_lowered:
0x8: {  	[smem:$0x3FAD] =	sst s0  }
0x9: {  	[smem:$0x3FAE] =	sst s1  }
0xa: {  	[smem:$0x3FAF] =	sst s2  }
0xb: {  	[smem:$0x3FB0] =	sst s3  }
0xc: {  	[smem:$0x3FB1] =	sst s4  }
0xd: {  	[smem:$0x3FB2] =	sst s5  }
0xe: {  	[smem:$0x3FB3] =	sst s6  }
0xf: {  	[smem:$0x3FB4] =	sst s7  }
0x10: {  	[smem:$0x3FB5] =	sst s8  }
0x11: {  	[smem:$0x3FB6] =	sst s9;
	s0 =	simm.s32 @!p0 $0x0  }
0x12: {  	s1 =	sld [smem:$0x3F9C];
	s0 =	simm.s32 @p0 $0x1  }
0x13: {  	[smem:$0x3FB7] =	sst s0;
	s0 =	simm.s32 @!p1 $0x0  }
0x14: {  	s2 =	sld [smem:$0x3F9B];
	s0 =	simm.s32 @p1 $0x1  }
0x15: {  	[smem:$0x3FB8] =	sst s0;
	s0 =	simm.s32 @!p2 $0x0  }
0x16: {  	s3 =	sld [smem:$0x3FDB];
	s0 =	simm.s32 @p2 $0x1  }
0x17: {  	s4 =	simm.s32 $0x1BF5;
	[smem:$0x3FBA] =	sst s0  }
0x18: {  	s0 =	sld [smem:$0x3F9D];
	_ =	swait.ge [sflag:s4], $0x0  }
0x19: {  	s7 =	sld [smem:$0x3F9E]  }
0x1a: {  	s8 =	sadd.s32 $0xFFFFE003, lr  }
0x1b: {  	s9 =	sadd.s32 $0xFFFFFEF7, lr;
	s5 =	simm.s32 $0xFFFFFFFF;
	p2 =	slt.u32 s8, $0xFFFFF086  }
0x1c: {  	p1 =	slt.u32 s9, $0xF7A;
	s5 =	simm.s32 @!p2 $0x0  }
0x1d: {  	s5 =	simm.s32 @p1 $0x1;
	p0 =	seq.s32 s7, s2  }
0x1e: {  	s7 =	smul.u32 @!p0 $0xF7A, s2;
	p2 =	seq.s32 @!p0 s5, $0x0  }
0x1f: {  	s9 =	smul.u32 $0xF7A, s1;
	s8 =	simm.s32 @!p0 $0x1BF5;
	p2 =	por !p2, p0  }
0x20: {  	[sflag:s8] =	ssyncset.s32 @!p0 $0xFFFFF086;
	s6 =	sadd.s32 @!p0 s3, s7;
	s7 =	simm.s32 @!p0 $0x108  }
0x21: {  	s3 =	sadd.s32 s3, s9;
	s6 =	sadd.s32 @!p0 $0x88, s6;
	s7 =	simm.s32 @p2 $0x1082  }
0x22: {  	[simem:s7], [sflag:s8] =	dma.local @!p0 [hbm:s6], $0xF7A  }
0x23: {  	s9 =	sor.u32 $0xD0000000, s2;
	s6 =	simm.s32 $0x108;
	_ =	swait.ge @!p0 [sflag:s8], $0x0  }
0x24: {  	s3 =	sadd.s32 $0x88, s3;
	s6 =	simm.s32 @!p1 $0x1082;
	[sflag:s4] =	ssyncset.s32 $0xFFFFF086  }
0x25: {  	[simem:s6], [sflag:s4] =	dma.local [hbm:s3], $0xF7A  }
0x26: {  	[smem:$0x3F9E] =	sst s1;
	(tag) =	ssettag s2;
	_ =	strace s9  }
0x27: {  	s1 =	sld [smem:$0x3FAE]  }
0x28: {  	s2 =	sld [smem:$0x3FAF]  }
0x29: {  	s4 =	sld [smem:$0x3FB1]  }
0x2a: {  	p0 =	seq.s32 s5, $0x0;
	s5 =	sld [smem:$0x3FB2]  }
0x2b: {  	s6 =	sld [smem:$0x3FB3]  }
0x2c: {  	s7 =	sld [smem:$0x3FB4]  }
0x2d: {  	s3 =	simm.s32 $0x108;
	s8 =	sld [smem:$0x3FB5]  }
0x2e: {  	s3 =	simm.s32 @!p0 $0x1082;
	s9 =	sld [smem:$0x3FB6]  }
0x2f: {  	lr =	sadd.s32 s0, s3;
	s0 =	sld [smem:$0x3FAD]  }
0x30: {  	s3 =	sld [smem:$0x3FB0]  }
0x31: {  	[smem:$0x3FB9] =	sst s10  }
0x32: {  	s10 =	sld [smem:$0x3FB7];
	_ =	sdelay $0x3  }
0x33: {  	p0 =	seq.s32 s10, $0x1;
	s10 =	sld [smem:$0x3FB9];
	_ =	sdelay $0x3  }
0x34: {  	[smem:$0x3FB9] =	sst s10  }
0x35: {  	s10 =	sld [smem:$0x3FB8];
	_ =	sdelay $0x3  }
0x36: {  	p1 =	seq.s32 s10, $0x1;
	s10 =	sld [smem:$0x3FB9];
	_ =	sdelay $0x3  }
0x37: {  	[smem:$0x3FB9] =	sst s10  }
0x38: {  	s10 =	sld [smem:$0x3FBA]  }
0x39: {  	_ = 	snop;
	(pc) =	sbr.ind lr, $3  }
0x3a: {  	_ = 	snop  }
0x3b: {  	_ = 	snop  }
0x3c: {  	p2 =	seq.s32 s10, $0x1;
	s10 =	sld [smem:$0x3FB9]  }
0x3d: {  	_ =	shalt  }
0x3e: {  	_ =	shalt  }
0x3f: {  	_ =	shalt  }
0x40: {  	_ =	shalt  }
0x41: {  	_ =	shalt  }
0x42: {  	_ =	shalt  }
0x43: {  	_ =	shalt  }
0x44: {  	_ =	shalt  }
0x45: {  	_ =	shalt  }
0x46: {  	_ =	shalt  }
0x47: {  	_ =	shalt  }
0x48: {  	_ =	shalt  }
0x49: {  	_ =	shalt  }
0x4a: {  	_ =	shalt  }
0x4b: {  	_ =	shalt  }
0x4c: {  	_ =	shalt  }
0x4d: {  	_ =	shalt  }
0x4e: {  	_ =	shalt  }
0x4f: {  	_ =	shalt  }
0x50: {  	_ =	shalt  }
0x51: {  	_ =	shalt  }
0x52: {  	_ =	shalt  }
0x53: {  	_ =	shalt  }
0x54: {  	_ =	shalt  }
0x55: {  	_ =	shalt  }
0x56: {  	_ =	shalt  }
0x57: {  	_ =	shalt  }
0x58: {  	_ =	shalt  }
0x59: {  	_ =	shalt  }
0x5a: {  	_ =	shalt  }
0x5b: {  	_ =	shalt  }
0x5c: {  	_ =	shalt  }
0x5d: {  	_ =	shalt  }
0x5e: {  	_ =	shalt  }
0x5f: {  	_ =	shalt  }
0x60: {  	_ =	shalt  }
0x61: {  	_ =	shalt  }
0x62: {  	_ =	shalt  }
0x63: {  	_ =	shalt  }
0x64: {  	_ =	shalt  }
0x65: {  	_ =	shalt  }
0x66: {  	_ =	shalt  }
0x67: {  	_ =	shalt  }
0x68: {  	_ =	shalt  }
0x69: {  	_ =	shalt  }
0x6a: {  	_ =	shalt  }
0x6b: {  	_ =	shalt  }
0x6c: {  	_ =	shalt  }
0x6d: {  	_ =	shalt  }
0x6e: {  	_ =	shalt  }
0x6f: {  	_ =	shalt  }
0x70: {  	_ =	shalt  }
0x71: {  	_ =	shalt  }
0x72: {  	_ =	shalt  }
0x73: {  	_ =	shalt  }
0x74: {  	_ =	shalt  }
0x75: {  	_ =	shalt  }
0x76: {  	_ =	shalt  }
0x77: {  	_ =	shalt  }
0x78: {  	_ =	shalt  }
0x79: {  	_ =	shalt  }
0x7a: {  	_ =	shalt  }
0x7b: {  	_ =	shalt  }
0x7c: {  	_ =	shalt  }
0x7d: {  	_ =	shalt  }
0x7e: {  	_ =	shalt  }
0x7f: {  	_ =	shalt  }
0x80: {  	_ =	shalt  }
0x81: {  	_ =	shalt  }
0x82: {  	_ =	shalt  }
0x83: {  	_ =	shalt  }
0x84: {  	_ =	shalt  }
0x85: {  	_ =	shalt  }
0x86: {  	_ =	shalt  }
0x87: {  	_ =	shalt  }
.Lfunc_end0:
.L_simem_size_0:
called_computation.1_lowered:
.L_overlay_start_0:
0x88: {  	s2 =	sld [smem:$0x3FD9]  }
0x89: {  	s3 =	sld [smem:$0x3FFE];
	_ =	sdelay $0x1  }
0x8a: {  	s1 =	srdreg.scid  }
0x8b: {  	s0 =	sand.u32 $0x1, s1  }
0x8c: {  	s17 =	sshll.u32 s0, $0xA;
	s2 =	sadd.s32 s3, s2  }
0x8d: {  	s2 =	sadd.s32 s2, s17  }
0x8e: {  	[smem:$0x3FC5] =	sst s2  }
0x8f: {  	_ = 	snop  }
0x90: {  	s2 =	sld [smem:$0x3FC7]  }
0x91: {  	s18 =	sld [smem:$0x3FD0];
	(tm) =	ssettm $0x1  }
0x92: {  	s4 =	sld [smem:$0x3FFB];
	_ =	sdelay $0x3  }
0x93: {  	_ =	strace s4  }
0x94: {  	s4 =	sld [smem:$0x3FFC];
	_ =	sdelay $0x3  }
0x95: {  	_ =	strace s4  }
0x96: {  	s4 =	sld [smem:$0x3FFD];
	_ =	sdelay $0x3  }
0x97: {  	_ =	strace s4  }
0x98: {  	_ =	strace $0x8FFFFFFF  }
0x99: {  	s19 =	sld [smem:$0x3FDB];
	_ =	sdelay $0x1  }
0x9a: {  	s5 =	simm.s32 $_scs_section_size  }
0x9b: {  	s6 =	simm.s32 $_size__tile_overlayer_lowered;
	s7 =	simm.s32 $_tile_overlayer_lowered  }
0x9c: {  	s22 =	simm.s32 $0x1BFF;
	s21 =	sshll.u32 s7, $0x1;
	s4 =	sadd.s32 s5, s19  }
0x9d: {  	s8 =	simm.s32 $0x0;
	s20 =	sshll.u32 s6, $0x1;
	s6 =	sadd.s32 s21, s4  }
0x9e: {  	[timem:s8], [sflag:s22] =	dma.local [hbm:s6], s20  }
0x9f: {  	_ =	swait.ge [sflag:s22], s20  }
0xa0: {  	s5 =	ssub.s32 $0x0, s20;
	[sflag:s22] =	ssyncset.done $0x0  }
0xa1: {  	[sflag:s22] =	ssyncadd.s32 s5;
	_ =	sdelay $0x1  }
0xa2: {  	s23 =	simm.s32 $0x1B8B  }
0xa3: {  	_ =	swait.ge [sflag:s23], $0x1  }
0xa4: {  	[sflag:s23] =	ssyncset.done $0x0  }
0xa5: {  	s25 =	simm.s32 $0x1B8E;
	s24 =	sld [smem:$0x3FFE];
	[sflag:s23] =	ssyncadd.s32 $0xFFFFFFFF  }
0xa6: {  	s26 =	simm.s32 $execute0_lowered;
	[smem:$0x3FD2] =	sst s25  }
0xa7: {  	s6 =	sshll.u32 s26, $0x1;
	_ =	strace $0x80000049;
	[dreg:$0x1] =	wrdreg $0xFFFFFFFF  }
0xa8: {  	s28 =	simm.s32 $_size_execute0_lowered;
	s4 =	sadd.s32 s4, s6;
	[dreg:$0x0] =	wrdreg $0x0  }
0xa9: {  	s6 =	sshll.u32 s28, $0x1;
	[dreg:$0x2] =	wrdreg s4  }
0xaa: {  	[dreg:$0x3] =	wrdreg s6  }
0xab: {  	[dreg:$0x4] =	wrdreg $0xC0  }
0xac: {  	_ =	task [dreg:s8], $0x5FFFF  }
0xad: {  	[dreg:$0x1] =	wrdreg $0xFFFFFFFF  }
0xae: {  	[dreg:$0x0] =	wrdreg $0x60  }
0xaf: {  	[dreg:$0x2] =	wrdreg s24  }
0xb0: {  	[dreg:$0x3] =	wrdreg s2  }
0xb1: {  	[dreg:$0x4] =	wrdreg s18  }
0xb2: {  	[dreg:$0x5] =	wrdreg $0xBB800  }
0xb3: {  	[dreg:$0x6] =	wrdreg $0xD4000  }
0xb4: {  	[dreg:$0x7] =	wrdreg $0xEC800  }
0xb5: {  	[dreg:$0x8] =	wrdreg $0x105000  }
0xb6: {  	[dreg:$0x9] =	wrdreg $0x9  }
0xb7: {  	_ =	task.clear_ibuf [dreg:s8], $0xAFFFF;
	_ =	strace $0x90000049  }
0xb8: {  	s29 =	simm.s32 $0x9;
	_ =	strace $0x8000004B  }
0xb9: {  	_ =	swait.ge [sflag:s29], $0x1  }
0xba: {  	[sflag:s29] =	ssyncadd.s32 $0xFFFFFFFF  }
0xbb: {  	_ =	strace $0x9000004B  }
0xbc: {  	_ =	sfence  }
0xbd: {  	s30 =	sld [smem:$0x0];
	_ =	sdelay $0x2  }
0xbe: {  	s31 =	sshll.u32 s1, $0xD;
	s1 =	sshrl.u32 s1, $0x2  }
0xbf: {  	s3 =	sand.u32 $0x4000, s31;
	s1 =	sadd.s32 s1, s30  }
0xc0: {  	s0 =	sor.u32 s3, s0;
	s1 =	sshll.u32 s1, $0x11  }
0xc1: {  	s0 =	sor.u32 s1, s0  }
0xc2: {  	s0 =	sadd.s32 $0x8F2B, s0  }
0xc3: {  	[sflag:s0] =	ssyncadd.remote.s32 $0x1  }
0xc4: {  	_ =	sfence.sel $0xFFFF  }
0xc5: {  	[dreg:$0x0] =	wrdreg $0xFFFFFFFF;
	(pc) =	sbr.abs _section_cstart, $3  }
0xc6: {  	[dreg:$0x1] =	wrdreg $0xFFFFFFFF  }
0xc7: {  	_ =	task.clear_ibuf [dreg:s8], $0x2FFFF;
	_ =	strace $0x9FFFFFFF  }
0xc8: {  	(tm) =	ssettm $0x7FFFFFFF  }
0xc9: {  	_ =	shalt  }
tec
execute0_lowered:
.L_overlay_start_1:
0x0: {  	(tag) =	ssettag $0x1  }
0x1: {  	s1 =	rddreg [dreg:$0x0]  }
0x2: {  	s0 =	srdreg.scid;
	s3 =	rddreg [dreg:$0x1]  }
0x3: {  	s15 =	stileid.u32;
	s28 =	rddreg [dreg:$0x6];
	s31 =	simm.s32 $0x2580  }
0x4: {  	s30 =	simm.s32 $0x1;
	s4 =	sand.u32 $0x1, s0;
	s5 =	sadd.s32 $0x9800, s1  }
0x5: {  	s2 =	smul.u32 $0x1880, s15;
	s6 =	sadd.s32 $0x6600, s1;
	s19 =	sshll.u32 s15, $0x1  }
0x6: {  	s7 =	sadd.s32 $0x3400, s1;
	s0 =	ssub.s32 $0x2, s4;
	s4 =	sor.u32 s4, s19  }
0x7: {  	s8 =	sshrl.u32 s0, $0x1;
	s9 =	sshrl.u32 s2, $0x3;
	s23 =	sshll.u32 s4, $0x3  }
0x8: {  	s25 =	sshll.u32 s4, $0xC;
	s29 =	smul.u32 $0x3000, s4;
	s4 =	sshllo.u32 s4, $0x3  }
0x9: {  	s0 =	ssub.s32 s0, s8;
	s20 =	sadd.s32 s5, s9;
	s8 =	sadd.s32 $0xC40, s2  }
0xa: {  	s10 =	sadd.s32 s6, s9;
	s9 =	sadd.s32 s7, s9;
	[dreg:$0x8] =	wrdreg s20  }
0xb: {  	s26 =	sor.u32 $0x1, s23;
	[dreg:$0x9] =	wrdreg s10;
	s21 =	sshrl.u32 s8, $0x3  }
0xc: {  	[dreg:$0xa] =	wrdreg s9;
	s16 =	sshll.u32 s26, $0x9;
	s5 =	sadd.s32 s5, s21  }
0xd: {  	s24 =	sadd.s32 s7, s21;
	s7 =	smul.u32 $0x600, s26;
	s26 =	rddreg [dreg:$0x2]  }
0xe: {  	s17 =	sor.u32 $0x2, s23;
	s22 =	sadd.s32 s6, s21;
	[dreg:$0xb] =	wrdreg s5  }
0xf: {  	s11 =	sor.u32 $0x3, s23;
	s12 =	sor.u32 $0x4, s23;
	[dreg:$0xc] =	wrdreg s22  }
0x10: {  	s14 =	sshll.u32 s4, $0x9;
	s6 =	sadd.s32 s3, s25;
	[dreg:$0xd] =	wrdreg s24  }
0x11: {  	s18 =	sshll.u32 s17, $0x9;
	s9 =	sadd.s32 s3, s16;
	[dreg:$0xe] =	wrdreg s6  }
0x12: {  	s13 =	sshll.u32 s12, $0x9;
	s10 =	sadd.s32 s3, s18;
	[dreg:$0xf] =	wrdreg s9  }
0x13: {  	s4 =	smul.u32 $0x600, s4;
	s20 =	sadd.s32 s3, s13;
	[dreg:$0x10] =	wrdreg s10  }
0x14: {  	s19 =	sshll.u32 s11, $0x9;
	s16 =	simm.s32 $0x0;
	[dreg:$0x12] =	wrdreg s20  }
0x15: {  	s21 =	sor.u32 $0x5, s23;
	s10 =	sadd.s32 s3, s19;
	[smem:$0x7FF] =	sst s16  }
0x16: {  	s6 =	sadd.s32 s26, s29;
	s29 =	smul.u32 $0x600, s12;
	s19 =	rddreg [dreg:$0x3]  }
0x17: {  	s22 =	sshll.u32 s21, $0x9;
	s12 =	smul.u32 $0x600, s21;
	s21 =	rddreg [dreg:$0x4]  }
0x18: {  	s0 =	smax.u32 s0, $0x1;
	s25 =	smul.u32 $0x600, s11;
	[dreg:$0x11] =	wrdreg s10  }
0x19: {  	s11 =	simm.s32 $0xC80;
	s20 =	sadd.s32 s26, s4;
	[dreg:$0x16] =	wrdreg s6  }
0x1a: {  	s5 =	sor.u32 $0x6, s23;
	s13 =	sadd.s32 s3, s22;
	[dreg:$0x1d] =	wrdreg s20  }
0x1b: {  	s23 =	sshll.u32 s5, $0x9;
	s7 =	sadd.s32 s26, s7;
	[dreg:$0x13] =	wrdreg s13  }
0x1c: {  	s24 =	smul.u32 $0x600, s17;
	s13 =	sadd.s32 s3, s23;
	[dreg:$0x17] =	wrdreg s7  }
0x1d: {  	s4 =	simm.s32 $0x1000;
	s3 =	sadd.s32 s3, s14;
	[dreg:$0x14] =	wrdreg s13  }
0x1e: {  	s22 =	sadd.s32 s2, s19;
	s14 =	sadd.s32 s26, s25;
	[dreg:$0x15] =	wrdreg s3  }
0x1f: {  	s10 =	simm.s32 $0x2;
	s6 =	simm.s32 $0x17500;
	[dreg:$0x19] =	wrdreg s14  }
0x20: {  	s17 =	sadd.s32 s26, s29;
	s3 =	sadd.s32 s26, s24;
	s24 =	rddreg [dreg:$0x5]  }
0x21: {  	s18 =	sadd.s32 s26, s12;
	s13 =	smul.u32 $0x600, s5;
	[dreg:$0x1a] =	wrdreg s17  }
0x22: {  	s20 =	simm.s32 $0x1A500;
	s23 =	sadd.s32 s2, s21;
	[dreg:$0x1b] =	wrdreg s18  }
0x23: {  	s25 =	sadd.s32 s8, s19;
	[dreg:$0x18] =	wrdreg s3;
	s3 =	sadd.s32 s26, s13  }
0x24: {  	s7 =	sadd.s32 $0x1A00, s1;
	s12 =	simm.s32 $0x1900;
	[dreg:$0x1c] =	wrdreg s3  }
0x25: {  	s14 =	simm.s32 $0x14500;
	_ =	strace $0x8000004A;
	[dreg:$0x1e] =	wrdreg s22  }
0x26: {  	s5 =	simm.s32 $0x15500;
	s2 =	sadd.s32 s2, s24;
	[dreg:$0x1f] =	wrdreg s23  }
0x27: {  	s17 =	simm.s32 $0x18500;
	s18 =	simm.s32 $0x19500;
	[smem:$0x7F9] =	sst s2  }
0x28: {  	s29 =	sadd.s32 s8, s24;
	s26 =	sadd.s32 s8, s21;
	[smem:$0x7FA] =	sst s25  }
0x29: {  	v0 =	vlaneseq.u32;
	s8 =	sadd.s32 $0xCA00, s1;
	s13 =	simm.s32 $0xC40;
	[smem:$0x7FB] =	sst s26  }
0x2a: {  	v0 =	vmul.u32 $0x3, v0;
	s3 =	smul.u32 $0x3000, s15;
	s15 =	simm.s32 $0x16500;
	[smem:$0x7FC] =	sst s29  }
0x2b: {  	[smem:$0x7FD] =	sst s0;
	s23 =	simm.s32 $0xA280;
	s0 =	simm.s32 $0xAF00  }
0x2c: {  	v1 =	vadd.s32 $0x1, v0;
	v2 =	vadd.s32 $0x2, v0;
	s2 =	simm.s32 $0x13500;
	s22 =	simm.s32 $0x0;
	s9 =	sadd.s32 s3, s28  }
.LBB2_1:
0x2d: {  	s25 =	rddreg [dreg:$0x8]  }
0x2e: {  	[tilespmem:s16], [sflag:$0x2] =	stream.linear.gather [hbm4b:s25+s16], $0xC40, $0x38;
	[tilespmem:$0x1D500] =	vst v63  }
0x2f: {  	_ =	swait.ge [sflag:s10], $0xC40  }
0x30: {  	[sflag:s10] =	ssyncset.done $0x0  }
0x31: {  	s26 =	rddreg [dreg:$0x9];
	[sflag:s10] =	ssyncadd.s32 $0xFFFFF3C0  }
0x32: {  	[tilespmem:s11], [sflag:$0x2] =	stream.linear.gather [hbm4b:s26+s16], $0xC40, $0x38;
	[tilespmem:$0x1D500] =	vst v63  }
0x33: {  	_ =	swait.ge [sflag:s10], $0xC40  }
0x34: {  	[sflag:s10] =	ssyncset.done $0x0  }
0x35: {  	s26 =	rddreg [dreg:$0xa];
	[sflag:s10] =	ssyncadd.s32 $0xFFFFF3C0  }
0x36: {  	[tilespmem:s12], [sflag:$0x2] =	stream.linear.gather [hbm4b:s26+s16], $0xC40, $0x38;
	[tilespmem:$0x1D500] =	vst v63  }
0x37: {  	_ =	swait.ge [sflag:s10], $0xC40  }
0x38: {  	[sflag:s10] =	ssyncset.done $0x0  }
0x39: {  	[sflag:s10] =	ssyncadd.s32 $0xFFFFF3C0  }
0x3a: {  	[tilespmem:s31], [sflag:$0x1] =	stream.indirect.gather [hbm4b:s1+s13], $0x1, s16, s13, $0xb8;
	[tilespmem:$0x1D500] =	vst v63  }
0x3b: {  	s26 =	simm.s32 $0x3200  }
0x3c: {  	[tilespmem:s26], [sflag:$0x1] =	stream.indirect.gather [hbm4b:s7+s13], $0x1, s16, s13, $0xb8;
	[tilespmem:$0x1D500] =	vst v63  }
0x3d: {  	s26 =	simm.s32 $0x3E80  }
0x3e: {  	[tilespmem:s26], [sflag:$0x1] =	stream.indirect.gather [hbm4b:s8+s13], $0x1, s16, s13, $0xb8;
	[tilespmem:$0x1D500] =	vst v63  }
0x3f: {  	s26 =	simm.s32 $0x4B00  }
0x40: {  	[tilespmem:s26], [sflag:$0x1] =	stream.indirect.gather [hbm4b:s1+s13], $0x1, s11, s13, $0xb8;
	[tilespmem:$0x1D500] =	vst v63  }
0x41: {  	s26 =	simm.s32 $0x5780  }
0x42: {  	[tilespmem:s26], [sflag:$0x1] =	stream.indirect.gather [hbm4b:s7+s13], $0x1, s11, s13, $0xb8;
	[tilespmem:$0x1D500] =	vst v63  }
0x43: {  	s26 =	simm.s32 $0x6400  }
0x44: {  	[tilespmem:s26], [sflag:$0x1] =	stream.indirect.gather [hbm4b:s8+s13], $0x1, s11, s13, $0xb8;
	[tilespmem:$0x1D500] =	vst v63  }
0x45: {  	s26 =	simm.s32 $0x7080  }
0x46: {  	[tilespmem:s26], [sflag:$0x1] =	stream.indirect.gather [hbm4b:s1+s13], $0x1, s12, s13, $0xb8;
	[tilespmem:$0x1D500] =	vst v63  }
0x47: {  	s26 =	simm.s32 $0x7D00  }
0x48: {  	[tilespmem:s26], [sflag:$0x1] =	stream.indirect.gather [hbm4b:s7+s13], $0x1, s12, s13, $0xb8;
	[tilespmem:$0x1D500] =	vst v63  }
0x49: {  	s26 =	simm.s32 $0x8980  }
0x4a: {  	[tilespmem:s26], [sflag:$0x1] =	stream.indirect.gather [hbm4b:s8+s13], $0x1, s12, s13, $0xb8;
	[tilespmem:$0x1D500] =	vst v63  }
0x4b: {  	_ =	swait.ge [sflag:s30], $0xC40  }
0x4c: {  	[sflag:s30] =	ssyncset.done $0x0  }
0x4d: {  	[sflag:s30] =	ssyncadd.s32 $0xFFFFF3C0  }
0x4e: {  	_ =	swait.ge [sflag:s30], $0xC40  }
0x4f: {  	[sflag:s30] =	ssyncset.done $0x0  }
0x50: {  	[sflag:s30] =	ssyncadd.s32 $0xFFFFF3C0  }
0x51: {  	_ =	swait.ge [sflag:s30], $0xC40  }
0x52: {  	[sflag:s30] =	ssyncset.done $0x0  }
0x53: {  	[sflag:s30] =	ssyncadd.s32 $0xFFFFF3C0  }
0x54: {  	_ =	swait.ge [sflag:s30], $0xC40  }
0x55: {  	[sflag:s30] =	ssyncset.done $0x0  }
0x56: {  	[sflag:s30] =	ssyncadd.s32 $0xFFFFF3C0  }
0x57: {  	_ =	swait.ge [sflag:s30], $0xC40  }
0x58: {  	[sflag:s30] =	ssyncset.done $0x0  }
0x59: {  	[sflag:s30] =	ssyncadd.s32 $0xFFFFF3C0  }
0x5a: {  	_ =	swait.ge [sflag:s30], $0xC40  }
0x5b: {  	[sflag:s30] =	ssyncset.done $0x0  }
0x5c: {  	[sflag:s30] =	ssyncadd.s32 $0xFFFFF3C0  }
0x5d: {  	_ =	swait.ge [sflag:s30], $0xC40  }
0x5e: {  	[sflag:s30] =	ssyncset.done $0x0  }
0x5f: {  	[sflag:s30] =	ssyncadd.s32 $0xFFFFF3C0  }
0x60: {  	_ =	swait.ge [sflag:s30], $0xC40  }
0x61: {  	[sflag:s30] =	ssyncset.done $0x0  }
0x62: {  	[sflag:s30] =	ssyncadd.s32 $0xFFFFF3C0  }
0x63: {  	_ =	swait.ge [sflag:s30], $0xC40  }
0x64: {  	[sflag:s30] =	ssyncset.done $0x0  }
0x65: {  	s25 =	simm.s32 $0x0;
	[sflag:s30] =	ssyncadd.s32 $0xFFFFF3C0  }
0x66: {  	v3 =	vld [tilespmem:s25+$0x3E80]  }
0x67: {  	v6 =	vld [tilespmem:s25+$0x6400]  }
0x68: {  	v8 =	vld [tilespmem:s25+$0x2580]  }
0x69: {  	v9 =	vld [tilespmem:s25+$0x8980]  }
0x6a: {  	v10 =	vld [tilespmem:s25+$0x4B00]  }
0x6b: {  	v4 =	vld [tilespmem:s25+$0x3200]  }
0x6c: {  	v5 =	vld [tilespmem:s25+$0x5780];
	v3 =	vadd.f32 v6, v3  }
0x6d: {  	v7 =	vld [tilespmem:s25+$0x7080]  }
0x6e: {  	s26 =	simm.s32 $0x10;
	v6 =	vld [tilespmem:s25+$0x7D00];
	v9 =	vadd.f32 v9, v3  }
0x6f: {  	s29 =	simm.s32 $0x80;
	v8 =	vadd.f32 v10, v8;
	v3 =	vld [tilespmem:s26+$0x3E80]  }
.LBB2_2:
0x70: {  	p0 =	sne.s32 s29, $0x30C0;
	v10 =	vld [tilespmem:s26+$0x6400];
	[tilespmem:s25+$0xAF00] =	vst v9  }
0x71: {  	v11 =	vld [tilespmem:s26+$0x2580];
	v4 =	vadd.f32 v5, v4  }
0x72: {  	v9 =	vld [tilespmem:s26+$0x8980];
	v5 =	vadd.f32 v7, v8  }
0x73: {  	v8 =	vld [tilespmem:s26+$0x4B00];
	v6 =	vadd.f32 v6, v4  }
.Ltmp0:
0x74: {  	v4 =	vld [tilespmem:s26+$0x3200];
	[tilespmem:s25+$0x9600] =	vst v5;
	(pc) =	sbr.rel @p0 .LBB2_2-.Ltmp0, $4  }
0x75: {  	v5 =	vld [tilespmem:s26+$0x5780];
	v3 =	vadd.f32 v10, v3;
	[tilespmem:s25+$0xA280] =	vst v6;
	s25 =	smov.u32 s26  }
0x76: {  	v7 =	vld [tilespmem:s25+$0x7080]  }
0x77: {  	s26 =	sshra.s32 s29, $0x2;
	v6 =	vld [tilespmem:s25+$0x7D00];
	v9 =	vadd.f32 v9, v3  }
0x78: {  	s29 =	sadd.s32 $0x40, s29;
	v3 =	vld [tilespmem:s26+$0x3E80];
	v8 =	vadd.f32 v8, v11  }
0x79: {  	v10 =	vld [tilespmem:s26+$0x6400];
	[tilespmem:s25+$0xAF00] =	vst v9  }
0x7a: {  	v9 =	vld [tilespmem:s26+$0x2580];
	v4 =	vadd.f32 v5, v4  }
0x7b: {  	v11 =	vld [tilespmem:s26+$0x8980];
	v5 =	vadd.f32 v7, v8  }
0x7c: {  	v7 =	vld [tilespmem:s26+$0x4B00];
	v4 =	vadd.f32 v6, v4  }
0x7d: {  	v8 =	vld [tilespmem:s26+$0x3200];
	[tilespmem:s25+$0x9600] =	vst v5  }
0x7e: {  	v5 =	vld [tilespmem:s26+$0x5780];
	[tilespmem:s25+$0xA280] =	vst v4  }
0x7f: {  	v4 =	vld [tilespmem:s26+$0x7080]  }
0x80: {  	v6 =	vld [tilespmem:s26+$0x7D00]  }
0x81: {  	v3 =	vadd.f32 v10, v3  }
0x82: {  	v7 =	vadd.f32 v7, v9  }
0x83: {  	v3 =	vadd.f32 v11, v3;
	v5 =	vadd.f32 v5, v8  }
0x84: {  	v4 =	vadd.f32 v4, v7  }
0x85: {  	[tilespmem:s26+$0xAF00] =	vst v3;
	v3 =	vadd.f32 v6, v5  }
0x86: {  	[tilespmem:s26+$0x9600] =	vst v4  }
0x87: {  	s25 =	rddreg [dreg:$0x1e];
	[tilespmem:s26+$0xA280] =	vst v3;
	s26 =	simm.s32 $0x9600  }
0x88: {  	[spmem:s25] =	stream.linear.scatter [tilespmem:s26], [sflag:$0x2], $0xC40, $0x38;
	[tilespmem:$0x1D500] =	vst v63  }
0x89: {  	_ =	swait.ge [sflag:s10], $0xC40  }
0x8a: {  	[sflag:s10] =	ssyncset.done $0x0  }
0x8b: {  	s26 =	rddreg [dreg:$0x1f];
	[sflag:s10] =	ssyncadd.s32 $0xFFFFF3C0  }
0x8c: {  	[spmem:s26] =	stream.linear.scatter [tilespmem:s23], [sflag:$0x2], $0xC40, $0x38;
	[tilespmem:$0x1D500] =	vst v63  }
0x8d: {  	_ =	swait.ge [sflag:s10], $0xC40  }
0x8e: {  	s26 =	sld [smem:$0x7F9]  }
0x8f: {  	[sflag:s10] =	ssyncset.done $0x0  }
0x90: {  	[sflag:s10] =	ssyncadd.s32 $0xFFFFF3C0  }
0x91: {  	[spmem:s26] =	stream.linear.scatter [tilespmem:s0], [sflag:$0x2], $0xC40, $0x38;
	[tilespmem:$0x1D500] =	vst v63  }
0x92: {  	_ =	swait.ge [sflag:s10], $0xC40  }
0x93: {  	[sflag:s10] =	ssyncset.done $0x0  }
0x94: {  	s25 =	simm.s32 $0x0;
	s26 =	rddreg [dreg:$0xb];
	[sflag:s10] =	ssyncadd.s32 $0xFFFFF3C0  }
0x95: {  	[tilespmem:s25], [sflag:$0x2] =	stream.linear.gather [hbm4b:s26+s25], $0xC40, $0x38;
	[tilespmem:$0x1D500] =	vst v63  }
0x96: {  	_ =	swait.ge [sflag:s10], $0xC40  }
0x97: {  	[sflag:s10] =	ssyncset.done $0x0  }
0x98: {  	s26 =	rddreg [dreg:$0xc];
	[sflag:s10] =	ssyncadd.s32 $0xFFFFF3C0  }
0x99: {  	[tilespmem:s11], [sflag:$0x2] =	stream.linear.gather [hbm4b:s26+s25], $0xC40, $0x38;
	[tilespmem:$0x1D500] =	vst v63  }
0x9a: {  	_ =	swait.ge [sflag:s10], $0xC40  }
0x9b: {  	[sflag:s10] =	ssyncset.done $0x0  }
0x9c: {  	s26 =	rddreg [dreg:$0xd];
	[sflag:s10] =	ssyncadd.s32 $0xFFFFF3C0  }
0x9d: {  	[tilespmem:s12], [sflag:$0x2] =	stream.linear.gather [hbm4b:s26+s25], $0xC40, $0x38;
	[tilespmem:$0x1D500] =	vst v63  }
0x9e: {  	_ =	swait.ge [sflag:s10], $0xC40  }
0x9f: {  	[sflag:s10] =	ssyncset.done $0x0  }
0xa0: {  	[sflag:s10] =	ssyncadd.s32 $0xFFFFF3C0  }
0xa1: {  	[tilespmem:s31], [sflag:$0x1] =	stream.indirect.gather [hbm4b:s1+s13], $0x1, s25, s13, $0xb8;
	[tilespmem:$0x1D500] =	vst v63  }
0xa2: {  	s31 =	simm.s32 $0x3200  }
0xa3: {  	[tilespmem:s31], [sflag:$0x1] =	stream.indirect.gather [hbm4b:s7+s13], $0x1, s25, s13, $0xb8;
	[tilespmem:$0x1D500] =	vst v63  }
0xa4: {  	s31 =	simm.s32 $0x3E80  }
0xa5: {  	[tilespmem:s31], [sflag:$0x1] =	stream.indirect.gather [hbm4b:s8+s13], $0x1, s25, s13, $0xb8;
	[tilespmem:$0x1D500] =	vst v63  }
0xa6: {  	s26 =	simm.s32 $0x4B00  }
0xa7: {  	[tilespmem:s26], [sflag:$0x1] =	stream.indirect.gather [hbm4b:s1+s13], $0x1, s11, s13, $0xb8;
	[tilespmem:$0x1D500] =	vst v63  }
0xa8: {  	s31 =	simm.s32 $0x5780  }
0xa9: {  	[tilespmem:s31], [sflag:$0x1] =	stream.indirect.gather [hbm4b:s7+s13], $0x1, s11, s13, $0xb8;
	[tilespmem:$0x1D500] =	vst v63  }
0xaa: {  	s26 =	simm.s32 $0x6400  }
0xab: {  	[tilespmem:s26], [sflag:$0x1] =	stream.indirect.gather [hbm4b:s8+s13], $0x1, s11, s13, $0xb8;
	[tilespmem:$0x1D500] =	vst v63  }
0xac: {  	s31 =	simm.s32 $0x7080  }
0xad: {  	[tilespmem:s31], [sflag:$0x1] =	stream.indirect.gather [hbm4b:s1+s13], $0x1, s12, s13, $0xb8;
	[tilespmem:$0x1D500] =	vst v63  }
0xae: {  	s26 =	simm.s32 $0x7D00  }
0xaf: {  	[tilespmem:s26], [sflag:$0x1] =	stream.indirect.gather [hbm4b:s7+s13], $0x1, s12, s13, $0xb8;
	[tilespmem:$0x1D500] =	vst v63  }
0xb0: {  	s31 =	simm.s32 $0x8980  }
0xb1: {  	[tilespmem:s31], [sflag:$0x1] =	stream.indirect.gather [hbm4b:s8+s13], $0x1, s12, s13, $0xb8;
	[tilespmem:$0x1D500] =	vst v63  }
0xb2: {  	_ =	swait.ge [sflag:s30], $0xC40  }
0xb3: {  	[sflag:s30] =	ssyncset.done $0x0  }
0xb4: {  	[sflag:s30] =	ssyncadd.s32 $0xFFFFF3C0  }
0xb5: {  	_ =	swait.ge [sflag:s30], $0xC40  }
0xb6: {  	[sflag:s30] =	ssyncset.done $0x0  }
0xb7: {  	[sflag:s30] =	ssyncadd.s32 $0xFFFFF3C0  }
0xb8: {  	_ =	swait.ge [sflag:s30], $0xC40  }
0xb9: {  	[sflag:s30] =	ssyncset.done $0x0  }
0xba: {  	[sflag:s30] =	ssyncadd.s32 $0xFFFFF3C0  }
0xbb: {  	_ =	swait.ge [sflag:s30], $0xC40  }
0xbc: {  	[sflag:s30] =	ssyncset.done $0x0  }
0xbd: {  	[sflag:s30] =	ssyncadd.s32 $0xFFFFF3C0  }
0xbe: {  	_ =	swait.ge [sflag:s30], $0xC40  }
0xbf: {  	[sflag:s30] =	ssyncset.done $0x0  }
0xc0: {  	[sflag:s30] =	ssyncadd.s32 $0xFFFFF3C0  }
0xc1: {  	_ =	swait.ge [sflag:s30], $0xC40  }
0xc2: {  	[sflag:s30] =	ssyncset.done $0x0  }
0xc3: {  	[sflag:s30] =	ssyncadd.s32 $0xFFFFF3C0  }
0xc4: {  	_ =	swait.ge [sflag:s30], $0xC40  }
0xc5: {  	[sflag:s30] =	ssyncset.done $0x0  }
0xc6: {  	[sflag:s30] =	ssyncadd.s32 $0xFFFFF3C0  }
0xc7: {  	_ =	swait.ge [sflag:s30], $0xC40  }
0xc8: {  	[sflag:s30] =	ssyncset.done $0x0  }
0xc9: {  	[sflag:s30] =	ssyncadd.s32 $0xFFFFF3C0  }
0xca: {  	_ =	swait.ge [sflag:s30], $0xC40  }
0xcb: {  	[sflag:s30] =	ssyncset.done $0x0  }
0xcc: {  	s25 =	simm.s32 $0x0;
	[sflag:s30] =	ssyncadd.s32 $0xFFFFF3C0  }
0xcd: {  	v3 =	vld [tilespmem:s25+$0x3E80]  }
0xce: {  	v6 =	vld [tilespmem:s25+$0x6400]  }
0xcf: {  	v8 =	vld [tilespmem:s25+$0x2580]  }
0xd0: {  	v9 =	vld [tilespmem:s25+$0x8980]  }
0xd1: {  	v10 =	vld [tilespmem:s25+$0x4B00]  }
0xd2: {  	v4 =	vld [tilespmem:s25+$0x3200]  }
0xd3: {  	v5 =	vld [tilespmem:s25+$0x5780];
	v3 =	vadd.f32 v6, v3  }
0xd4: {  	v7 =	vld [tilespmem:s25+$0x7080]  }
0xd5: {  	s26 =	simm.s32 $0x10;
	v6 =	vld [tilespmem:s25+$0x7D00];
	v9 =	vadd.f32 v9, v3  }
0xd6: {  	s29 =	simm.s32 $0x80;
	v8 =	vadd.f32 v10, v8;
	v3 =	vld [tilespmem:s26+$0x3E80]  }
.LBB2_4:
0xd7: {  	p0 =	sne.s32 s29, $0x30C0;
	v10 =	vld [tilespmem:s26+$0x6400];
	[tilespmem:s25+$0xAF00] =	vst v9  }
0xd8: {  	v11 =	vld [tilespmem:s26+$0x2580];
	v4 =	vadd.f32 v5, v4  }
0xd9: {  	v9 =	vld [tilespmem:s26+$0x8980];
	v5 =	vadd.f32 v7, v8  }
0xda: {  	v8 =	vld [tilespmem:s26+$0x4B00];
	v6 =	vadd.f32 v6, v4  }
.Ltmp1:
0xdb: {  	v4 =	vld [tilespmem:s26+$0x3200];
	[tilespmem:s25+$0x9600] =	vst v5;
	(pc) =	sbr.rel @p0 .LBB2_4-.Ltmp1, $4  }
0xdc: {  	v5 =	vld [tilespmem:s26+$0x5780];
	v3 =	vadd.f32 v10, v3;
	[tilespmem:s25+$0xA280] =	vst v6;
	s25 =	smov.u32 s26  }
0xdd: {  	v7 =	vld [tilespmem:s25+$0x7080]  }
0xde: {  	s26 =	sshra.s32 s29, $0x2;
	v6 =	vld [tilespmem:s25+$0x7D00];
	v9 =	vadd.f32 v9, v3  }
0xdf: {  	s29 =	sadd.s32 $0x40, s29;
	v3 =	vld [tilespmem:s26+$0x3E80];
	v8 =	vadd.f32 v8, v11  }
0xe0: {  	v10 =	vld [tilespmem:s26+$0x6400];
	[tilespmem:s25+$0xAF00] =	vst v9  }
0xe1: {  	v9 =	vld [tilespmem:s26+$0x2580];
	v4 =	vadd.f32 v5, v4  }
0xe2: {  	v11 =	vld [tilespmem:s26+$0x8980];
	v5 =	vadd.f32 v7, v8  }
0xe3: {  	v63 =	vld [tilespmem:s26+$0x3200];
	v4 =	vadd.f32 v6, v4  }
0xe4: {  	v7 =	vld [tilespmem:s26+$0x4B00];
	[tilespmem:s25+$0x9600] =	vst v5  }
0xe5: {  	v5 =	vld [tilespmem:s26+$0x5780];
	[tilespmem:s25+$0xA280] =	vst v4  }
0xe6: {  	v4 =	vld [tilespmem:s26+$0x7080]  }
0xe7: {  	v6 =	vld [tilespmem:s26+$0x7D00]  }
0xe8: {  	v3 =	vadd.f32 v10, v3  }
0xe9: {  	v7 =	vadd.f32 v7, v9  }
0xea: {  	v3 =	vadd.f32 v11, v3;
	v5 =	vadd.f32 v5, v63  }
0xeb: {  	v4 =	vadd.f32 v4, v7  }
0xec: {  	[tilespmem:s26+$0xAF00] =	vst v3;
	v3 =	vadd.f32 v6, v5  }
0xed: {  	[tilespmem:s26+$0x9600] =	vst v4  }
0xee: {  	[tilespmem:s26+$0xA280] =	vst v3;
	s26 =	sld [smem:$0x7FA];
	_ =	sdelay $0x1  }
0xef: {  	s31 =	simm.s32 $0x9600  }
0xf0: {  	[spmem:s26] =	stream.linear.scatter [tilespmem:s31], [sflag:$0x2], $0xC40, $0x38;
	[tilespmem:$0x1D500] =	vst v63  }
0xf1: {  	_ =	swait.ge [sflag:s10], $0xC40  }
0xf2: {  	s26 =	sld [smem:$0x7FB]  }
0xf3: {  	[sflag:s10] =	ssyncset.done $0x0  }
0xf4: {  	[sflag:s10] =	ssyncadd.s32 $0xFFFFF3C0  }
0xf5: {  	[spmem:s26] =	stream.linear.scatter [tilespmem:s23], [sflag:$0x2], $0xC40, $0x38;
	[tilespmem:$0x1D500] =	vst v63  }
0xf6: {  	_ =	swait.ge [sflag:s10], $0xC40  }
0xf7: {  	s31 =	sld [smem:$0x7FC]  }
0xf8: {  	[sflag:s10] =	ssyncset.done $0x0  }
0xf9: {  	[sflag:s10] =	ssyncadd.s32 $0xFFFFF3C0  }
0xfa: {  	[spmem:s31] =	stream.linear.scatter [tilespmem:s0], [sflag:$0x2], $0xC40, $0x38;
	[tilespmem:$0x1D500] =	vst v63  }
0xfb: {  	_ =	swait.ge [sflag:s10], $0xC40  }
0xfc: {  	[sflag:s10] =	ssyncset.done $0x0  }
0xfd: {  	s29 =	smov.u32 s3;
	[sflag:s10] =	ssyncadd.s32 $0xFFFFF3C0  }
0xfe: {  	s25 =	simm.s32 $0x40;
	v5 =	vadd.s32 s3, v2;
	v4 =	vadd.s32 s3, v1;
	v3 =	vadd.s32 s3, v0;
	s26 =	simm.s32 $0x0;
	[bflag:$0x0] =	sbarrier.arrive $0xFFFF  }
.LBB2_6:
0xff: {  	p0 =	sne.s32 s25, $0x3FC0  }
0x100: {  	[tilespmem:s26+$0x19500] =	vst v5;
	s29 =	sadd.s32 $0x30, s29;
	s31 =	smov.u32 s25;
	s25 =	sadd.s32 $0x40, s25  }
.Ltmp2:
0x101: {  	v5 =	vadd.s32 s29, v0;
	[tilespmem:s26+$0x18500] =	vst v4;
	(pc) =	sbr.rel @p0 .LBB2_6-.Ltmp2, $2  }
0x102: {  	[tilespmem:s26+$0x17500] =	vst v3;
	v3 =	vmov v5;
	_ =	sdelay $0x2  }
0x103: {  	v4 =	vadd.s32 s29, v1;
	s26 =	sshra.s32 s31, $0x2;
	v5 =	vadd.s32 s29, v2  }
0x104: {  	[tilespmem:s26+$0x19500] =	vst v5  }
0x105: {  	[tilespmem:s26+$0x18500] =	vst v4  }
0x106: {  	[tilespmem:s26+$0x17500] =	vst v3;
	s25 =	rddreg [dreg:$0xe]  }
0x107: {  	[tilespmem:s2], [sflag:$0x2] =	stream.linear.gather [hbm4b:s25+s16], $0x1000, $0x38;
	[tilespmem:$0x1D500] =	vst v63  }
0x108: {  	_ =	swait.ge [sflag:s10], $0x1000  }
0x109: {  	[sflag:s10] =	ssyncset.done $0x0  }
0x10a: {  	[sflag:s10] =	ssyncadd.s32 $0xFFFFF000  }
0x10b: {  	[tilespmem:s14], [sflag:$0x1] =	stream.indirect.gather [spmem:s19], $0x1, s2, s4, $0xb8;
	[tilespmem:$0x1D500] =	vst v63  }
0x10c: {  	_ = 	snop  }
0x10d: {  	[tilespmem:s5], [sflag:$0x1] =	stream.indirect.gather [spmem:s21], $0x1, s2, s4, $0xb8;
	[tilespmem:$0x1D500] =	vst v63  }
0x10e: {  	_ = 	snop  }
0x10f: {  	[tilespmem:s15], [sflag:$0x1] =	stream.indirect.gather [spmem:s24], $0x1, s2, s4, $0xb8;
	[tilespmem:$0x1D500] =	vst v63  }
0x110: {  	_ =	swait.ge [sflag:s30], $0x1000  }
0x111: {  	[sflag:s30] =	ssyncset.done $0x0  }
0x112: {  	[sflag:s30] =	ssyncadd.s32 $0xFFFFF000  }
0x113: {  	_ =	swait.ge [sflag:s30], $0x1000  }
0x114: {  	[sflag:s30] =	ssyncset.done $0x0  }
0x115: {  	[sflag:s30] =	ssyncadd.s32 $0xFFFFF000  }
0x116: {  	_ =	swait.ge [sflag:s30], $0x1000  }
0x117: {  	[sflag:s30] =	ssyncset.done $0x0  }
0x118: {  	[sflag:s30] =	ssyncadd.s32 $0xFFFFF000  }
0x119: {  	[spmem:s28] =	stream.indirect.scatter [tilespmem:s14], [sflag:$0x1], $0x1, s6, s4, $0xb8;
	[tilespmem:$0x1D500] =	vst v63  }
0x11a: {  	_ = 	snop  }
0x11b: {  	[spmem:s28] =	stream.indirect.scatter [tilespmem:s5], [sflag:$0x1], $0x1, s17, s4, $0xb8;
	[tilespmem:$0x1D500] =	vst v63  }
0x11c: {  	_ = 	snop  }
0x11d: {  	[spmem:s28] =	stream.indirect.scatter [tilespmem:s15], [sflag:$0x1], $0x1, s18, s4, $0xb8;
	[tilespmem:$0x1D500] =	vst v63  }
0x11e: {  	_ =	swait.ge [sflag:s30], $0x1000  }
0x11f: {  	[sflag:s30] =	ssyncset.done $0x0  }
0x120: {  	[sflag:s30] =	ssyncadd.s32 $0xFFFFF000  }
0x121: {  	_ =	swait.ge [sflag:s30], $0x1000  }
0x122: {  	[sflag:s30] =	ssyncset.done $0x0  }
0x123: {  	[sflag:s30] =	ssyncadd.s32 $0xFFFFF000  }
0x124: {  	_ =	swait.ge [sflag:s30], $0x1000  }
0x125: {  	[sflag:s30] =	ssyncset.done $0x0  }
0x126: {  	[sflag:s30] =	ssyncadd.s32 $0xFFFFF000  }
0x127: {  	[tilespmem:s20], [sflag:$0x2] =	stream.linear.gather [spmem:s9], $0x3000, $0x38;
	[tilespmem:$0x1D500] =	vst v63  }
0x128: {  	_ =	swait.ge [sflag:s10], $0x3000  }
0x129: {  	[sflag:s10] =	ssyncset.done $0x0  }
0x12a: {  	s26 =	rddreg [dreg:$0x16];
	[sflag:s10] =	ssyncadd.s32 $0xFFFFD000  }
0x12b: {  	[hbm4b:s26+s16] =	stream.linear.scatter [tilespmem:s20], [sflag:$0x2], $0x3000, $0x38;
	[tilespmem:$0x1D500] =	vst v63  }
0x12c: {  	_ =	swait.ge [sflag:s10], $0x3000  }
0x12d: {  	[sflag:s10] =	ssyncset.done $0x0  }
0x12e: {  	s29 =	rddreg [dreg:$0xf];
	[sflag:s10] =	ssyncadd.s32 $0xFFFFD000  }
0x12f: {  	[tilespmem:s2], [sflag:$0x2] =	stream.linear.gather [hbm4b:s29+s16], $0x1000, $0x38;
	[tilespmem:$0x1D500] =	vst v63  }
0x130: {  	_ =	swait.ge [sflag:s10], $0x1000  }
0x131: {  	[sflag:s10] =	ssyncset.done $0x0  }
0x132: {  	[sflag:s10] =	ssyncadd.s32 $0xFFFFF000  }
0x133: {  	[tilespmem:s14], [sflag:$0x1] =	stream.indirect.gather [spmem:s19], $0x1, s2, s4, $0xb8;
	[tilespmem:$0x1D500] =	vst v63  }
0x134: {  	_ = 	snop  }
0x135: {  	[tilespmem:s5], [sflag:$0x1] =	stream.indirect.gather [spmem:s21], $0x1, s2, s4, $0xb8;
	[tilespmem:$0x1D500] =	vst v63  }
0x136: {  	_ = 	snop  }
0x137: {  	[tilespmem:s15], [sflag:$0x1] =	stream.indirect.gather [spmem:s24], $0x1, s2, s4, $0xb8;
	[tilespmem:$0x1D500] =	vst v63  }
0x138: {  	_ =	swait.ge [sflag:s30], $0x1000  }
0x139: {  	[sflag:s30] =	ssyncset.done $0x0  }
0x13a: {  	[sflag:s30] =	ssyncadd.s32 $0xFFFFF000  }
0x13b: {  	_ =	swait.ge [sflag:s30], $0x1000  }
0x13c: {  	[sflag:s30] =	ssyncset.done $0x0  }
0x13d: {  	[sflag:s30] =	ssyncadd.s32 $0xFFFFF000  }
0x13e: {  	_ =	swait.ge [sflag:s30], $0x1000  }
0x13f: {  	[sflag:s30] =	ssyncset.done $0x0  }
0x140: {  	[sflag:s30] =	ssyncadd.s32 $0xFFFFF000  }
0x141: {  	[spmem:s28] =	stream.indirect.scatter [tilespmem:s14], [sflag:$0x1], $0x1, s6, s4, $0xb8;
	[tilespmem:$0x1D500] =	vst v63  }
0x142: {  	_ = 	snop  }
0x143: {  	[spmem:s28] =	stream.indirect.scatter [tilespmem:s5], [sflag:$0x1], $0x1, s17, s4, $0xb8;
	[tilespmem:$0x1D500] =	vst v63  }
0x144: {  	_ = 	snop  }
0x145: {  	[spmem:s28] =	stream.indirect.scatter [tilespmem:s15], [sflag:$0x1], $0x1, s18, s4, $0xb8;
	[tilespmem:$0x1D500] =	vst v63  }
0x146: {  	_ =	swait.ge [sflag:s30], $0x1000  }
0x147: {  	[sflag:s30] =	ssyncset.done $0x0  }
0x148: {  	[sflag:s30] =	ssyncadd.s32 $0xFFFFF000  }
0x149: {  	_ =	swait.ge [sflag:s30], $0x1000  }
0x14a: {  	[sflag:s30] =	ssyncset.done $0x0  }
0x14b: {  	[sflag:s30] =	ssyncadd.s32 $0xFFFFF000  }
0x14c: {  	_ =	swait.ge [sflag:s30], $0x1000  }
0x14d: {  	[sflag:s30] =	ssyncset.done $0x0  }
0x14e: {  	[sflag:s30] =	ssyncadd.s32 $0xFFFFF000  }
0x14f: {  	[tilespmem:s20], [sflag:$0x2] =	stream.linear.gather [spmem:s9], $0x3000, $0x38;
	[tilespmem:$0x1D500] =	vst v63  }
0x150: {  	_ =	swait.ge [sflag:s10], $0x3000  }
0x151: {  	[sflag:s10] =	ssyncset.done $0x0  }
0x152: {  	s26 =	rddreg [dreg:$0x17];
	[sflag:s10] =	ssyncadd.s32 $0xFFFFD000  }
0x153: {  	[hbm4b:s26+s16] =	stream.linear.scatter [tilespmem:s20], [sflag:$0x2], $0x3000, $0x38;
	[tilespmem:$0x1D500] =	vst v63  }
0x154: {  	_ =	swait.ge [sflag:s10], $0x3000  }
0x155: {  	[sflag:s10] =	ssyncset.done $0x0  }
0x156: {  	s29 =	rddreg [dreg:$0x10];
	[sflag:s10] =	ssyncadd.s32 $0xFFFFD000  }
0x157: {  	[tilespmem:s2], [sflag:$0x2] =	stream.linear.gather [hbm4b:s29+s16], $0x1000, $0x38;
	[tilespmem:$0x1D500] =	vst v63  }
0x158: {  	_ =	swait.ge [sflag:s10], $0x1000  }
0x159: {  	[sflag:s10] =	ssyncset.done $0x0  }
0x15a: {  	[sflag:s10] =	ssyncadd.s32 $0xFFFFF000  }
0x15b: {  	[tilespmem:s14], [sflag:$0x1] =	stream.indirect.gather [spmem:s19], $0x1, s2, s4, $0xb8;
	[tilespmem:$0x1D500] =	vst v63  }
0x15c: {  	_ = 	snop  }
0x15d: {  	[tilespmem:s5], [sflag:$0x1] =	stream.indirect.gather [spmem:s21], $0x1, s2, s4, $0xb8;
	[tilespmem:$0x1D500] =	vst v63  }
0x15e: {  	_ = 	snop  }
0x15f: {  	[tilespmem:s15], [sflag:$0x1] =	stream.indirect.gather [spmem:s24], $0x1, s2, s4, $0xb8;
	[tilespmem:$0x1D500] =	vst v63  }
0x160: {  	_ =	swait.ge [sflag:s30], $0x1000  }
0x161: {  	[sflag:s30] =	ssyncset.done $0x0  }
0x162: {  	[sflag:s30] =	ssyncadd.s32 $0xFFFFF000  }
0x163: {  	_ =	swait.ge [sflag:s30], $0x1000  }
0x164: {  	[sflag:s30] =	ssyncset.done $0x0  }
0x165: {  	[sflag:s30] =	ssyncadd.s32 $0xFFFFF000  }
0x166: {  	_ =	swait.ge [sflag:s30], $0x1000  }
0x167: {  	[sflag:s30] =	ssyncset.done $0x0  }
0x168: {  	[sflag:s30] =	ssyncadd.s32 $0xFFFFF000  }
0x169: {  	[spmem:s28] =	stream.indirect.scatter [tilespmem:s14], [sflag:$0x1], $0x1, s6, s4, $0xb8;
	[tilespmem:$0x1D500] =	vst v63  }
0x16a: {  	_ = 	snop  }
0x16b: {  	[spmem:s28] =	stream.indirect.scatter [tilespmem:s5], [sflag:$0x1], $0x1, s17, s4, $0xb8;
	[tilespmem:$0x1D500] =	vst v63  }
0x16c: {  	_ = 	snop  }
0x16d: {  	[spmem:s28] =	stream.indirect.scatter [tilespmem:s15], [sflag:$0x1], $0x1, s18, s4, $0xb8;
	[tilespmem:$0x1D500] =	vst v63  }
0x16e: {  	_ =	swait.ge [sflag:s30], $0x1000  }
0x16f: {  	[sflag:s30] =	ssyncset.done $0x0  }
0x170: {  	[sflag:s30] =	ssyncadd.s32 $0xFFFFF000  }
0x171: {  	_ =	swait.ge [sflag:s30], $0x1000  }
0x172: {  	[sflag:s30] =	ssyncset.done $0x0  }
0x173: {  	[sflag:s30] =	ssyncadd.s32 $0xFFFFF000  }
0x174: {  	_ =	swait.ge [sflag:s30], $0x1000  }
0x175: {  	[sflag:s30] =	ssyncset.done $0x0  }
0x176: {  	[sflag:s30] =	ssyncadd.s32 $0xFFFFF000  }
0x177: {  	[tilespmem:s20], [sflag:$0x2] =	stream.linear.gather [spmem:s9], $0x3000, $0x38;
	[tilespmem:$0x1D500] =	vst v63  }
0x178: {  	_ =	swait.ge [sflag:s10], $0x3000  }
0x179: {  	[sflag:s10] =	ssyncset.done $0x0  }
0x17a: {  	s26 =	rddreg [dreg:$0x18];
	[sflag:s10] =	ssyncadd.s32 $0xFFFFD000  }
0x17b: {  	[hbm4b:s26+s16] =	stream.linear.scatter [tilespmem:s20], [sflag:$0x2], $0x3000, $0x38;
	[tilespmem:$0x1D500] =	vst v63  }
0x17c: {  	_ =	swait.ge [sflag:s10], $0x3000  }
0x17d: {  	[sflag:s10] =	ssyncset.done $0x0  }
0x17e: {  	s29 =	rddreg [dreg:$0x11];
	[sflag:s10] =	ssyncadd.s32 $0xFFFFD000  }
0x17f: {  	[tilespmem:s2], [sflag:$0x2] =	stream.linear.gather [hbm4b:s29+s16], $0x1000, $0x38;
	[tilespmem:$0x1D500] =	vst v63  }
0x180: {  	_ =	swait.ge [sflag:s10], $0x1000  }
0x181: {  	[sflag:s10] =	ssyncset.done $0x0  }
0x182: {  	[sflag:s10] =	ssyncadd.s32 $0xFFFFF000  }
0x183: {  	[tilespmem:s14], [sflag:$0x1] =	stream.indirect.gather [spmem:s19], $0x1, s2, s4, $0xb8;
	[tilespmem:$0x1D500] =	vst v63  }
0x184: {  	_ = 	snop  }
0x185: {  	[tilespmem:s5], [sflag:$0x1] =	stream.indirect.gather [spmem:s21], $0x1, s2, s4, $0xb8;
	[tilespmem:$0x1D500] =	vst v63  }
0x186: {  	_ = 	snop  }
0x187: {  	[tilespmem:s15], [sflag:$0x1] =	stream.indirect.gather [spmem:s24], $0x1, s2, s4, $0xb8;
	[tilespmem:$0x1D500] =	vst v63  }
0x188: {  	_ =	swait.ge [sflag:s30], $0x1000  }
0x189: {  	[sflag:s30] =	ssyncset.done $0x0  }
0x18a: {  	[sflag:s30] =	ssyncadd.s32 $0xFFFFF000  }
0x18b: {  	_ =	swait.ge [sflag:s30], $0x1000  }
0x18c: {  	[sflag:s30] =	ssyncset.done $0x0  }
0x18d: {  	[sflag:s30] =	ssyncadd.s32 $0xFFFFF000  }
0x18e: {  	_ =	swait.ge [sflag:s30], $0x1000  }
0x18f: {  	[sflag:s30] =	ssyncset.done $0x0  }
0x190: {  	[sflag:s30] =	ssyncadd.s32 $0xFFFFF000  }
0x191: {  	[spmem:s28] =	stream.indirect.scatter [tilespmem:s14], [sflag:$0x1], $0x1, s6, s4, $0xb8;
	[tilespmem:$0x1D500] =	vst v63  }
0x192: {  	_ = 	snop  }
0x193: {  	[spmem:s28] =	stream.indirect.scatter [tilespmem:s5], [sflag:$0x1], $0x1, s17, s4, $0xb8;
	[tilespmem:$0x1D500] =	vst v63  }
0x194: {  	_ = 	snop  }
0x195: {  	[spmem:s28] =	stream.indirect.scatter [tilespmem:s15], [sflag:$0x1], $0x1, s18, s4, $0xb8;
	[tilespmem:$0x1D500] =	vst v63  }
0x196: {  	_ =	swait.ge [sflag:s30], $0x1000  }
0x197: {  	[sflag:s30] =	ssyncset.done $0x0  }
0x198: {  	[sflag:s30] =	ssyncadd.s32 $0xFFFFF000  }
0x199: {  	_ =	swait.ge [sflag:s30], $0x1000  }
0x19a: {  	[sflag:s30] =	ssyncset.done $0x0  }
0x19b: {  	[sflag:s30] =	ssyncadd.s32 $0xFFFFF000  }
0x19c: {  	_ =	swait.ge [sflag:s30], $0x1000  }
0x19d: {  	[sflag:s30] =	ssyncset.done $0x0  }
0x19e: {  	[sflag:s30] =	ssyncadd.s32 $0xFFFFF000  }
0x19f: {  	[tilespmem:s20], [sflag:$0x2] =	stream.linear.gather [spmem:s9], $0x3000, $0x38;
	[tilespmem:$0x1D500] =	vst v63  }
0x1a0: {  	_ =	swait.ge [sflag:s10], $0x3000  }
0x1a1: {  	[sflag:s10] =	ssyncset.done $0x0  }
0x1a2: {  	s26 =	rddreg [dreg:$0x19];
	[sflag:s10] =	ssyncadd.s32 $0xFFFFD000  }
0x1a3: {  	[hbm4b:s26+s16] =	stream.linear.scatter [tilespmem:s20], [sflag:$0x2], $0x3000, $0x38;
	[tilespmem:$0x1D500] =	vst v63  }
0x1a4: {  	_ =	swait.ge [sflag:s10], $0x3000  }
0x1a5: {  	[sflag:s10] =	ssyncset.done $0x0  }
0x1a6: {  	s29 =	rddreg [dreg:$0x12];
	[sflag:s10] =	ssyncadd.s32 $0xFFFFD000  }
0x1a7: {  	[tilespmem:s2], [sflag:$0x2] =	stream.linear.gather [hbm4b:s29+s16], $0x1000, $0x38;
	[tilespmem:$0x1D500] =	vst v63  }
0x1a8: {  	_ =	swait.ge [sflag:s10], $0x1000  }
0x1a9: {  	[sflag:s10] =	ssyncset.done $0x0  }
0x1aa: {  	[sflag:s10] =	ssyncadd.s32 $0xFFFFF000  }
0x1ab: {  	[tilespmem:s14], [sflag:$0x1] =	stream.indirect.gather [spmem:s19], $0x1, s2, s4, $0xb8;
	[tilespmem:$0x1D500] =	vst v63  }
0x1ac: {  	_ = 	snop  }
0x1ad: {  	[tilespmem:s5], [sflag:$0x1] =	stream.indirect.gather [spmem:s21], $0x1, s2, s4, $0xb8;
	[tilespmem:$0x1D500] =	vst v63  }
0x1ae: {  	_ = 	snop  }
0x1af: {  	[tilespmem:s15], [sflag:$0x1] =	stream.indirect.gather [spmem:s24], $0x1, s2, s4, $0xb8;
	[tilespmem:$0x1D500] =	vst v63  }
0x1b0: {  	_ =	swait.ge [sflag:s30], $0x1000  }
0x1b1: {  	[sflag:s30] =	ssyncset.done $0x0  }
0x1b2: {  	[sflag:s30] =	ssyncadd.s32 $0xFFFFF000  }
0x1b3: {  	_ =	swait.ge [sflag:s30], $0x1000  }
0x1b4: {  	[sflag:s30] =	ssyncset.done $0x0  }
0x1b5: {  	[sflag:s30] =	ssyncadd.s32 $0xFFFFF000  }
0x1b6: {  	_ =	swait.ge [sflag:s30], $0x1000  }
0x1b7: {  	[sflag:s30] =	ssyncset.done $0x0  }
0x1b8: {  	[sflag:s30] =	ssyncadd.s32 $0xFFFFF000  }
0x1b9: {  	[spmem:s28] =	stream.indirect.scatter [tilespmem:s14], [sflag:$0x1], $0x1, s6, s4, $0xb8;
	[tilespmem:$0x1D500] =	vst v63  }
0x1ba: {  	_ = 	snop  }
0x1bb: {  	[spmem:s28] =	stream.indirect.scatter [tilespmem:s5], [sflag:$0x1], $0x1, s17, s4, $0xb8;
	[tilespmem:$0x1D500] =	vst v63  }
0x1bc: {  	_ = 	snop  }
0x1bd: {  	[spmem:s28] =	stream.indirect.scatter [tilespmem:s15], [sflag:$0x1], $0x1, s18, s4, $0xb8;
	[tilespmem:$0x1D500] =	vst v63  }
0x1be: {  	_ =	swait.ge [sflag:s30], $0x1000  }
0x1bf: {  	[sflag:s30] =	ssyncset.done $0x0  }
0x1c0: {  	[sflag:s30] =	ssyncadd.s32 $0xFFFFF000  }
0x1c1: {  	_ =	swait.ge [sflag:s30], $0x1000  }
0x1c2: {  	[sflag:s30] =	ssyncset.done $0x0  }
0x1c3: {  	[sflag:s30] =	ssyncadd.s32 $0xFFFFF000  }
0x1c4: {  	_ =	swait.ge [sflag:s30], $0x1000  }
0x1c5: {  	[sflag:s30] =	ssyncset.done $0x0  }
0x1c6: {  	[sflag:s30] =	ssyncadd.s32 $0xFFFFF000  }
0x1c7: {  	[tilespmem:s20], [sflag:$0x2] =	stream.linear.gather [spmem:s9], $0x3000, $0x38;
	[tilespmem:$0x1D500] =	vst v63  }
0x1c8: {  	_ =	swait.ge [sflag:s10], $0x3000  }
0x1c9: {  	[sflag:s10] =	ssyncset.done $0x0  }
0x1ca: {  	s26 =	rddreg [dreg:$0x1a];
	[sflag:s10] =	ssyncadd.s32 $0xFFFFD000  }
0x1cb: {  	[hbm4b:s26+s16] =	stream.linear.scatter [tilespmem:s20], [sflag:$0x2], $0x3000, $0x38;
	[tilespmem:$0x1D500] =	vst v63  }
0x1cc: {  	_ =	swait.ge [sflag:s10], $0x3000  }
0x1cd: {  	[sflag:s10] =	ssyncset.done $0x0  }
0x1ce: {  	s29 =	rddreg [dreg:$0x13];
	[sflag:s10] =	ssyncadd.s32 $0xFFFFD000  }
0x1cf: {  	[tilespmem:s2], [sflag:$0x2] =	stream.linear.gather [hbm4b:s29+s16], $0x1000, $0x38;
	[tilespmem:$0x1D500] =	vst v63  }
0x1d0: {  	_ =	swait.ge [sflag:s10], $0x1000  }
0x1d1: {  	[sflag:s10] =	ssyncset.done $0x0  }
0x1d2: {  	[sflag:s10] =	ssyncadd.s32 $0xFFFFF000  }
0x1d3: {  	[tilespmem:s14], [sflag:$0x1] =	stream.indirect.gather [spmem:s19], $0x1, s2, s4, $0xb8;
	[tilespmem:$0x1D500] =	vst v63  }
0x1d4: {  	_ = 	snop  }
0x1d5: {  	[tilespmem:s5], [sflag:$0x1] =	stream.indirect.gather [spmem:s21], $0x1, s2, s4, $0xb8;
	[tilespmem:$0x1D500] =	vst v63  }
0x1d6: {  	_ = 	snop  }
0x1d7: {  	[tilespmem:s15], [sflag:$0x1] =	stream.indirect.gather [spmem:s24], $0x1, s2, s4, $0xb8;
	[tilespmem:$0x1D500] =	vst v63  }
0x1d8: {  	_ =	swait.ge [sflag:s30], $0x1000  }
0x1d9: {  	[sflag:s30] =	ssyncset.done $0x0  }
0x1da: {  	[sflag:s30] =	ssyncadd.s32 $0xFFFFF000  }
0x1db: {  	_ =	swait.ge [sflag:s30], $0x1000  }
0x1dc: {  	[sflag:s30] =	ssyncset.done $0x0  }
0x1dd: {  	[sflag:s30] =	ssyncadd.s32 $0xFFFFF000  }
0x1de: {  	_ =	swait.ge [sflag:s30], $0x1000  }
0x1df: {  	[sflag:s30] =	ssyncset.done $0x0  }
0x1e0: {  	[sflag:s30] =	ssyncadd.s32 $0xFFFFF000  }
0x1e1: {  	[spmem:s28] =	stream.indirect.scatter [tilespmem:s14], [sflag:$0x1], $0x1, s6, s4, $0xb8;
	[tilespmem:$0x1D500] =	vst v63  }
0x1e2: {  	_ = 	snop  }
0x1e3: {  	[spmem:s28] =	stream.indirect.scatter [tilespmem:s5], [sflag:$0x1], $0x1, s17, s4, $0xb8;
	[tilespmem:$0x1D500] =	vst v63  }
0x1e4: {  	_ = 	snop  }
0x1e5: {  	[spmem:s28] =	stream.indirect.scatter [tilespmem:s15], [sflag:$0x1], $0x1, s18, s4, $0xb8;
	[tilespmem:$0x1D500] =	vst v63  }
0x1e6: {  	_ =	swait.ge [sflag:s30], $0x1000  }
0x1e7: {  	[sflag:s30] =	ssyncset.done $0x0  }
0x1e8: {  	[sflag:s30] =	ssyncadd.s32 $0xFFFFF000  }
0x1e9: {  	_ =	swait.ge [sflag:s30], $0x1000  }
0x1ea: {  	[sflag:s30] =	ssyncset.done $0x0  }
0x1eb: {  	[sflag:s30] =	ssyncadd.s32 $0xFFFFF000  }
0x1ec: {  	_ =	swait.ge [sflag:s30], $0x1000  }
0x1ed: {  	[sflag:s30] =	ssyncset.done $0x0  }
0x1ee: {  	[sflag:s30] =	ssyncadd.s32 $0xFFFFF000  }
0x1ef: {  	[tilespmem:s20], [sflag:$0x2] =	stream.linear.gather [spmem:s9], $0x3000, $0x38;
	[tilespmem:$0x1D500] =	vst v63  }
0x1f0: {  	_ =	swait.ge [sflag:s10], $0x3000  }
0x1f1: {  	[sflag:s10] =	ssyncset.done $0x0  }
0x1f2: {  	s26 =	rddreg [dreg:$0x1b];
	[sflag:s10] =	ssyncadd.s32 $0xFFFFD000  }
0x1f3: {  	[hbm4b:s26+s16] =	stream.linear.scatter [tilespmem:s20], [sflag:$0x2], $0x3000, $0x38;
	[tilespmem:$0x1D500] =	vst v63  }
0x1f4: {  	_ =	swait.ge [sflag:s10], $0x3000  }
0x1f5: {  	[sflag:s10] =	ssyncset.done $0x0  }
0x1f6: {  	s29 =	rddreg [dreg:$0x14];
	[sflag:s10] =	ssyncadd.s32 $0xFFFFD000  }
0x1f7: {  	[tilespmem:s2], [sflag:$0x2] =	stream.linear.gather [hbm4b:s29+s16], $0x1000, $0x38;
	[tilespmem:$0x1D500] =	vst v63  }
0x1f8: {  	_ =	swait.ge [sflag:s10], $0x1000  }
0x1f9: {  	[sflag:s10] =	ssyncset.done $0x0  }
0x1fa: {  	[sflag:s10] =	ssyncadd.s32 $0xFFFFF000  }
0x1fb: {  	[tilespmem:s14], [sflag:$0x1] =	stream.indirect.gather [spmem:s19], $0x1, s2, s4, $0xb8;
	[tilespmem:$0x1D500] =	vst v63  }
0x1fc: {  	_ = 	snop  }
0x1fd: {  	[tilespmem:s5], [sflag:$0x1] =	stream.indirect.gather [spmem:s21], $0x1, s2, s4, $0xb8;
	[tilespmem:$0x1D500] =	vst v63  }
0x1fe: {  	_ = 	snop  }
0x1ff: {  	[tilespmem:s15], [sflag:$0x1] =	stream.indirect.gather [spmem:s24], $0x1, s2, s4, $0xb8;
	[tilespmem:$0x1D500] =	vst v63  }
0x200: {  	_ =	swait.ge [sflag:s30], $0x1000  }
0x201: {  	[sflag:s30] =	ssyncset.done $0x0  }
0x202: {  	[sflag:s30] =	ssyncadd.s32 $0xFFFFF000  }
0x203: {  	_ =	swait.ge [sflag:s30], $0x1000  }
0x204: {  	[sflag:s30] =	ssyncset.done $0x0  }
0x205: {  	[sflag:s30] =	ssyncadd.s32 $0xFFFFF000  }
0x206: {  	_ =	swait.ge [sflag:s30], $0x1000  }
0x207: {  	[sflag:s30] =	ssyncset.done $0x0  }
0x208: {  	[sflag:s30] =	ssyncadd.s32 $0xFFFFF000  }
0x209: {  	[spmem:s28] =	stream.indirect.scatter [tilespmem:s14], [sflag:$0x1], $0x1, s6, s4, $0xb8;
	[tilespmem:$0x1D500] =	vst v63  }
0x20a: {  	_ = 	snop  }
0x20b: {  	[spmem:s28] =	stream.indirect.scatter [tilespmem:s5], [sflag:$0x1], $0x1, s17, s4, $0xb8;
	[tilespmem:$0x1D500] =	vst v63  }
0x20c: {  	_ = 	snop  }
0x20d: {  	[spmem:s28] =	stream.indirect.scatter [tilespmem:s15], [sflag:$0x1], $0x1, s18, s4, $0xb8;
	[tilespmem:$0x1D500] =	vst v63  }
0x20e: {  	_ =	swait.ge [sflag:s30], $0x1000  }
0x20f: {  	[sflag:s30] =	ssyncset.done $0x0  }
0x210: {  	[sflag:s30] =	ssyncadd.s32 $0xFFFFF000  }
0x211: {  	_ =	swait.ge [sflag:s30], $0x1000  }
0x212: {  	[sflag:s30] =	ssyncset.done $0x0  }
0x213: {  	[sflag:s30] =	ssyncadd.s32 $0xFFFFF000  }
0x214: {  	_ =	swait.ge [sflag:s30], $0x1000  }
0x215: {  	[sflag:s30] =	ssyncset.done $0x0  }
0x216: {  	[sflag:s30] =	ssyncadd.s32 $0xFFFFF000  }
0x217: {  	[tilespmem:s20], [sflag:$0x2] =	stream.linear.gather [spmem:s9], $0x3000, $0x38;
	[tilespmem:$0x1D500] =	vst v63  }
0x218: {  	_ =	swait.ge [sflag:s10], $0x3000  }
0x219: {  	[sflag:s10] =	ssyncset.done $0x0  }
0x21a: {  	s26 =	rddreg [dreg:$0x1c];
	[sflag:s10] =	ssyncadd.s32 $0xFFFFD000  }
0x21b: {  	[hbm4b:s26+s16] =	stream.linear.scatter [tilespmem:s20], [sflag:$0x2], $0x3000, $0x38;
	[tilespmem:$0x1D500] =	vst v63  }
0x21c: {  	_ =	swait.ge [sflag:s10], $0x3000  }
0x21d: {  	[sflag:s10] =	ssyncset.done $0x0  }
0x21e: {  	s29 =	rddreg [dreg:$0x15];
	[sflag:s10] =	ssyncadd.s32 $0xFFFFD000  }
0x21f: {  	[tilespmem:s2], [sflag:$0x2] =	stream.linear.gather [hbm4b:s29+s16], $0x1000, $0x38;
	[tilespmem:$0x1D500] =	vst v63  }
0x220: {  	_ =	swait.ge [sflag:s10], $0x1000  }
0x221: {  	[sflag:s10] =	ssyncset.done $0x0  }
0x222: {  	[sflag:s10] =	ssyncadd.s32 $0xFFFFF000  }
0x223: {  	[tilespmem:s14], [sflag:$0x1] =	stream.indirect.gather [spmem:s19], $0x1, s2, s4, $0xb8;
	[tilespmem:$0x1D500] =	vst v63  }
0x224: {  	_ = 	snop  }
0x225: {  	[tilespmem:s5], [sflag:$0x1] =	stream.indirect.gather [spmem:s21], $0x1, s2, s4, $0xb8;
	[tilespmem:$0x1D500] =	vst v63  }
0x226: {  	_ = 	snop  }
0x227: {  	[tilespmem:s15], [sflag:$0x1] =	stream.indirect.gather [spmem:s24], $0x1, s2, s4, $0xb8;
	[tilespmem:$0x1D500] =	vst v63  }
0x228: {  	_ =	swait.ge [sflag:s30], $0x1000  }
0x229: {  	[sflag:s30] =	ssyncset.done $0x0  }
0x22a: {  	[sflag:s30] =	ssyncadd.s32 $0xFFFFF000  }
0x22b: {  	_ =	swait.ge [sflag:s30], $0x1000  }
0x22c: {  	[sflag:s30] =	ssyncset.done $0x0  }
0x22d: {  	[sflag:s30] =	ssyncadd.s32 $0xFFFFF000  }
0x22e: {  	_ =	swait.ge [sflag:s30], $0x1000  }
0x22f: {  	[sflag:s30] =	ssyncset.done $0x0  }
0x230: {  	[sflag:s30] =	ssyncadd.s32 $0xFFFFF000  }
0x231: {  	[spmem:s28] =	stream.indirect.scatter [tilespmem:s14], [sflag:$0x1], $0x1, s6, s4, $0xb8;
	[tilespmem:$0x1D500] =	vst v63  }
0x232: {  	_ = 	snop  }
0x233: {  	[spmem:s28] =	stream.indirect.scatter [tilespmem:s5], [sflag:$0x1], $0x1, s17, s4, $0xb8;
	[tilespmem:$0x1D500] =	vst v63  }
0x234: {  	_ = 	snop  }
0x235: {  	[spmem:s28] =	stream.indirect.scatter [tilespmem:s15], [sflag:$0x1], $0x1, s18, s4, $0xb8;
	[tilespmem:$0x1D500] =	vst v63  }
0x236: {  	_ =	swait.ge [sflag:s30], $0x1000  }
0x237: {  	[sflag:s30] =	ssyncset.done $0x0  }
0x238: {  	[sflag:s30] =	ssyncadd.s32 $0xFFFFF000  }
0x239: {  	_ =	swait.ge [sflag:s30], $0x1000  }
0x23a: {  	[sflag:s30] =	ssyncset.done $0x0  }
0x23b: {  	[sflag:s30] =	ssyncadd.s32 $0xFFFFF000  }
0x23c: {  	_ =	swait.ge [sflag:s30], $0x1000  }
0x23d: {  	[sflag:s30] =	ssyncset.done $0x0  }
0x23e: {  	[sflag:s30] =	ssyncadd.s32 $0xFFFFF000  }
0x23f: {  	[tilespmem:s20], [sflag:$0x2] =	stream.linear.gather [spmem:s9], $0x3000, $0x38;
	[tilespmem:$0x1D500] =	vst v63  }
0x240: {  	_ =	swait.ge [sflag:s10], $0x3000  }
0x241: {  	[sflag:s10] =	ssyncset.done $0x0  }
0x242: {  	s26 =	rddreg [dreg:$0x1d];
	[sflag:s10] =	ssyncadd.s32 $0xFFFFD000  }
0x243: {  	[hbm4b:s26+s16] =	stream.linear.scatter [tilespmem:s20], [sflag:$0x2], $0x3000, $0x38;
	[tilespmem:$0x1D500] =	vst v63  }
0x244: {  	_ =	swait.ge [sflag:s10], $0x3000  }
0x245: {  	s29 =	sld [smem:$0x7FD];
	_ =	sdelay $0x1  }
0x246: {  	s22 =	sadd.s32 $0x1, s22  }
0x247: {  	p0 =	sne.s32 s22, s29  }
.Ltmp3:
0x248: {  	_ = 	snop;
	(pc) =	sbr.rel @p0 .LBB2_1-.Ltmp3, $3  }
0x249: {  	_ =	sdelay $0x1  }
0x24a: {  	[sflag:s10] =	ssyncset.done $0x0  }
0x24b: {  	s31 =	simm.s32 $0x2580;
	[sflag:s10] =	ssyncadd.s32 $0xFFFFD000  }
0x24c: {  	_ =	sfence.sel $0x180000  }
0x24d: {  	[bflag:$0x0] =	sbarrier.arrive $0xFFFF  }
0x24e: {  	_ =	strace $0x9000004A  }
0x24f: {  	s0 =	stileid.u32;
	[bflag:$0x2] =	sbarrier.arrive $0xFFFF  }
0x250: {  	p0 =	sne.s32 s0, $0x0;
	s0 =	rddreg [dreg:$0x7]  }
0x251: {  	s0 =	sadd.s32 @!p0 $0x100000, s0  }
0x252: {  	[sflag:s0] =	ssyncadd.tile.s32 @!p0 $0x1;
	_ =	shalt  }
.Lfunc_end2:
_tile_overlayer_lowered:
.L_overlay_start_2:
0x253: {  	(tag) =	ssettag $0x2  }
0x254: {  	s0 =	rddreg [dreg:$0x0];
	s2 =	stileid.u32  }
0x255: {  	s1 =	rddreg [dreg:$0x1];
	p0 =	sne.s32 s2, $0x0  }
0x256: {  	s3 =	rddreg [dreg:$0x2];
	[bflag:$0x3] =	sbarrier.arrive $0xFFFF;
	s2 =	simm.s32 @!p0 $0x1C02  }
0x257: {  	[timem:s3], [sflag:s2] =	dma.local @!p0 [hbm:s0], s1  }
0x258: {  	s0 =	simm.s32 @!p0 $0x2  }
0x259: {  	_ =	swait.ge @!p0 [sflag:s0], s1  }
0x25a: {  	s1 =	ssub.s32 @!p0 $0x0, s1;
	[sflag:s0] =	ssyncset.done @!p0 $0x0  }
0x25b: {  	[sflag:s0] =	ssyncadd.s32 @!p0 s1  }
0x25c: {  	[bflag:$0x3] =	sbarrier.arrive $0xFFFF  }
0x25d: {  	_ =	shalt  }

</sc_bundles>
